<compile_context>
chip_gen: v7x
topology: tpu7x:2x2x1
jax: 0.10.2.dev20260603
libtpu: 0.0.44.dev20260713+nightly
codegen_flags: <defaults>
</compile_context>

<pallas_src>
import functools

import jax
import jax.numpy as jnp
from jax import lax
from jax.experimental import pallas as pl
from jax.experimental.pallas import tpu as pltpu
from jax.experimental.pallas import tpu_sc as plsc

N = 10000
NP = 10240
E = 320000
EP = 323584
B = 64
D_IN = 128
LAT = 128
HID = 256
MLP_HID = 512
OUT_DIM = 1275

NC, NS = 2, 16
NT = NP // NS
NH = NP // 2

_R = 256
_GI = NP // _R


def _sc_mesh():
    return plsc.VectorSubcoreMesh(
        core_axis_name="c", subcore_axis_name="s", num_cores=NC, num_subcores=NS
    )


_DEG_ET = EP // NS


@functools.partial(
    pl.kernel,
    out_type=jax.ShapeDtypeStruct((NC * NS, NH), jnp.float32),
    mesh=_sc_mesh(),
    compiler_params=pltpu.CompilerParams(needs_layout_passes=False),
    scratch_types=[
        pltpu.VMEM((_DEG_ET,), jnp.int32),
        pltpu.VMEM((NS * NH,), jnp.float32),
        pltpu.VMEM((NH,), jnp.float32),
    ],
)
def _deg_kernel(dst_hbm, out_hbm, dstbuf, cnt, red):
    c = lax.axis_index("c")
    t = lax.axis_index("s")
    lo = c * NH
    zeros16 = jnp.zeros((16,), jnp.float32)
    ones16 = jnp.ones((16,), jnp.float32)
    lane = lax.iota(jnp.int32, 16)

    def zbody(i, carry):
        cnt[pl.ds(i * 16, 16)] = zeros16
        return carry

    lax.fori_loop(0, NS * NH // 16, zbody, 0)

    pltpu.sync_copy(dst_hbm.at[pl.ds(t * _DEG_ET, _DEG_ET)], dstbuf)

    lane_off = lane * NH

    def body(j, carry):
        idx = dstbuf[pl.ds(j * 16, 16)]
        m = (idx >= lo) & (idx < lo + NH)
        loc = jnp.where(m, idx - lo, 0) + lane_off
        plsc.addupdate_scatter(cnt, [loc], ones16, mask=m)
        return carry

    lax.fori_loop(0, _DEG_ET // 16, body, 0)

    def rbody(i, carry):
        acc = cnt[pl.ds(i * 16, 16)]
        for r in range(1, NS):
            acc = acc + cnt[pl.ds(r * NH + i * 16, 16)]
        red[pl.ds(i * 16, 16)] = acc
        return carry

    lax.fori_loop(0, NH // 16, rbody, 0)

    pltpu.sync_copy(red, out_hbm.at[c * NS + t])


_K = 64
_NBI = 8
_NBR = 5


def _make_conv(epc, f, init_split):
    et = epc // NS
    ch = et // _K

    @functools.partial(
        pl.kernel,
        out_type=jax.ShapeDtypeStruct((NC * NP, f), jnp.float32),
        mesh=_sc_mesh(),
        compiler_params=pltpu.CompilerParams(needs_layout_passes=False),
        scratch_types=[
            pltpu.VMEM((_NBI, 2, 1, _K), jnp.int32),
            pltpu.VMEM((_NBR, _K, f), jnp.float32),
            pltpu.VMEM_SHARED((NP, f), jnp.float32),
            pltpu.SemaphoreType.DMA((_NBI,)),
            pltpu.SemaphoreType.DMA((_NBR,)),
        ],
    )
    def conv(g_hbm, ginit_hbm, idx_hbm, out_hbm,
             iring, rows, acc, isem, gsem):
        c = lax.axis_index("c")
        t = lax.axis_index("s")
        ioff = (c * NP if init_split else 0) + t * NT
        pltpu.sync_copy(ginit_hbm.at[pl.ds(ioff, NT)], acc.at[pl.ds(t * NT, NT)])
        cbase = (c * epc + t * et) // _K

        def issue_i(k):
            b = lax.rem(k, _NBI)
            pltpu.async_copy(idx_hbm.at[cbase + k], iring.at[b], isem.at[b])

        def wait_i(k):
            b = lax.rem(k, _NBI)
            pltpu.make_async_copy(idx_hbm.at[cbase + k], iring.at[b],
                                  isem.at[b]).wait()

        def issue_g(k):
            bi = lax.rem(k, _NBI)
            br = lax.rem(k, _NBR)
            pltpu.async_copy(g_hbm.at[iring.at[bi, 0, 0]], rows.at[br],
                             gsem.at[br])

        def wait_g(k):
            bi = lax.rem(k, _NBI)
            br = lax.rem(k, _NBR)
            pltpu.make_async_copy(g_hbm.at[iring.at[bi, 0, 0]], rows.at[br],
                                  gsem.at[br]).wait()

        def scatter(k):
            bi = lax.rem(k, _NBI)
            br = lax.rem(k, _NBR)
            pltpu.sync_copy(rows.at[br], acc.at[iring.at[bi, 1, 0]], add=True)

        for k in range(_NBI - 1):
            issue_i(k)
        for k in range(4):
            wait_i(k)
            issue_g(k)
        plsc.subcore_barrier()

        def body(m, carry):
            wait_g(m)
            scatter(m)

            @pl.when(m + 4 < ch)
            def _():
                wait_i(m + 4)
                issue_g(m + 4)

            @pl.when(m + _NBI - 1 < ch)
            def _():
                issue_i(m + _NBI - 1)

            return carry

        lax.fori_loop(0, ch, body, 0)
        plsc.subcore_barrier()
        pltpu.sync_copy(acc.at[pl.ds(t * NT, NT)],
                        out_hbm.at[pl.ds(c * NP + t * NT, NT)])

    return conv


_conv1 = _make_conv(EP, D_IN, True)
_conv2 = _make_conv(EP // 2, LAT, True)


def _tc1_body(xb, w1b, dpb, g1b, degb):
    c = pl.program_id(1)
    deg = jnp.sum(dpb[...], axis=0) + 1.0
    dinv = lax.rsqrt(deg)
    h = jnp.dot(xb[...], w1b[...], preferred_element_type=jnp.float32)
    g1b[...] = h * dinv[:, None]

    @pl.when(c == 0)
    def _():
        degb[...] = deg


def _tc1(x_p, w1, deg_parts):
    return pl.pallas_call(
        _tc1_body,
        grid=(_GI, NC),
        in_specs=[
            pl.BlockSpec((_R, D_IN), lambda i, c: (i, 0)),
            pl.BlockSpec((D_IN, LAT), lambda i, c: (0, c)),
            pl.BlockSpec((NS, _R), lambda i, c: (i // 20, i % 20)),
        ],
        out_specs=[
            pl.BlockSpec((_R, LAT), lambda i, c: (c * _GI + i, 0)),
            pl.BlockSpec((_R,), lambda i, c: (i,)),
        ],
        out_shape=[
            jax.ShapeDtypeStruct((NC * NP, LAT), jnp.float32),
            jax.ShapeDtypeStruct((NP,), jnp.float32),
        ],
    )(x_p, w1, deg_parts)


def _tc2_body(aab, abb, degb, b1b, w2b, g2b, g2hb):
    dinv = lax.rsqrt(degb[...])
    a = jnp.concatenate([aab[...], abb[...]], axis=1)
    out1 = jnp.maximum(a * dinv[:, None] + b1b[...][None, :], 0.0)
    h2 = jnp.dot(out1, w2b[...], preferred_element_type=jnp.float32)
    g2 = h2 * dinv[:, None]
    g2b[...] = g2
    g2hb[...] = 0.5 * g2


def _tc2(acc1, deg, b1, w2):
    return pl.pallas_call(
        _tc2_body,
        grid=(_GI,),
        in_specs=[
            pl.BlockSpec((_R, D_IN), lambda i: (i, 0)),
            pl.BlockSpec((_R, D_IN), lambda i: (_GI + i, 0)),
            pl.BlockSpec((_R,), lambda i: (i,)),
            pl.BlockSpec((HID,), lambda i: (0,)),
            pl.BlockSpec((HID, LAT), lambda i: (0, 0)),
        ],
        out_specs=[
            pl.BlockSpec((_R, LAT), lambda i: (i, 0)),
            pl.BlockSpec((_R, LAT), lambda i: (i, 0)),
        ],
        out_shape=[
            jax.ShapeDtypeStruct((NP, LAT), jnp.float32),
            jax.ShapeDtypeStruct((NP, LAT), jnp.float32),
        ],
    )(acc1, acc1, deg, b1, w2)


def _tcf_body(acc2r, degr, b2r, startsr, wd1r, bd1r, wd2r, bd2r, outr, hfin):
    dinv = lax.rsqrt(degr[...])
    a = acc2r[pl.ds(0, NP), :] + acc2r[pl.ds(NP, NP), :]
    hfin[...] = a * dinv[:, None] + b2r[...][None, :]

    neg = jnp.float32(-3.0e38)

    def seg(b, z):
        s0 = startsr[b]
        s1 = startsr[b + 1]
        j0 = s0 // 8
        nb = (s1 - j0 * 8 + 7) // 8

        def blk(j, acc8):
            off = pl.multiple_of((j0 + j) * 8, 8)
            rows = hfin[pl.ds(off, 8), :]
            rid = off + lax.broadcasted_iota(jnp.int32, (8, 1), 0)
            keep = (rid >= s0) & (rid < s1)
            return jnp.maximum(acc8, jnp.where(keep, rows, neg))

        acc8 = lax.fori_loop(0, nb, blk, jnp.full((8, LAT), neg, jnp.float32))
        zrow = jnp.max(acc8, axis=0)
        sel = lax.broadcasted_iota(jnp.int32, (B, 1), 0) == b
        return jnp.where(sel, zrow[None, :], z)

    z = lax.fori_loop(0, B, seg, jnp.full((B, LAT), neg, jnp.float32))
    y = jnp.maximum(
        jnp.dot(z, wd1r[...], preferred_element_type=jnp.float32)
        + bd1r[...][None, :], 0.0)
    o = (jnp.dot(y, wd2r[...], preferred_element_type=jnp.float32)
         + bd2r[...][None, :])
    outr[...] = jax.nn.sigmoid(o)


def _tcf(acc2, deg, b2, starts, wd1, bd1, wd2, bd2):
    return pl.pallas_call(
        _tcf_body,
        in_specs=[
            pl.BlockSpec(memory_space=pltpu.VMEM),
            pl.BlockSpec(memory_space=pltpu.VMEM),
            pl.BlockSpec(memory_space=pltpu.VMEM),
            pl.BlockSpec(memory_space=pltpu.SMEM),
            pl.BlockSpec(memory_space=pltpu.VMEM),
            pl.BlockSpec(memory_space=pltpu.VMEM),
            pl.BlockSpec(memory_space=pltpu.VMEM),
            pl.BlockSpec(memory_space=pltpu.VMEM),
        ],
        out_shape=jax.ShapeDtypeStruct((B, OUT_DIM), jnp.float32),
        scratch_shapes=[pltpu.VMEM((NP, LAT), jnp.float32)],
    )(acc2, deg, b2, starts, wd1, bd1, wd2, bd2)


def kernel(x, edge_index, batch, W1, b1, W2, b2, Wd1, bd1, Wd2, bd2):
    src = edge_index[0]
    dst = edge_index[1]
    pad = EP - E
    src_p = jnp.concatenate([src, jnp.zeros((pad,), jnp.int32)])
    trash = N + jnp.arange(pad, dtype=jnp.int32) % (NP - N)
    dst_p = jnp.concatenate([dst, trash])
    src2 = jnp.concatenate([src_p, src_p + NP])
    dst2 = jnp.concatenate([dst_p, dst_p])
    x_p = jnp.pad(x, ((0, NP - N), (0, 0)))
    starts = jnp.searchsorted(batch, jnp.arange(B + 1, dtype=jnp.int32)
                              ).astype(jnp.int32)

    idx1 = jnp.concatenate([src2.reshape(-1, 1, 1, 64),
                            dst2.reshape(-1, 1, 1, 64)], axis=1)
    idx2 = jnp.concatenate([src_p.reshape(-1, 1, 1, 64),
                            dst_p.reshape(-1, 1, 1, 64)], axis=1)

    deg_parts = _deg_kernel(dst_p)
    g1, deg = _tc1(x_p, W1, deg_parts)
    acc1 = _conv1(g1, g1, idx1)
    g2, g2h = _tc2(acc1, deg, b1, W2)
    ginit2 = jnp.concatenate([g2, jnp.zeros_like(g2)])
    acc2 = _conv2(g2, ginit2, idx2)
    return _tcf(acc2, deg, b2, starts, Wd1, bd1, Wd2, bd2)

# --- scband reference (transcript-rebuilt; emitter-appended) ---
"""Pipeline reference for scband-graph-vae-77867757077115 (READ-ONLY COPY).

The authoritative reference and input builder live on the scoring server;
editing this copy changes nothing except your own understanding.
"""

import jax, jax.numpy as jnp
import numpy as np

N = 10000
E = 320000
D_IN = 128
LAT = 128
HID = 2 * LAT  # VGAE_encoder hidden_channels = out_channels * 2
MLP_HID = 512
NMAX = 50
OUT_DIM = NMAX * (NMAX + 1) // 2
B = 64


def _xavier(key, fan_in, fan_out):
    gain = float(np.sqrt(2.0))  # calculate_gain('relu')
    a = gain * float(np.sqrt(6.0 / (fan_in + fan_out)))
    return jax.random.uniform(key, (fan_in, fan_out), dtype=jnp.float32, minval=-a, maxval=a)


def setup_inputs(seed: int = 0) -> dict:
    key = jax.random.key(seed)
    ks = jax.random.split(key, 12)
    x = jax.random.normal(ks[0], (N, D_IN), dtype=jnp.float32)
    edge_index = jax.random.randint(ks[1], (2, E), 0, N, dtype=jnp.int32)
    batch = jnp.sort(jax.random.randint(ks[2], (N,), 0, B, dtype=jnp.int32))
    W1 = _xavier(ks[3], D_IN, HID)
    b1 = jnp.zeros((HID,), dtype=jnp.float32)
    W2 = _xavier(ks[4], HID, LAT)
    b2 = jnp.zeros((LAT,), dtype=jnp.float32)
    Wd1 = _xavier(ks[5], LAT, MLP_HID)
    bd1 = jnp.zeros((MLP_HID,), dtype=jnp.float32)
    Wd2 = _xavier(ks[6], MLP_HID, OUT_DIM)
    bd2 = jnp.zeros((OUT_DIM,), dtype=jnp.float32)
    return {"x": x, "edge_index": edge_index, "batch": batch,
            "W1": W1, "b1": b1, "W2": W2, "b2": b2,
            "Wd1": Wd1, "bd1": bd1, "Wd2": Wd2, "bd2": bd2}


def _gcn_conv(x, edge_index, W, b):
    # PyG GCNConv: add self-loops, symmetric normalization D^-1/2 (A+I) D^-1/2 (X W) + b
    loop = jnp.arange(N, dtype=edge_index.dtype)
    src = jnp.concatenate([edge_index[0], loop])
    dst = jnp.concatenate([edge_index[1], loop])
    deg = jax.ops.segment_sum(jnp.ones(src.shape[0], dtype=x.dtype), dst, num_segments=N)
    dinv = jnp.where(deg > 0, deg ** -0.5, 0.0)
    norm = dinv[src] * dinv[dst]
    h = x @ W
    msg = h[src] * norm[:, None]
    out = jax.ops.segment_sum(msg, dst, num_segments=N) + b
    return out


def reference(x, edge_index, batch, W1, b1, W2, b2, Wd1, bd1, Wd2, bd2):
    # VGAE_encoder
    h = jax.nn.relu(_gcn_conv(x, edge_index, W1, b1))
    h = _gcn_conv(h, edge_index, W2, b2)
    # global_max_pool over graph ids
    z = jax.ops.segment_max(h, batch, num_segments=B)
    # MLP_VAE_plain decoder
    y = jax.nn.relu(z @ Wd1 + bd1)
    out = jax.nn.sigmoid(y @ Wd2 + bd2)
    return out

if __name__ == "__main__":
    import jax
    _d = setup_inputs()
    print(jax.jit(kernel)(*tuple(_d.values())))

</pallas_src>

<mosaic_0001>
#map = affine_map<(d0, d1) -> (0)>
#map1 = affine_map<(d0, d1) -> (0, 0)>
module attributes {stable_mosaic.version = 14 : i64} {
  func.func @_deg_kernel(%arg0: i32, %arg1: i32, %arg2: memref<323584xi32, #tpu.memory_space<hbm>>, %arg3: memref<32x5120xf32, #tpu.memory_space<hbm>>, %arg4: memref<20224xi32, #tpu.memory_space<vmem>>, %arg5: memref<81920xf32, #tpu.memory_space<vmem>>, %arg6: memref<5120xf32, #tpu.memory_space<vmem>>) attributes {dimension_semantics = [#tpu.dimension_semantics<core_parallel>, #tpu.dimension_semantics<subcore_parallel>], iteration_bounds = array<i64: 2, 16>, scalar_prefetch = 0 : i64, scratch_operands = 3 : i64, tpu.core_type = #tpu.core_type<sc_vector_subcore>, window_params = [{transform_indices = #map}, {transform_indices = #map1}]} {
    %mul3A = arith.constant 5120 : i32
    %mul3A_0 = arith.muli %arg0, %mul3A : i32
    %broadcast_in_dim3A = arith.constant 0.000000e+00 : f32
    %broadcast_in_dim3A_1 = vector.broadcast %broadcast_in_dim3A : f32 to vector<16xf32>
    %broadcast_in_dim3A_2 = arith.constant 1.000000e+00 : f32
    %broadcast_in_dim3A_3 = vector.broadcast %broadcast_in_dim3A_2 : f32 to vector<16xf32>
    %iota3A = tpu.iota {dimensions = array<i32: 0>} : vector<16xi32>
    %scan3A = arith.constant 0 : i32
    %scan3A_4 = arith.constant 0 : i32
    %scan3A_5 = arith.constant 5120 : i32
    %scan3A_6 = arith.addi %scan3A_4, %scan3A_5 : i32
    %scan3A_7 = arith.constant 1 : i32
    scf.for %scan3A_28 = %scan3A_4 to %scan3A_6 step %scan3A_7  : i32 {
      %mul3A_29 = arith.constant 16 : i32
      %mul3A_30 = arith.muli %scan3A_28, %mul3A_29 : i32
      %swap3A = arith.index_cast %mul3A_30 : i32 to index
      %swap3A_31 = tpu.vector_load %arg5[%swap3A] {strides = array<i32>} : memref<81920xf32, #tpu.memory_space<vmem>>, vector<16xf32>,
      tpu.vector_store %arg5[%swap3A], %broadcast_in_dim3A_1 {strides = array<i32>} : memref<81920xf32, #tpu.memory_space<vmem>>, vector<16xf32>,
    }
    %scan3A_8 = arith.constant 5120 : i32
    %mul3A_9 = arith.constant 20224 : i32
    %mul3A_10 = arith.muli %arg1, %mul3A_9 : i32
    "tpu.region"() ({
      %run_scoped3A = tpu.sem_alloc : memref<!tpu.dma_semaphore, #tpu.memory_space<semaphore_mem>>
      %dma_start3A = tpu.memref_slice %arg2[%mul3A_10] : memref<323584xi32, #tpu.memory_space<hbm>> -> memref<20224xi32, #tpu.memory_space<hbm>>
      %dma_start3A_28 = tpu.memref_slice %arg2[%mul3A_10] : memref<323584xi32, #tpu.memory_space<hbm>> -> memref<20224xi32, #tpu.memory_space<hbm>>
      tpu.enqueue_dma source(%dma_start3A_28 : memref<20224xi32, #tpu.memory_space<hbm>>) target(%arg4 : memref<20224xi32, #tpu.memory_space<vmem>>) target_semaphore(%run_scoped3A : memref<!tpu.dma_semaphore, #tpu.memory_space<semaphore_mem>>)
      %dma_wait3A = tpu.memref_slice %arg2[%mul3A_10] : memref<323584xi32, #tpu.memory_space<hbm>> -> memref<20224xi32, #tpu.memory_space<hbm>>
      %dma_wait3A_29 = tpu.memref_slice %arg2[%mul3A_10] : memref<323584xi32, #tpu.memory_space<hbm>> -> memref<20224xi32, #tpu.memory_space<hbm>>
      tpu.wait_dma2 semaphore(%run_scoped3A : memref<!tpu.dma_semaphore, #tpu.memory_space<semaphore_mem>>) src(%dma_wait3A_29 : memref<20224xi32, #tpu.memory_space<hbm>>) dst(%arg4 : memref<20224xi32, #tpu.memory_space<vmem>>)
      tpu.yield
    }) : () -> ()
    %mul3A_11 = arith.constant 5120 : i32
    %mul3A_12 = vector.broadcast %mul3A_11 : i32 to vector<16xi32>
    %mul3A_13 = arith.muli %iota3A, %mul3A_12 : vector<16xi32>
    %scan3A_14 = arith.constant 0 : i32
    %scan3A_15 = arith.constant 0 : i32
    %scan3A_16 = arith.constant 1264 : i32
    %scan3A_17 = arith.addi %scan3A_15, %scan3A_16 : i32
    %scan3A_18 = arith.constant 1 : i32
    scf.for %scan3A_28 = %scan3A_15 to %scan3A_17 step %scan3A_18  : i32 {
      %mul3A_29 = arith.constant 16 : i32
      %mul3A_30 = arith.muli %scan3A_28, %mul3A_29 : i32
      %get3A = arith.index_cast %mul3A_30 : i32 to index
      %get3A_31 = tpu.vector_load %arg4[%get3A] {strides = array<i32>} : memref<20224xi32, #tpu.memory_space<vmem>>, vector<16xi32>,
      %ge3A = vector.broadcast %mul3A_0 : i32 to vector<16xi32>
      %ge3A_32 = arith.cmpi sge, %get3A_31, %ge3A : vector<16xi32>
      %add3A_33 = arith.constant 5120 : i32
      %add3A_34 = arith.addi %mul3A_0, %add3A_33 : i32
      %lt3A = vector.broadcast %add3A_34 : i32 to vector<16xi32>
      %lt3A_35 = arith.cmpi slt, %get3A_31, %lt3A : vector<16xi32>
      %and3A = arith.andi %ge3A_32, %lt3A_35 : vector<16xi1>
      %sub3A = vector.broadcast %mul3A_0 : i32 to vector<16xi32>
      %sub3A_36 = arith.subi %get3A_31, %sub3A : vector<16xi32>
      %jit3A = arith.constant 0 : i32
      %broadcast_in_dim3A_37 = vector.broadcast %jit3A : i32 to vector<16xi32>
      %select_n3A = arith.select %and3A, %sub3A_36, %broadcast_in_dim3A_37 : vector<16xi1>, vector<16xi32>
      %add3A_38 = arith.addi %select_n3A, %mul3A_13 : vector<16xi32>
      tpu.vector_store_idx %arg5[%add3A_38], %broadcast_in_dim3A_3 masked %and3A {add = true} : memref<81920xf32, #tpu.memory_space<vmem>>[vector<16xi32>], vector<16xf32>, vector<16xi1>
    }
    %scan3A_19 = arith.constant 1264 : i32
    %scan3A_20 = arith.constant 0 : i32
    %scan3A_21 = arith.constant 0 : i32
    %scan3A_22 = arith.constant 320 : i32
    %scan3A_23 = arith.addi %scan3A_21, %scan3A_22 : i32
    %scan3A_24 = arith.constant 1 : i32
    scf.for %scan3A_28 = %scan3A_21 to %scan3A_23 step %scan3A_24  : i32 {
      %mul3A_29 = arith.constant 16 : i32
      %mul3A_30 = arith.muli %scan3A_28, %mul3A_29 : i32
      %get3A = arith.index_cast %mul3A_30 : i32 to index
      %get3A_31 = tpu.vector_load %arg5[%get3A] {strides = array<i32>} : memref<81920xf32, #tpu.memory_space<vmem>>, vector<16xf32>,
      %mul3A_32 = arith.constant 16 : i32
      %mul3A_33 = arith.muli %scan3A_28, %mul3A_32 : i32
      %add3A_34 = arith.constant 5120 : i32
      %add3A_35 = arith.addi %add3A_34, %mul3A_33 : i32
      %get3A_36 = arith.index_cast %add3A_35 : i32 to index
      %get3A_37 = tpu.vector_load %arg5[%get3A_36] {strides = array<i32>} : memref<81920xf32, #tpu.memory_space<vmem>>, vector<16xf32>,
      %add3A_38 = arith.addf %get3A_31, %get3A_37 : vector<16xf32>
      %mul3A_39 = arith.constant 16 : i32
      %mul3A_40 = arith.muli %scan3A_28, %mul3A_39 : i32
      %add3A_41 = arith.constant 10240 : i32
      %add3A_42 = arith.addi %add3A_41, %mul3A_40 : i32
      %get3A_43 = arith.index_cast %add3A_42 : i32 to index
      %get3A_44 = tpu.vector_load %arg5[%get3A_43] {strides = array<i32>} : memref<81920xf32, #tpu.memory_space<vmem>>, vector<16xf32>,
      %add3A_45 = arith.addf %add3A_38, %get3A_44 : vector<16xf32>
      %mul3A_46 = arith.constant 16 : i32
      %mul3A_47 = arith.muli %scan3A_28, %mul3A_46 : i32
      %add3A_48 = arith.constant 15360 : i32
      %add3A_49 = arith.addi %add3A_48, %mul3A_47 : i32
      %get3A_50 = arith.index_cast %add3A_49 : i32 to index
      %get3A_51 = tpu.vector_load %arg5[%get3A_50] {strides = array<i32>} : memref<81920xf32, #tpu.memory_space<vmem>>, vector<16xf32>,
      %add3A_52 = arith.addf %add3A_45, %get3A_51 : vector<16xf32>
      %mul3A_53 = arith.constant 16 : i32
      %mul3A_54 = arith.muli %scan3A_28, %mul3A_53 : i32
      %add3A_55 = arith.constant 20480 : i32
      %add3A_56 = arith.addi %add3A_55, %mul3A_54 : i32
      %get3A_57 = arith.index_cast %add3A_56 : i32 to index
      %get3A_58 = tpu.vector_load %arg5[%get3A_57] {strides = array<i32>} : memref<81920xf32, #tpu.memory_space<vmem>>, vector<16xf32>,
      %add3A_59 = arith.addf %add3A_52, %get3A_58 : vector<16xf32>
      %mul3A_60 = arith.constant 16 : i32
      %mul3A_61 = arith.muli %scan3A_28, %mul3A_60 : i32
      %add3A_62 = arith.constant 25600 : i32
      %add3A_63 = arith.addi %add3A_62, %mul3A_61 : i32
      %get3A_64 = arith.index_cast %add3A_63 : i32 to index
      %get3A_65 = tpu.vector_load %arg5[%get3A_64] {strides = array<i32>} : memref<81920xf32, #tpu.memory_space<vmem>>, vector<16xf32>,
      %add3A_66 = arith.addf %add3A_59, %get3A_65 : vector<16xf32>
      %mul3A_67 = arith.constant 16 : i32
      %mul3A_68 = arith.muli %scan3A_28, %mul3A_67 : i32
      %add3A_69 = arith.constant 30720 : i32
      %add3A_70 = arith.addi %add3A_69, %mul3A_68 : i32
      %get3A_71 = arith.index_cast %add3A_70 : i32 to index
      %get3A_72 = tpu.vector_load %arg5[%get3A_71] {strides = array<i32>} : memref<81920xf32, #tpu.memory_space<vmem>>, vector<16xf32>,
      %add3A_73 = arith.addf %add3A_66, %get3A_72 : vector<16xf32>
      %mul3A_74 = arith.constant 16 : i32
      %mul3A_75 = arith.muli %scan3A_28, %mul3A_74 : i32
      %add3A_76 = arith.constant 35840 : i32
      %add3A_77 = arith.addi %add3A_76, %mul3A_75 : i32
      %get3A_78 = arith.index_cast %add3A_77 : i32 to index
      %get3A_79 = tpu.vector_load %arg5[%get3A_78] {strides = array<i32>} : memref<81920xf32, #tpu.memory_space<vmem>>, vector<16xf32>,
      %add3A_80 = arith.addf %add3A_73, %get3A_79 : vector<16xf32>
      %mul3A_81 = arith.constant 16 : i32
      %mul3A_82 = arith.muli %scan3A_28, %mul3A_81 : i32
      %add3A_83 = arith.constant 40960 : i32
      %add3A_84 = arith.addi %add3A_83, %mul3A_82 : i32
      %get3A_85 = arith.index_cast %add3A_84 : i32 to index
      %get3A_86 = tpu.vector_load %arg5[%get3A_85] {strides = array<i32>} : memref<81920xf32, #tpu.memory_space<vmem>>, vector<16xf32>,
      %add3A_87 = arith.addf %add3A_80, %get3A_86 : vector<16xf32>
      %mul3A_88 = arith.constant 16 : i32
      %mul3A_89 = arith.muli %scan3A_28, %mul3A_88 : i32
      %add3A_90 = arith.constant 46080 : i32
      %add3A_91 = arith.addi %add3A_90, %mul3A_89 : i32
      %get3A_92 = arith.index_cast %add3A_91 : i32 to index
      %get3A_93 = tpu.vector_load %arg5[%get3A_92] {strides = array<i32>} : memref<81920xf32, #tpu.memory_space<vmem>>, vector<16xf32>,
      %add3A_94 = arith.addf %add3A_87, %get3A_93 : vector<16xf32>
      %mul3A_95 = arith.constant 16 : i32
      %mul3A_96 = arith.muli %scan3A_28, %mul3A_95 : i32
      %add3A_97 = arith.constant 51200 : i32
      %add3A_98 = arith.addi %add3A_97, %mul3A_96 : i32
      %get3A_99 = arith.index_cast %add3A_98 : i32 to index
      %get3A_100 = tpu.vector_load %arg5[%get3A_99] {strides = array<i32>} : memref<81920xf32, #tpu.memory_space<vmem>>, vector<16xf32>,
      %add3A_101 = arith.addf %add3A_94, %get3A_100 : vector<16xf32>
      %mul3A_102 = arith.constant 16 : i32
      %mul3A_103 = arith.muli %scan3A_28, %mul3A_102 : i32
      %add3A_104 = arith.constant 56320 : i32
      %add3A_105 = arith.addi %add3A_104, %mul3A_103 : i32
      %get3A_106 = arith.index_cast %add3A_105 : i32 to index
      %get3A_107 = tpu.vector_load %arg5[%get3A_106] {strides = array<i32>} : memref<81920xf32, #tpu.memory_space<vmem>>, vector<16xf32>,
      %add3A_108 = arith.addf %add3A_101, %get3A_107 : vector<16xf32>
      %mul3A_109 = arith.constant 16 : i32
      %mul3A_110 = arith.muli %scan3A_28, %mul3A_109 : i32
      %add3A_111 = arith.constant 61440 : i32
      %add3A_112 = arith.addi %add3A_111, %mul3A_110 : i32
      %get3A_113 = arith.index_cast %add3A_112 : i32 to index
      %get3A_114 = tpu.vector_load %arg5[%get3A_113] {strides = array<i32>} : memref<81920xf32, #tpu.memory_space<vmem>>, vector<16xf32>,
      %add3A_115 = arith.addf %add3A_108, %get3A_114 : vector<16xf32>
      %mul3A_116 = arith.constant 16 : i32
      %mul3A_117 = arith.muli %scan3A_28, %mul3A_116 : i32
      %add3A_118 = arith.constant 66560 : i32
      %add3A_119 = arith.addi %add3A_118, %mul3A_117 : i32
      %get3A_120 = arith.index_cast %add3A_119 : i32 to index
      %get3A_121 = tpu.vector_load %arg5[%get3A_120] {strides = array<i32>} : memref<81920xf32, #tpu.memory_space<vmem>>, vector<16xf32>,
      %add3A_122 = arith.addf %add3A_115, %get3A_121 : vector<16xf32>
      %mul3A_123 = arith.constant 16 : i32
      %mul3A_124 = arith.muli %scan3A_28, %mul3A_123 : i32
      %add3A_125 = arith.constant 71680 : i32
      %add3A_126 = arith.addi %add3A_125, %mul3A_124 : i32
      %get3A_127 = arith.index_cast %add3A_126 : i32 to index
      %get3A_128 = tpu.vector_load %arg5[%get3A_127] {strides = array<i32>} : memref<81920xf32, #tpu.memory_space<vmem>>, vector<16xf32>,
      %add3A_129 = arith.addf %add3A_122, %get3A_128 : vector<16xf32>
      %mul3A_130 = arith.constant 16 : i32
      %mul3A_131 = arith.muli %scan3A_28, %mul3A_130 : i32
      %add3A_132 = arith.constant 76800 : i32
      %add3A_133 = arith.addi %add3A_132, %mul3A_131 : i32
      %get3A_134 = arith.index_cast %add3A_133 : i32 to index
      %get3A_135 = tpu.vector_load %arg5[%get3A_134] {strides = array<i32>} : memref<81920xf32, #tpu.memory_space<vmem>>, vector<16xf32>,
      %add3A_136 = arith.addf %add3A_129, %get3A_135 : vector<16xf32>
      %mul3A_137 = arith.constant 16 : i32
      %mul3A_138 = arith.muli %scan3A_28, %mul3A_137 : i32
      %swap3A = arith.index_cast %mul3A_138 : i32 to index
      %swap3A_139 = tpu.vector_load %arg6[%swap3A] {strides = array<i32>} : memref<5120xf32, #tpu.memory_space<vmem>>, vector<16xf32>,
      tpu.vector_store %arg6[%swap3A], %add3A_136 {strides = array<i32>} : memref<5120xf32, #tpu.memory_space<vmem>>, vector<16xf32>,
    }
    %scan3A_25 = arith.constant 320 : i32
    %mul3A_26 = arith.constant 16 : i32
    %mul3A_27 = arith.muli %arg0, %mul3A_26 : i32
    %add3A = arith.addi %mul3A_27, %arg1 : i32
    "tpu.region"() ({
      %run_scoped3A = tpu.sem_alloc : memref<!tpu.dma_semaphore, #tpu.memory_space<semaphore_mem>>
      %dma_start3A = arith.constant 0 : i32
      %dma_start3A_28 = tpu.memref_slice %arg3[%add3A, %dma_start3A] : memref<32x5120xf32, #tpu.memory_space<hbm>> -> memref<1x5120xf32, #tpu.memory_space<hbm>>
      %dma_start3A_29 = tpu.memref_squeeze %dma_start3A_28 : memref<1x5120xf32, #tpu.memory_space<hbm>> -> memref<5120xf32, #tpu.memory_space<hbm>>
      %dma_start3A_30 = arith.constant 0 : i32
      %dma_start3A_31 = tpu.memref_slice %arg3[%add3A, %dma_start3A_30] : memref<32x5120xf32, #tpu.memory_space<hbm>> -> memref<1x5120xf32, #tpu.memory_space<hbm>>
      %dma_start3A_32 = tpu.memref_squeeze %dma_start3A_31 : memref<1x5120xf32, #tpu.memory_space<hbm>> -> memref<5120xf32, #tpu.memory_space<hbm>>
      tpu.enqueue_dma source(%arg6 : memref<5120xf32, #tpu.memory_space<vmem>>) target(%dma_start3A_32 : memref<5120xf32, #tpu.memory_space<hbm>>) target_semaphore(%run_scoped3A : memref<!tpu.dma_semaphore, #tpu.memory_space<semaphore_mem>>)
      %dma_wait3A = arith.constant 0 : i32
      %dma_wait3A_33 = tpu.memref_slice %arg3[%add3A, %dma_wait3A] : memref<32x5120xf32, #tpu.memory_space<hbm>> -> memref<1x5120xf32, #tpu.memory_space<hbm>>
      %dma_wait3A_34 = tpu.memref_squeeze %dma_wait3A_33 : memref<1x5120xf32, #tpu.memory_space<hbm>> -> memref<5120xf32, #tpu.memory_space<hbm>>
      %dma_wait3A_35 = arith.constant 0 : i32
      %dma_wait3A_36 = tpu.memref_slice %arg3[%add3A, %dma_wait3A_35] : memref<32x5120xf32, #tpu.memory_space<hbm>> -> memref<1x5120xf32, #tpu.memory_space<hbm>>
      %dma_wait3A_37 = tpu.memref_squeeze %dma_wait3A_36 : memref<1x5120xf32, #tpu.memory_space<hbm>> -> memref<5120xf32, #tpu.memory_space<hbm>>
      tpu.wait_dma2 semaphore(%run_scoped3A : memref<!tpu.dma_semaphore, #tpu.memory_space<semaphore_mem>>) src(%arg6 : memref<5120xf32, #tpu.memory_space<vmem>>) dst(%dma_wait3A_37 : memref<5120xf32, #tpu.memory_space<hbm>>)
      tpu.yield
    }) : () -> ()
    return
  }
}

#map = affine_map<(d0, d1) -> (0, 0)>
#map1 = affine_map<(d0, d1) -> (0, 0, 0, 0)>
module attributes {stable_mosaic.version = 14 : i64} {
  func.func @conv(%arg0: i32, %arg1: i32, %arg2: memref<20480x128xf32, #tpu.memory_space<hbm>>, %arg3: memref<20480x128xf32, #tpu.memory_space<hbm>>, %arg4: memref<10112x2x1x64xi32, #tpu.memory_space<hbm>>, %arg5: memref<20480x128xf32, #tpu.memory_space<hbm>>, %arg6: memref<8x2x1x64xi32, #tpu.memory_space<vmem>>, %arg7: memref<5x64x128xf32, #tpu.memory_space<vmem>>, %arg8: memref<10240x128xf32, #tpu.memory_space<vmem_shared>>, %arg9: memref<8x!tpu.dma_semaphore, #tpu.memory_space<semaphore_mem>>, %arg10: memref<5x!tpu.dma_semaphore, #tpu.memory_space<semaphore_mem>>) attributes {dimension_semantics = [#tpu.dimension_semantics<core_parallel>, #tpu.dimension_semantics<subcore_parallel>], iteration_bounds = array<i64: 2, 16>, scalar_prefetch = 0 : i64, scratch_operands = 5 : i64, tpu.core_type = #tpu.core_type<sc_vector_subcore>, window_params = [{transform_indices = #map}, {transform_indices = #map}, {transform_indices = #map1}, {transform_indices = #map}]} {
    %mul3A = arith.constant 10240 : i32
    %mul3A_0 = arith.muli %arg0, %mul3A : i32
    %mul3A_1 = arith.constant 640 : i32
    %mul3A_2 = arith.muli %arg1, %mul3A_1 : i32
    %add3A = arith.addi %mul3A_0, %mul3A_2 : i32
    %mul3A_3 = arith.constant 640 : i32
    %mul3A_4 = arith.muli %arg1, %mul3A_3 : i32
    "tpu.region"() ({
      %run_scoped3A = tpu.sem_alloc : memref<!tpu.dma_semaphore, #tpu.memory_space<semaphore_mem>>
      %dma_start3A_414 = arith.constant 0 : i32
      %dma_start3A_415 = tpu.memref_slice %arg8[%mul3A_4, %dma_start3A_414] : memref<10240x128xf32, #tpu.memory_space<vmem_shared>> -> memref<640x128xf32, #tpu.memory_space<vmem_shared>>
      %dma_start3A_416 = arith.constant 0 : i32
      %dma_start3A_417 = tpu.memref_slice %arg3[%add3A, %dma_start3A_416] : memref<20480x128xf32, #tpu.memory_space<hbm>> -> memref<640x128xf32, #tpu.memory_space<hbm>>
      tpu.enqueue_dma source(%dma_start3A_417 : memref<640x128xf32, #tpu.memory_space<hbm>>) target(%dma_start3A_415 : memref<640x128xf32, #tpu.memory_space<vmem_shared>>) target_semaphore(%run_scoped3A : memref<!tpu.dma_semaphore, #tpu.memory_space<semaphore_mem>>)
      %dma_wait3A_418 = arith.constant 0 : i32
      %dma_wait3A_419 = tpu.memref_slice %arg8[%mul3A_4, %dma_wait3A_418] : memref<10240x128xf32, #tpu.memory_space<vmem_shared>> -> memref<640x128xf32, #tpu.memory_space<vmem_shared>>
      %dma_wait3A_420 = arith.constant 0 : i32
      %dma_wait3A_421 = tpu.memref_slice %arg3[%add3A, %dma_wait3A_420] : memref<20480x128xf32, #tpu.memory_space<hbm>> -> memref<640x128xf32, #tpu.memory_space<hbm>>
      tpu.wait_dma2 semaphore(%run_scoped3A : memref<!tpu.dma_semaphore, #tpu.memory_space<semaphore_mem>>) src(%dma_wait3A_421 : memref<640x128xf32, #tpu.memory_space<hbm>>) dst(%dma_wait3A_419 : memref<640x128xf32, #tpu.memory_space<vmem_shared>>)
      tpu.yield
    }) : () -> ()
    %mul3A_5 = arith.constant 323584 : i32
    %mul3A_6 = arith.muli %arg0, %mul3A_5 : i32
    %mul3A_7 = arith.constant 20224 : i32
    %mul3A_8 = arith.muli %arg1, %mul3A_7 : i32
    %add3A_9 = arith.addi %mul3A_6, %mul3A_8 : i32
    %jit3A = arith.constant 64 : i32
    %div3A = arith.divsi %add3A_9, %jit3A : i32
    %sign3A = arith.constant 0 : i32
    %sign3A_10 = arith.cmpi sgt, %add3A_9, %sign3A : i32
    %sign3A_11 = arith.extui %sign3A_10 : i1 to i32
    %sign3A_12 = arith.constant 0 : i32
    %sign3A_13 = arith.cmpi slt, %add3A_9, %sign3A_12 : i32
    %sign3A_14 = arith.extui %sign3A_13 : i1 to i32
    %sign3A_15 = arith.subi %sign3A_11, %sign3A_14 : i32
    %sign3A_16 = arith.constant 0 : i32
    %sign3A_17 = arith.cmpi sgt, %jit3A, %sign3A_16 : i32
    %sign3A_18 = arith.extui %sign3A_17 : i1 to i32
    %sign3A_19 = arith.constant 0 : i32
    %sign3A_20 = arith.cmpi slt, %jit3A, %sign3A_19 : i32
    %sign3A_21 = arith.extui %sign3A_20 : i1 to i32
    %sign3A_22 = arith.subi %sign3A_18, %sign3A_21 : i32
    %ne3A = arith.cmpi ne, %sign3A_15, %sign3A_22 : i32
    %rem3A = arith.remsi %add3A_9, %jit3A : i32
    %ne3A_23 = arith.constant 0 : i32
    %ne3A_24 = arith.cmpi ne, %rem3A, %ne3A_23 : i32
    %and3A = arith.andi %ne3A, %ne3A_24 : i1
    %sub3A = arith.constant 1 : i32
    %sub3A_25 = arith.subi %div3A, %sub3A : i32
    %select_n3A = arith.select %and3A, %sub3A_25, %div3A : i32
    %rem3A_26 = arith.constant 0 : i32
    %rem3A_27 = arith.constant 8 : i32
    %rem3A_28 = arith.remsi %rem3A_26, %rem3A_27 : i32
    %add3A_29 = arith.constant 0 : i32
    %add3A_30 = arith.addi %select_n3A, %add3A_29 : i32
    %dma_start3A = arith.constant 0 : i32
    %dma_start3A_31 = arith.constant 0 : i32
    %dma_start3A_32 = arith.constant 0 : i32
    %dma_start3A_33 = tpu.memref_slice %arg6[%rem3A_28, %dma_start3A, %dma_start3A_31, %dma_start3A_32] : memref<8x2x1x64xi32, #tpu.memory_space<vmem>> -> memref<1x2x1x64xi32, #tpu.memory_space<vmem>>
    %dma_start3A_34 = tpu.memref_squeeze %dma_start3A_33 : memref<1x2x1x64xi32, #tpu.memory_space<vmem>> -> memref<2x1x64xi32, #tpu.memory_space<vmem>>
    %dma_start3A_35 = arith.constant 0 : i32
    %dma_start3A_36 = arith.constant 0 : i32
    %dma_start3A_37 = arith.constant 0 : i32
    %dma_start3A_38 = tpu.memref_slice %arg4[%add3A_30, %dma_start3A_35, %dma_start3A_36, %dma_start3A_37] : memref<10112x2x1x64xi32, #tpu.memory_space<hbm>> -> memref<1x2x1x64xi32, #tpu.memory_space<hbm>>
    %dma_start3A_39 = tpu.memref_squeeze %dma_start3A_38 : memref<1x2x1x64xi32, #tpu.memory_space<hbm>> -> memref<2x1x64xi32, #tpu.memory_space<hbm>>
    %dma_start3A_40 = tpu.memref_slice %arg9[%rem3A_28] : memref<8x!tpu.dma_semaphore, #tpu.memory_space<semaphore_mem>> -> memref<1x!tpu.dma_semaphore, #tpu.memory_space<semaphore_mem>>
    %dma_start3A_41 = tpu.memref_squeeze %dma_start3A_40 : memref<1x!tpu.dma_semaphore, #tpu.memory_space<semaphore_mem>> -> memref<!tpu.dma_semaphore, #tpu.memory_space<semaphore_mem>>
    %dma_start3A_42 = arith.constant 0 : i32
    %dma_start3A_43 = arith.constant 0 : i32
    %dma_start3A_44 = arith.constant 0 : i32
    %dma_start3A_45 = tpu.memref_slice %arg6[%rem3A_28, %dma_start3A_42, %dma_start3A_43, %dma_start3A_44] : memref<8x2x1x64xi32, #tpu.memory_space<vmem>> -> memref<1x2x1x64xi32, #tpu.memory_space<vmem>>
    %dma_start3A_46 = tpu.memref_squeeze %dma_start3A_45 : memref<1x2x1x64xi32, #tpu.memory_space<vmem>> -> memref<2x1x64xi32, #tpu.memory_space<vmem>>
    %dma_start3A_47 = arith.constant 0 : i32
    %dma_start3A_48 = arith.constant 0 : i32
    %dma_start3A_49 = arith.constant 0 : i32
    %dma_start3A_50 = tpu.memref_slice %arg4[%add3A_30, %dma_start3A_47, %dma_start3A_48, %dma_start3A_49] : memref<10112x2x1x64xi32, #tpu.memory_space<hbm>> -> memref<1x2x1x64xi32, #tpu.memory_space<hbm>>
    %dma_start3A_51 = tpu.memref_squeeze %dma_start3A_50 : memref<1x2x1x64xi32, #tpu.memory_space<hbm>> -> memref<2x1x64xi32, #tpu.memory_space<hbm>>
    tpu.enqueue_dma source(%dma_start3A_51 : memref<2x1x64xi32, #tpu.memory_space<hbm>>) target(%dma_start3A_46 : memref<2x1x64xi32, #tpu.memory_space<vmem>>) target_semaphore(%dma_start3A_41 : memref<!tpu.dma_semaphore, #tpu.memory_space<semaphore_mem>>)
    %rem3A_52 = arith.constant 1 : i32
    %rem3A_53 = arith.constant 8 : i32
    %rem3A_54 = arith.remsi %rem3A_52, %rem3A_53 : i32
    %add3A_55 = arith.constant 1 : i32
    %add3A_56 = arith.addi %select_n3A, %add3A_55 : i32
    %dma_start3A_57 = arith.constant 0 : i32
    %dma_start3A_58 = arith.constant 0 : i32
    %dma_start3A_59 = arith.constant 0 : i32
    %dma_start3A_60 = tpu.memref_slice %arg6[%rem3A_54, %dma_start3A_57, %dma_start3A_58, %dma_start3A_59] : memref<8x2x1x64xi32, #tpu.memory_space<vmem>> -> memref<1x2x1x64xi32, #tpu.memory_space<vmem>>
    %dma_start3A_61 = tpu.memref_squeeze %dma_start3A_60 : memref<1x2x1x64xi32, #tpu.memory_space<vmem>> -> memref<2x1x64xi32, #tpu.memory_space<vmem>>
    %dma_start3A_62 = arith.constant 0 : i32
    %dma_start3A_63 = arith.constant 0 : i32
    %dma_start3A_64 = arith.constant 0 : i32
    %dma_start3A_65 = tpu.memref_slice %arg4[%add3A_56, %dma_start3A_62, %dma_start3A_63, %dma_start3A_64] : memref<10112x2x1x64xi32, #tpu.memory_space<hbm>> -> memref<1x2x1x64xi32, #tpu.memory_space<hbm>>
    %dma_start3A_66 = tpu.memref_squeeze %dma_start3A_65 : memref<1x2x1x64xi32, #tpu.memory_space<hbm>> -> memref<2x1x64xi32, #tpu.memory_space<hbm>>
    %dma_start3A_67 = tpu.memref_slice %arg9[%rem3A_54] : memref<8x!tpu.dma_semaphore, #tpu.memory_space<semaphore_mem>> -> memref<1x!tpu.dma_semaphore, #tpu.memory_space<semaphore_mem>>
    %dma_start3A_68 = tpu.memref_squeeze %dma_start3A_67 : memref<1x!tpu.dma_semaphore, #tpu.memory_space<semaphore_mem>> -> memref<!tpu.dma_semaphore, #tpu.memory_space<semaphore_mem>>
    %dma_start3A_69 = arith.constant 0 : i32
    %dma_start3A_70 = arith.constant 0 : i32
    %dma_start3A_71 = arith.constant 0 : i32
    %dma_start3A_72 = tpu.memref_slice %arg6[%rem3A_54, %dma_start3A_69, %dma_start3A_70, %dma_start3A_71] : memref<8x2x1x64xi32, #tpu.memory_space<vmem>> -> memref<1x2x1x64xi32, #tpu.memory_space<vmem>>
    %dma_start3A_73 = tpu.memref_squeeze %dma_start3A_72 : memref<1x2x1x64xi32, #tpu.memory_space<vmem>> -> memref<2x1x64xi32, #tpu.memory_space<vmem>>
    %dma_start3A_74 = arith.constant 0 : i32
    %dma_start3A_75 = arith.constant 0 : i32
    %dma_start3A_76 = arith.constant 0 : i32
    %dma_start3A_77 = tpu.memref_slice %arg4[%add3A_56, %dma_start3A_74, %dma_start3A_75, %dma_start3A_76] : memref<10112x2x1x64xi32, #tpu.memory_space<hbm>> -> memref<1x2x1x64xi32, #tpu.memory_space<hbm>>
    %dma_start3A_78 = tpu.memref_squeeze %dma_start3A_77 : memref<1x2x1x64xi32, #tpu.memory_space<hbm>> -> memref<2x1x64xi32, #tpu.memory_space<hbm>>
    tpu.enqueue_dma source(%dma_start3A_78 : memref<2x1x64xi32, #tpu.memory_space<hbm>>) target(%dma_start3A_73 : memref<2x1x64xi32, #tpu.memory_space<vmem>>) target_semaphore(%dma_start3A_68 : memref<!tpu.dma_semaphore, #tpu.memory_space<semaphore_mem>>)
    %rem3A_79 = arith.constant 2 : i32
    %rem3A_80 = arith.constant 8 : i32
    %rem3A_81 = arith.remsi %rem3A_79, %rem3A_80 : i32
    %add3A_82 = arith.constant 2 : i32
    %add3A_83 = arith.addi %select_n3A, %add3A_82 : i32
    %dma_start3A_84 = arith.constant 0 : i32
    %dma_start3A_85 = arith.constant 0 : i32
    %dma_start3A_86 = arith.constant 0 : i32
    %dma_start3A_87 = tpu.memref_slice %arg6[%rem3A_81, %dma_start3A_84, %dma_start3A_85, %dma_start3A_86] : memref<8x2x1x64xi32, #tpu.memory_space<vmem>> -> memref<1x2x1x64xi32, #tpu.memory_space<vmem>>
    %dma_start3A_88 = tpu.memref_squeeze %dma_start3A_87 : memref<1x2x1x64xi32, #tpu.memory_space<vmem>> -> memref<2x1x64xi32, #tpu.memory_space<vmem>>
    %dma_start3A_89 = arith.constant 0 : i32
    %dma_start3A_90 = arith.constant 0 : i32
    %dma_start3A_91 = arith.constant 0 : i32
    %dma_start3A_92 = tpu.memref_slice %arg4[%add3A_83, %dma_start3A_89, %dma_start3A_90, %dma_start3A_91] : memref<10112x2x1x64xi32, #tpu.memory_space<hbm>> -> memref<1x2x1x64xi32, #tpu.memory_space<hbm>>
    %dma_start3A_93 = tpu.memref_squeeze %dma_start3A_92 : memref<1x2x1x64xi32, #tpu.memory_space<hbm>> -> memref<2x1x64xi32, #tpu.memory_space<hbm>>
    %dma_start3A_94 = tpu.memref_slice %arg9[%rem3A_81] : memref<8x!tpu.dma_semaphore, #tpu.memory_space<semaphore_mem>> -> memref<1x!tpu.dma_semaphore, #tpu.memory_space<semaphore_mem>>
    %dma_start3A_95 = tpu.memref_squeeze %dma_start3A_94 : memref<1x!tpu.dma_semaphore, #tpu.memory_space<semaphore_mem>> -> memref<!tpu.dma_semaphore, #tpu.memory_space<semaphore_mem>>
    %dma_start3A_96 = arith.constant 0 : i32
    %dma_start3A_97 = arith.constant 0 : i32
    %dma_start3A_98 = arith.constant 0 : i32
    %dma_start3A_99 = tpu.memref_slice %arg6[%rem3A_81, %dma_start3A_96, %dma_start3A_97, %dma_start3A_98] : memref<8x2x1x64xi32, #tpu.memory_space<vmem>> -> memref<1x2x1x64xi32, #tpu.memory_space<vmem>>
    %dma_start3A_100 = tpu.memref_squeeze %dma_start3A_99 : memref<1x2x1x64xi32, #tpu.memory_space<vmem>> -> memref<2x1x64xi32, #tpu.memory_space<vmem>>
    %dma_start3A_101 = arith.constant 0 : i32
    %dma_start3A_102 = arith.constant 0 : i32
    %dma_start3A_103 = arith.constant 0 : i32
    %dma_start3A_104 = tpu.memref_slice %arg4[%add3A_83, %dma_start3A_101, %dma_start3A_102, %dma_start3A_103] : memref<10112x2x1x64xi32, #tpu.memory_space<hbm>> -> memref<1x2x1x64xi32, #tpu.memory_space<hbm>>
    %dma_start3A_105 = tpu.memref_squeeze %dma_start3A_104 : memref<1x2x1x64xi32, #tpu.memory_space<hbm>> -> memref<2x1x64xi32, #tpu.memory_space<hbm>>
    tpu.enqueue_dma source(%dma_start3A_105 : memref<2x1x64xi32, #tpu.memory_space<hbm>>) target(%dma_start3A_100 : memref<2x1x64xi32, #tpu.memory_space<vmem>>) target_semaphore(%dma_start3A_95 : memref<!tpu.dma_semaphore, #tpu.memory_space<semaphore_mem>>)
    %rem3A_106 = arith.constant 3 : i32
    %rem3A_107 = arith.constant 8 : i32
    %rem3A_108 = arith.remsi %rem3A_106, %rem3A_107 : i32
    %add3A_109 = arith.constant 3 : i32
    %add3A_110 = arith.addi %select_n3A, %add3A_109 : i32
    %dma_start3A_111 = arith.constant 0 : i32
    %dma_start3A_112 = arith.constant 0 : i32
    %dma_start3A_113 = arith.constant 0 : i32
    %dma_start3A_114 = tpu.memref_slice %arg6[%rem3A_108, %dma_start3A_111, %dma_start3A_112, %dma_start3A_113] : memref<8x2x1x64xi32, #tpu.memory_space<vmem>> -> memref<1x2x1x64xi32, #tpu.memory_space<vmem>>
    %dma_start3A_115 = tpu.memref_squeeze %dma_start3A_114 : memref<1x2x1x64xi32, #tpu.memory_space<vmem>> -> memref<2x1x64xi32, #tpu.memory_space<vmem>>
    %dma_start3A_116 = arith.constant 0 : i32
    %dma_start3A_117 = arith.constant 0 : i32
    %dma_start3A_118 = arith.constant 0 : i32
    %dma_start3A_119 = tpu.memref_slice %arg4[%add3A_110, %dma_start3A_116, %dma_start3A_117, %dma_start3A_118] : memref<10112x2x1x64xi32, #tpu.memory_space<hbm>> -> memref<1x2x1x64xi32, #tpu.memory_space<hbm>>
    %dma_start3A_120 = tpu.memref_squeeze %dma_start3A_119 : memref<1x2x1x64xi32, #tpu.memory_space<hbm>> -> memref<2x1x64xi32, #tpu.memory_space<hbm>>
    %dma_start3A_121 = tpu.memref_slice %arg9[%rem3A_108] : memref<8x!tpu.dma_semaphore, #tpu.memory_space<semaphore_mem>> -> memref<1x!tpu.dma_semaphore, #tpu.memory_space<semaphore_mem>>
    %dma_start3A_122 = tpu.memref_squeeze %dma_start3A_121 : memref<1x!tpu.dma_semaphore, #tpu.memory_space<semaphore_mem>> -> memref<!tpu.dma_semaphore, #tpu.memory_space<semaphore_mem>>
    %dma_start3A_123 = arith.constant 0 : i32
    %dma_start3A_124 = arith.constant 0 : i32
    %dma_start3A_125 = arith.constant 0 : i32
    %dma_start3A_126 = tpu.memref_slice %arg6[%rem3A_108, %dma_start3A_123, %dma_start3A_124, %dma_start3A_125] : memref<8x2x1x64xi32, #tpu.memory_space<vmem>> -> memref<1x2x1x64xi32, #tpu.memory_space<vmem>>
    %dma_start3A_127 = tpu.memref_squeeze %dma_start3A_126 : memref<1x2x1x64xi32, #tpu.memory_space<vmem>> -> memref<2x1x64xi32, #tpu.memory_space<vmem>>
    %dma_start3A_128 = arith.constant 0 : i32
    %dma_start3A_129 = arith.constant 0 : i32
    %dma_start3A_130 = arith.constant 0 : i32
    %dma_start3A_131 = tpu.memref_slice %arg4[%add3A_110, %dma_start3A_128, %dma_start3A_129, %dma_start3A_130] : memref<10112x2x1x64xi32, #tpu.memory_space<hbm>> -> memref<1x2x1x64xi32, #tpu.memory_space<hbm>>
    %dma_start3A_132 = tpu.memref_squeeze %dma_start3A_131 : memref<1x2x1x64xi32, #tpu.memory_space<hbm>> -> memref<2x1x64xi32, #tpu.memory_space<hbm>>
    tpu.enqueue_dma source(%dma_start3A_132 : memref<2x1x64xi32, #tpu.memory_space<hbm>>) target(%dma_start3A_127 : memref<2x1x64xi32, #tpu.memory_space<vmem>>) target_semaphore(%dma_start3A_122 : memref<!tpu.dma_semaphore, #tpu.memory_space<semaphore_mem>>)
    %rem3A_133 = arith.constant 4 : i32
    %rem3A_134 = arith.constant 8 : i32
    %rem3A_135 = arith.remsi %rem3A_133, %rem3A_134 : i32
    %add3A_136 = arith.constant 4 : i32
    %add3A_137 = arith.addi %select_n3A, %add3A_136 : i32
    %dma_start3A_138 = arith.constant 0 : i32
    %dma_start3A_139 = arith.constant 0 : i32
    %dma_start3A_140 = arith.constant 0 : i32
    %dma_start3A_141 = tpu.memref_slice %arg6[%rem3A_135, %dma_start3A_138, %dma_start3A_139, %dma_start3A_140] : memref<8x2x1x64xi32, #tpu.memory_space<vmem>> -> memref<1x2x1x64xi32, #tpu.memory_space<vmem>>
    %dma_start3A_142 = tpu.memref_squeeze %dma_start3A_141 : memref<1x2x1x64xi32, #tpu.memory_space<vmem>> -> memref<2x1x64xi32, #tpu.memory_space<vmem>>
    %dma_start3A_143 = arith.constant 0 : i32
    %dma_start3A_144 = arith.constant 0 : i32
    %dma_start3A_145 = arith.constant 0 : i32
    %dma_start3A_146 = tpu.memref_slice %arg4[%add3A_137, %dma_start3A_143, %dma_start3A_144, %dma_start3A_145] : memref<10112x2x1x64xi32, #tpu.memory_space<hbm>> -> memref<1x2x1x64xi32, #tpu.memory_space<hbm>>
    %dma_start3A_147 = tpu.memref_squeeze %dma_start3A_146 : memref<1x2x1x64xi32, #tpu.memory_space<hbm>> -> memref<2x1x64xi32, #tpu.memory_space<hbm>>
    %dma_start3A_148 = tpu.memref_slice %arg9[%rem3A_135] : memref<8x!tpu.dma_semaphore, #tpu.memory_space<semaphore_mem>> -> memref<1x!tpu.dma_semaphore, #tpu.memory_space<semaphore_mem>>
    %dma_start3A_149 = tpu.memref_squeeze %dma_start3A_148 : memref<1x!tpu.dma_semaphore, #tpu.memory_space<semaphore_mem>> -> memref<!tpu.dma_semaphore, #tpu.memory_space<semaphore_mem>>
    %dma_start3A_150 = arith.constant 0 : i32
    %dma_start3A_151 = arith.constant 0 : i32
    %dma_start3A_152 = arith.constant 0 : i32
    %dma_start3A_153 = tpu.memref_slice %arg6[%rem3A_135, %dma_start3A_150, %dma_start3A_151, %dma_start3A_152] : memref<8x2x1x64xi32, #tpu.memory_space<vmem>> -> memref<1x2x1x64xi32, #tpu.memory_space<vmem>>
    %dma_start3A_154 = tpu.memref_squeeze %dma_start3A_153 : memref<1x2x1x64xi32, #tpu.memory_space<vmem>> -> memref<2x1x64xi32, #tpu.memory_space<vmem>>
    %dma_start3A_155 = arith.constant 0 : i32
    %dma_start3A_156 = arith.constant 0 : i32
    %dma_start3A_157 = arith.constant 0 : i32
    %dma_start3A_158 = tpu.memref_slice %arg4[%add3A_137, %dma_start3A_155, %dma_start3A_156, %dma_start3A_157] : memref<10112x2x1x64xi32, #tpu.memory_space<hbm>> -> memref<1x2x1x64xi32, #tpu.memory_space<hbm>>
    %dma_start3A_159 = tpu.memref_squeeze %dma_start3A_158 : memref<1x2x1x64xi32, #tpu.memory_space<hbm>> -> memref<2x1x64xi32, #tpu.memory_space<hbm>>
    tpu.enqueue_dma source(%dma_start3A_159 : memref<2x1x64xi32, #tpu.memory_space<hbm>>) target(%dma_start3A_154 : memref<2x1x64xi32, #tpu.memory_space<vmem>>) target_semaphore(%dma_start3A_149 : memref<!tpu.dma_semaphore, #tpu.memory_space<semaphore_mem>>)
    %rem3A_160 = arith.constant 5 : i32
    %rem3A_161 = arith.constant 8 : i32
    %rem3A_162 = arith.remsi %rem3A_160, %rem3A_161 : i32
    %add3A_163 = arith.constant 5 : i32
    %add3A_164 = arith.addi %select_n3A, %add3A_163 : i32
    %dma_start3A_165 = arith.constant 0 : i32
    %dma_start3A_166 = arith.constant 0 : i32
    %dma_start3A_167 = arith.constant 0 : i32
    %dma_start3A_168 = tpu.memref_slice %arg6[%rem3A_162, %dma_start3A_165, %dma_start3A_166, %dma_start3A_167] : memref<8x2x1x64xi32, #tpu.memory_space<vmem>> -> memref<1x2x1x64xi32, #tpu.memory_space<vmem>>
    %dma_start3A_169 = tpu.memref_squeeze %dma_start3A_168 : memref<1x2x1x64xi32, #tpu.memory_space<vmem>> -> memref<2x1x64xi32, #tpu.memory_space<vmem>>
    %dma_start3A_170 = arith.constant 0 : i32
    %dma_start3A_171 = arith.constant 0 : i32
    %dma_start3A_172 = arith.constant 0 : i32
    %dma_start3A_173 = tpu.memref_slice %arg4[%add3A_164, %dma_start3A_170, %dma_start3A_171, %dma_start3A_172] : memref<10112x2x1x64xi32, #tpu.memory_space<hbm>> -> memref<1x2x1x64xi32, #tpu.memory_space<hbm>>
    %dma_start3A_174 = tpu.memref_squeeze %dma_start3A_173 : memref<1x2x1x64xi32, #tpu.memory_space<hbm>> -> memref<2x1x64xi32, #tpu.memory_space<hbm>>
    %dma_start3A_175 = tpu.memref_slice %arg9[%rem3A_162] : memref<8x!tpu.dma_semaphore, #tpu.memory_space<semaphore_mem>> -> memref<1x!tpu.dma_semaphore, #tpu.memory_space<semaphore_mem>>
    %dma_start3A_176 = tpu.memref_squeeze %dma_start3A_175 : memref<1x!tpu.dma_semaphore, #tpu.memory_space<semaphore_mem>> -> memref<!tpu.dma_semaphore, #tpu.memory_space<semaphore_mem>>
    %dma_start3A_177 = arith.constant 0 : i32
    %dma_start3A_178 = arith.constant 0 : i32
    %dma_start3A_179 = arith.constant 0 : i32
    %dma_start3A_180 = tpu.memref_slice %arg6[%rem3A_162, %dma_start3A_177, %dma_start3A_178, %dma_start3A_179] : memref<8x2x1x64xi32, #tpu.memory_space<vmem>> -> memref<1x2x1x64xi32, #tpu.memory_space<vmem>>
    %dma_start3A_181 = tpu.memref_squeeze %dma_start3A_180 : memref<1x2x1x64xi32, #tpu.memory_space<vmem>> -> memref<2x1x64xi32, #tpu.memory_space<vmem>>
    %dma_start3A_182 = arith.constant 0 : i32
    %dma_start3A_183 = arith.constant 0 : i32
    %dma_start3A_184 = arith.constant 0 : i32
    %dma_start3A_185 = tpu.memref_slice %arg4[%add3A_164, %dma_start3A_182, %dma_start3A_183, %dma_start3A_184] : memref<10112x2x1x64xi32, #tpu.memory_space<hbm>> -> memref<1x2x1x64xi32, #tpu.memory_space<hbm>>
    %dma_start3A_186 = tpu.memref_squeeze %dma_start3A_185 : memref<1x2x1x64xi32, #tpu.memory_space<hbm>> -> memref<2x1x64xi32, #tpu.memory_space<hbm>>
    tpu.enqueue_dma source(%dma_start3A_186 : memref<2x1x64xi32, #tpu.memory_space<hbm>>) target(%dma_start3A_181 : memref<2x1x64xi32, #tpu.memory_space<vmem>>) target_semaphore(%dma_start3A_176 : memref<!tpu.dma_semaphore, #tpu.memory_space<semaphore_mem>>)
    %rem3A_187 = arith.constant 6 : i32
    %rem3A_188 = arith.constant 8 : i32
    %rem3A_189 = arith.remsi %rem3A_187, %rem3A_188 : i32
    %add3A_190 = arith.constant 6 : i32
    %add3A_191 = arith.addi %select_n3A, %add3A_190 : i32
    %dma_start3A_192 = arith.constant 0 : i32
    %dma_start3A_193 = arith.constant 0 : i32
    %dma_start3A_194 = arith.constant 0 : i32
    %dma_start3A_195 = tpu.memref_slice %arg6[%rem3A_189, %dma_start3A_192, %dma_start3A_193, %dma_start3A_194] : memref<8x2x1x64xi32, #tpu.memory_space<vmem>> -> memref<1x2x1x64xi32, #tpu.memory_space<vmem>>
    %dma_start3A_196 = tpu.memref_squeeze %dma_start3A_195 : memref<1x2x1x64xi32, #tpu.memory_space<vmem>> -> memref<2x1x64xi32, #tpu.memory_space<vmem>>
    %dma_start3A_197 = arith.constant 0 : i32
    %dma_start3A_198 = arith.constant 0 : i32
    %dma_start3A_199 = arith.constant 0 : i32
    %dma_start3A_200 = tpu.memref_slice %arg4[%add3A_191, %dma_start3A_197, %dma_start3A_198, %dma_start3A_199] : memref<10112x2x1x64xi32, #tpu.memory_space<hbm>> -> memref<1x2x1x64xi32, #tpu.memory_space<hbm>>
    %dma_start3A_201 = tpu.memref_squeeze %dma_start3A_200 : memref<1x2x1x64xi32, #tpu.memory_space<hbm>> -> memref<2x1x64xi32, #tpu.memory_space<hbm>>
    %dma_start3A_202 = tpu.memref_slice %arg9[%rem3A_189] : memref<8x!tpu.dma_semaphore, #tpu.memory_space<semaphore_mem>> -> memref<1x!tpu.dma_semaphore, #tpu.memory_space<semaphore_mem>>
    %dma_start3A_203 = tpu.memref_squeeze %dma_start3A_202 : memref<1x!tpu.dma_semaphore, #tpu.memory_space<semaphore_mem>> -> memref<!tpu.dma_semaphore, #tpu.memory_space<semaphore_mem>>
    %dma_start3A_204 = arith.constant 0 : i32
    %dma_start3A_205 = arith.constant 0 : i32
    %dma_start3A_206 = arith.constant 0 : i32
    %dma_start3A_207 = tpu.memref_slice %arg6[%rem3A_189, %dma_start3A_204, %dma_start3A_205, %dma_start3A_206] : memref<8x2x1x64xi32, #tpu.memory_space<vmem>> -> memref<1x2x1x64xi32, #tpu.memory_space<vmem>>
    %dma_start3A_208 = tpu.memref_squeeze %dma_start3A_207 : memref<1x2x1x64xi32, #tpu.memory_space<vmem>> -> memref<2x1x64xi32, #tpu.memory_space<vmem>>
    %dma_start3A_209 = arith.constant 0 : i32
    %dma_start3A_210 = arith.constant 0 : i32
    %dma_start3A_211 = arith.constant 0 : i32
    %dma_start3A_212 = tpu.memref_slice %arg4[%add3A_191, %dma_start3A_209, %dma_start3A_210, %dma_start3A_211] : memref<10112x2x1x64xi32, #tpu.memory_space<hbm>> -> memref<1x2x1x64xi32, #tpu.memory_space<hbm>>
    %dma_start3A_213 = tpu.memref_squeeze %dma_start3A_212 : memref<1x2x1x64xi32, #tpu.memory_space<hbm>> -> memref<2x1x64xi32, #tpu.memory_space<hbm>>
    tpu.enqueue_dma source(%dma_start3A_213 : memref<2x1x64xi32, #tpu.memory_space<hbm>>) target(%dma_start3A_208 : memref<2x1x64xi32, #tpu.memory_space<vmem>>) target_semaphore(%dma_start3A_203 : memref<!tpu.dma_semaphore, #tpu.memory_space<semaphore_mem>>)
    %rem3A_214 = arith.constant 0 : i32
    %rem3A_215 = arith.constant 8 : i32
    %rem3A_216 = arith.remsi %rem3A_214, %rem3A_215 : i32
    %add3A_217 = arith.constant 0 : i32
    %add3A_218 = arith.addi %select_n3A, %add3A_217 : i32
    %dma_wait3A = arith.constant 0 : i32
    %dma_wait3A_219 = arith.constant 0 : i32
    %dma_wait3A_220 = arith.constant 0 : i32
    %dma_wait3A_221 = tpu.memref_slice %arg6[%rem3A_216, %dma_wait3A, %dma_wait3A_219, %dma_wait3A_220] : memref<8x2x1x64xi32, #tpu.memory_space<vmem>> -> memref<1x2x1x64xi32, #tpu.memory_space<vmem>>
    %dma_wait3A_222 = tpu.memref_squeeze %dma_wait3A_221 : memref<1x2x1x64xi32, #tpu.memory_space<vmem>> -> memref<2x1x64xi32, #tpu.memory_space<vmem>>
    %dma_wait3A_223 = arith.constant 0 : i32
    %dma_wait3A_224 = arith.constant 0 : i32
    %dma_wait3A_225 = arith.constant 0 : i32
    %dma_wait3A_226 = tpu.memref_slice %arg4[%add3A_218, %dma_wait3A_223, %dma_wait3A_224, %dma_wait3A_225] : memref<10112x2x1x64xi32, #tpu.memory_space<hbm>> -> memref<1x2x1x64xi32, #tpu.memory_space<hbm>>
    %dma_wait3A_227 = tpu.memref_squeeze %dma_wait3A_226 : memref<1x2x1x64xi32, #tpu.memory_space<hbm>> -> memref<2x1x64xi32, #tpu.memory_space<hbm>>
    %dma_wait3A_228 = tpu.memref_slice %arg9[%rem3A_216] : memref<8x!tpu.dma_semaphore, #tpu.memory_space<semaphore_mem>> -> memref<1x!tpu.dma_semaphore, #tpu.memory_space<semaphore_mem>>
    %dma_wait3A_229 = tpu.memref_squeeze %dma_wait3A_228 : memref<1x!tpu.dma_semaphore, #tpu.memory_space<semaphore_mem>> -> memref<!tpu.dma_semaphore, #tpu.memory_space<semaphore_mem>>
    %dma_wait3A_230 = arith.constant 0 : i32
    %dma_wait3A_231 = arith.constant 0 : i32
    %dma_wait3A_232 = arith.constant 0 : i32
    %dma_wait3A_233 = tpu.memref_slice %arg6[%rem3A_216, %dma_wait3A_230, %dma_wait3A_231, %dma_wait3A_232] : memref<8x2x1x64xi32, #tpu.memory_space<vmem>> -> memref<1x2x1x64xi32, #tpu.memory_space<vmem>>
    %dma_wait3A_234 = tpu.memref_squeeze %dma_wait3A_233 : memref<1x2x1x64xi32, #tpu.memory_space<vmem>> -> memref<2x1x64xi32, #tpu.memory_space<vmem>>
    %dma_wait3A_235 = arith.constant 0 : i32
    %dma_wait3A_236 = arith.constant 0 : i32
    %dma_wait3A_237 = arith.constant 0 : i32
    %dma_wait3A_238 = tpu.memref_slice %arg4[%add3A_218, %dma_wait3A_235, %dma_wait3A_236, %dma_wait3A_237] : memref<10112x2x1x64xi32, #tpu.memory_space<hbm>> -> memref<1x2x1x64xi32, #tpu.memory_space<hbm>>
    %dma_wait3A_239 = tpu.memref_squeeze %dma_wait3A_238 : memref<1x2x1x64xi32, #tpu.memory_space<hbm>> -> memref<2x1x64xi32, #tpu.memory_space<hbm>>
    tpu.wait_dma2 semaphore(%dma_wait3A_229 : memref<!tpu.dma_semaphore, #tpu.memory_space<semaphore_mem>>) src(%dma_wait3A_239 : memref<2x1x64xi32, #tpu.memory_space<hbm>>) dst(%dma_wait3A_234 : memref<2x1x64xi32, #tpu.memory_space<vmem>>)
    %rem3A_240 = arith.constant 0 : i32
    %rem3A_241 = arith.constant 8 : i32
    %rem3A_242 = arith.remsi %rem3A_240, %rem3A_241 : i32
    %rem3A_243 = arith.constant 0 : i32
    %rem3A_244 = arith.constant 5 : i32
    %rem3A_245 = arith.remsi %rem3A_243, %rem3A_244 : i32
    %dma_start3A_246 = arith.constant 0 : i32
    %dma_start3A_247 = arith.constant 0 : i32
    %dma_start3A_248 = arith.constant 0 : i32
    %dma_start3A_249 = arith.constant 0 : i32
    %dma_start3A_250 = tpu.memref_slice %arg7[%rem3A_245, %dma_start3A_248, %dma_start3A_249] : memref<5x64x128xf32, #tpu.memory_space<vmem>> -> memref<1x64x128xf32, #tpu.memory_space<vmem>>
    %dma_start3A_251 = tpu.memref_squeeze %dma_start3A_250 : memref<1x64x128xf32, #tpu.memory_space<vmem>> -> memref<64x128xf32, #tpu.memory_space<vmem>>
    %dma_start3A_252 = arith.constant 0 : i32
    %dma_start3A_253 = tpu.memref_slice %arg6[%rem3A_242, %dma_start3A_246, %dma_start3A_247, %dma_start3A_252] : memref<8x2x1x64xi32, #tpu.memory_space<vmem>> -> memref<1x1x1x64xi32, #tpu.memory_space<vmem>>
    %dma_start3A_254 = tpu.memref_squeeze %dma_start3A_253 : memref<1x1x1x64xi32, #tpu.memory_space<vmem>> -> memref<64xi32, #tpu.memory_space<vmem>>
    %dma_start3A_255 = arith.constant 0 : i32
    %dma_start3A_256 = arith.constant 0 : i32
    %dma_start3A_257 = tpu.memref_slice %arg2[%dma_start3A_255, %dma_start3A_256] : memref<20480x128xf32, #tpu.memory_space<hbm>> -> memref<20480x128xf32, #tpu.memory_space<hbm>>
    %dma_start3A_258 = tpu.memref_slice %arg10[%rem3A_245] : memref<5x!tpu.dma_semaphore, #tpu.memory_space<semaphore_mem>> -> memref<1x!tpu.dma_semaphore, #tpu.memory_space<semaphore_mem>>
    %dma_start3A_259 = tpu.memref_squeeze %dma_start3A_258 : memref<1x!tpu.dma_semaphore, #tpu.memory_space<semaphore_mem>> -> memref<!tpu.dma_semaphore, #tpu.memory_space<semaphore_mem>>
    tpu.enqueue_indirect_dma source(%dma_start3A_257 : memref<20480x128xf32, #tpu.memory_space<hbm>>) target(%dma_start3A_251 : memref<64x128xf32, #tpu.memory_space<vmem>>) offsets(%dma_start3A_254 : memref<64xi32, #tpu.memory_space<vmem>>) semaphore(%dma_start3A_259 : memref<!tpu.dma_semaphore, #tpu.memory_space<semaphore_mem>>)
    %rem3A_260 = arith.constant 1 : i32
    %rem3A_261 = arith.constant 8 : i32
    %rem3A_262 = arith.remsi %rem3A_260, %rem3A_261 : i32
    %add3A_263 = arith.constant 1 : i32
    %add3A_264 = arith.addi %select_n3A, %add3A_263 : i32
    %dma_wait3A_265 = arith.constant 0 : i32
    %dma_wait3A_266 = arith.constant 0 : i32
    %dma_wait3A_267 = arith.constant 0 : i32
    %dma_wait3A_268 = tpu.memref_slice %arg6[%rem3A_262, %dma_wait3A_265, %dma_wait3A_266, %dma_wait3A_267] : memref<8x2x1x64xi32, #tpu.memory_space<vmem>> -> memref<1x2x1x64xi32, #tpu.memory_space<vmem>>
    %dma_wait3A_269 = tpu.memref_squeeze %dma_wait3A_268 : memref<1x2x1x64xi32, #tpu.memory_space<vmem>> -> memref<2x1x64xi32, #tpu.memory_space<vmem>>
    %dma_wait3A_270 = arith.constant 0 : i32
    %dma_wait3A_271 = arith.constant 0 : i32
    %dma_wait3A_272 = arith.constant 0 : i32
    %dma_wait3A_273 = tpu.memref_slice %arg4[%add3A_264, %dma_wait3A_270, %dma_wait3A_271, %dma_wait3A_272] : memref<10112x2x1x64xi32, #tpu.memory_space<hbm>> -> memref<1x2x1x64xi32, #tpu.memory_space<hbm>>
    %dma_wait3A_274 = tpu.memref_squeeze %dma_wait3A_273 : memref<1x2x1x64xi32, #tpu.memory_space<hbm>> -> memref<2x1x64xi32, #tpu.memory_space<hbm>>
    %dma_wait3A_275 = tpu.memref_slice %arg9[%rem3A_262] : memref<8x!tpu.dma_semaphore, #tpu.memory_space<semaphore_mem>> -> memref<1x!tpu.dma_semaphore, #tpu.memory_space<semaphore_mem>>
    %dma_wait3A_276 = tpu.memref_squeeze %dma_wait3A_275 : memref<1x!tpu.dma_semaphore, #tpu.memory_space<semaphore_mem>> -> memref<!tpu.dma_semaphore, #tpu.memory_space<semaphore_mem>>
    %dma_wait3A_277 = arith.constant 0 : i32
    %dma_wait3A_278 = arith.constant 0 : i32
    %dma_wait3A_279 = arith.constant 0 : i32
    %dma_wait3A_280 = tpu.memref_slice %arg6[%rem3A_262, %dma_wait3A_277, %dma_wait3A_278, %dma_wait3A_279] : memref<8x2x1x64xi32, #tpu.memory_space<vmem>> -> memref<1x2x1x64xi32, #tpu.memory_space<vmem>>
    %dma_wait3A_281 = tpu.memref_squeeze %dma_wait3A_280 : memref<1x2x1x64xi32, #tpu.memory_space<vmem>> -> memref<2x1x64xi32, #tpu.memory_space<vmem>>
    %dma_wait3A_282 = arith.constant 0 : i32
    %dma_wait3A_283 = arith.constant 0 : i32
    %dma_wait3A_284 = arith.constant 0 : i32
    %dma_wait3A_285 = tpu.memref_slice %arg4[%add3A_264, %dma_wait3A_282, %dma_wait3A_283, %dma_wait3A_284] : memref<10112x2x1x64xi32, #tpu.memory_space<hbm>> -> memref<1x2x1x64xi32, #tpu.memory_space<hbm>>
    %dma_wait3A_286 = tpu.memref_squeeze %dma_wait3A_285 : memref<1x2x1x64xi32, #tpu.memory_space<hbm>> -> memref<2x1x64xi32, #tpu.memory_space<hbm>>
    tpu.wait_dma2 semaphore(%dma_wait3A_276 : memref<!tpu.dma_semaphore, #tpu.memory_space<semaphore_mem>>) src(%dma_wait3A_286 : memref<2x1x64xi32, #tpu.memory_space<hbm>>) dst(%dma_wait3A_281 : memref<2x1x64xi32, #tpu.memory_space<vmem>>)
    %rem3A_287 = arith.constant 1 : i32
    %rem3A_288 = arith.constant 8 : i32
    %rem3A_289 = arith.remsi %rem3A_287, %rem3A_288 : i32
    %rem3A_290 = arith.constant 1 : i32
    %rem3A_291 = arith.constant 5 : i32
    %rem3A_292 = arith.remsi %rem3A_290, %rem3A_291 : i32
    %dma_start3A_293 = arith.constant 0 : i32
    %dma_start3A_294 = arith.constant 0 : i32
    %dma_start3A_295 = arith.constant 0 : i32
    %dma_start3A_296 = arith.constant 0 : i32
    %dma_start3A_297 = tpu.memref_slice %arg7[%rem3A_292, %dma_start3A_295, %dma_start3A_296] : memref<5x64x128xf32, #tpu.memory_space<vmem>> -> memref<1x64x128xf32, #tpu.memory_space<vmem>>
    %dma_start3A_298 = tpu.memref_squeeze %dma_start3A_297 : memref<1x64x128xf32, #tpu.memory_space<vmem>> -> memref<64x128xf32, #tpu.memory_space<vmem>>
    %dma_start3A_299 = arith.constant 0 : i32
    %dma_start3A_300 = tpu.memref_slice %arg6[%rem3A_289, %dma_start3A_293, %dma_start3A_294, %dma_start3A_299] : memref<8x2x1x64xi32, #tpu.memory_space<vmem>> -> memref<1x1x1x64xi32, #tpu.memory_space<vmem>>
    %dma_start3A_301 = tpu.memref_squeeze %dma_start3A_300 : memref<1x1x1x64xi32, #tpu.memory_space<vmem>> -> memref<64xi32, #tpu.memory_space<vmem>>
    %dma_start3A_302 = arith.constant 0 : i32
    %dma_start3A_303 = arith.constant 0 : i32
    %dma_start3A_304 = tpu.memref_slice %arg2[%dma_start3A_302, %dma_start3A_303] : memref<20480x128xf32, #tpu.memory_space<hbm>> -> memref<20480x128xf32, #tpu.memory_space<hbm>>
    %dma_start3A_305 = tpu.memref_slice %arg10[%rem3A_292] : memref<5x!tpu.dma_semaphore, #tpu.memory_space<semaphore_mem>> -> memref<1x!tpu.dma_semaphore, #tpu.memory_space<semaphore_mem>>
    %dma_start3A_306 = tpu.memref_squeeze %dma_start3A_305 : memref<1x!tpu.dma_semaphore, #tpu.memory_space<semaphore_mem>> -> memref<!tpu.dma_semaphore, #tpu.memory_space<semaphore_mem>>
    tpu.enqueue_indirect_dma source(%dma_start3A_304 : memref<20480x128xf32, #tpu.memory_space<hbm>>) target(%dma_start3A_298 : memref<64x128xf32, #tpu.memory_space<vmem>>) offsets(%dma_start3A_301 : memref<64xi32, #tpu.memory_space<vmem>>) semaphore(%dma_start3A_306 : memref<!tpu.dma_semaphore, #tpu.memory_space<semaphore_mem>>)
    %rem3A_307 = arith.constant 2 : i32
    %rem3A_308 = arith.constant 8 : i32
    %rem3A_309 = arith.remsi %rem3A_307, %rem3A_308 : i32
    %add3A_310 = arith.constant 2 : i32
    %add3A_311 = arith.addi %select_n3A, %add3A_310 : i32
    %dma_wait3A_312 = arith.constant 0 : i32
    %dma_wait3A_313 = arith.constant 0 : i32
    %dma_wait3A_314 = arith.constant 0 : i32
    %dma_wait3A_315 = tpu.memref_slice %arg6[%rem3A_309, %dma_wait3A_312, %dma_wait3A_313, %dma_wait3A_314] : memref<8x2x1x64xi32, #tpu.memory_space<vmem>> -> memref<1x2x1x64xi32, #tpu.memory_space<vmem>>
    %dma_wait3A_316 = tpu.memref_squeeze %dma_wait3A_315 : memref<1x2x1x64xi32, #tpu.memory_space<vmem>> -> memref<2x1x64xi32, #tpu.memory_space<vmem>>
    %dma_wait3A_317 = arith.constant 0 : i32
    %dma_wait3A_318 = arith.constant 0 : i32
    %dma_wait3A_319 = arith.constant 0 : i32
    %dma_wait3A_320 = tpu.memref_slice %arg4[%add3A_311, %dma_wait3A_317, %dma_wait3A_318, %dma_wait3A_319] : memref<10112x2x1x64xi32, #tpu.memory_space<hbm>> -> memref<1x2x1x64xi32, #tpu.memory_space<hbm>>
    %dma_wait3A_321 = tpu.memref_squeeze %dma_wait3A_320 : memref<1x2x1x64xi32, #tpu.memory_space<hbm>> -> memref<2x1x64xi32, #tpu.memory_space<hbm>>
    %dma_wait3A_322 = tpu.memref_slice %arg9[%rem3A_309] : memref<8x!tpu.dma_semaphore, #tpu.memory_space<semaphore_mem>> -> memref<1x!tpu.dma_semaphore, #tpu.memory_space<semaphore_mem>>
    %dma_wait3A_323 = tpu.memref_squeeze %dma_wait3A_322 : memref<1x!tpu.dma_semaphore, #tpu.memory_space<semaphore_mem>> -> memref<!tpu.dma_semaphore, #tpu.memory_space<semaphore_mem>>
    %dma_wait3A_324 = arith.constant 0 : i32
    %dma_wait3A_325 = arith.constant 0 : i32
    %dma_wait3A_326 = arith.constant 0 : i32
    %dma_wait3A_327 = tpu.memref_slice %arg6[%rem3A_309, %dma_wait3A_324, %dma_wait3A_325, %dma_wait3A_326] : memref<8x2x1x64xi32, #tpu.memory_space<vmem>> -> memref<1x2x1x64xi32, #tpu.memory_space<vmem>>
    %dma_wait3A_328 = tpu.memref_squeeze %dma_wait3A_327 : memref<1x2x1x64xi32, #tpu.memory_space<vmem>> -> memref<2x1x64xi32, #tpu.memory_space<vmem>>
    %dma_wait3A_329 = arith.constant 0 : i32
    %dma_wait3A_330 = arith.constant 0 : i32
    %dma_wait3A_331 = arith.constant 0 : i32
    %dma_wait3A_332 = tpu.memref_slice %arg4[%add3A_311, %dma_wait3A_329, %dma_wait3A_330, %dma_wait3A_331] : memref<10112x2x1x64xi32, #tpu.memory_space<hbm>> -> memref<1x2x1x64xi32, #tpu.memory_space<hbm>>
    %dma_wait3A_333 = tpu.memref_squeeze %dma_wait3A_332 : memref<1x2x1x64xi32, #tpu.memory_space<hbm>> -> memref<2x1x64xi32, #tpu.memory_space<hbm>>
    tpu.wait_dma2 semaphore(%dma_wait3A_323 : memref<!tpu.dma_semaphore, #tpu.memory_space<semaphore_mem>>) src(%dma_wait3A_333 : memref<2x1x64xi32, #tpu.memory_space<hbm>>) dst(%dma_wait3A_328 : memref<2x1x64xi32, #tpu.memory_space<vmem>>)
    %rem3A_334 = arith.constant 2 : i32
    %rem3A_335 = arith.constant 8 : i32
    %rem3A_336 = arith.remsi %rem3A_334, %rem3A_335 : i32
    %rem3A_337 = arith.constant 2 : i32
    %rem3A_338 = arith.constant 5 : i32
    %rem3A_339 = arith.remsi %rem3A_337, %rem3A_338 : i32
    %dma_start3A_340 = arith.constant 0 : i32
    %dma_start3A_341 = arith.constant 0 : i32
    %dma_start3A_342 = arith.constant 0 : i32
    %dma_start3A_343 = arith.constant 0 : i32
    %dma_start3A_344 = tpu.memref_slice %arg7[%rem3A_339, %dma_start3A_342, %dma_start3A_343] : memref<5x64x128xf32, #tpu.memory_space<vmem>> -> memref<1x64x128xf32, #tpu.memory_space<vmem>>
    %dma_start3A_345 = tpu.memref_squeeze %dma_start3A_344 : memref<1x64x128xf32, #tpu.memory_space<vmem>> -> memref<64x128xf32, #tpu.memory_space<vmem>>
    %dma_start3A_346 = arith.constant 0 : i32
    %dma_start3A_347 = tpu.memref_slice %arg6[%rem3A_336, %dma_start3A_340, %dma_start3A_341, %dma_start3A_346] : memref<8x2x1x64xi32, #tpu.memory_space<vmem>> -> memref<1x1x1x64xi32, #tpu.memory_space<vmem>>
    %dma_start3A_348 = tpu.memref_squeeze %dma_start3A_347 : memref<1x1x1x64xi32, #tpu.memory_space<vmem>> -> memref<64xi32, #tpu.memory_space<vmem>>
    %dma_start3A_349 = arith.constant 0 : i32
    %dma_start3A_350 = arith.constant 0 : i32
    %dma_start3A_351 = tpu.memref_slice %arg2[%dma_start3A_349, %dma_start3A_350] : memref<20480x128xf32, #tpu.memory_space<hbm>> -> memref<20480x128xf32, #tpu.memory_space<hbm>>
    %dma_start3A_352 = tpu.memref_slice %arg10[%rem3A_339] : memref<5x!tpu.dma_semaphore, #tpu.memory_space<semaphore_mem>> -> memref<1x!tpu.dma_semaphore, #tpu.memory_space<semaphore_mem>>
    %dma_start3A_353 = tpu.memref_squeeze %dma_start3A_352 : memref<1x!tpu.dma_semaphore, #tpu.memory_space<semaphore_mem>> -> memref<!tpu.dma_semaphore, #tpu.memory_space<semaphore_mem>>
    tpu.enqueue_indirect_dma source(%dma_start3A_351 : memref<20480x128xf32, #tpu.memory_space<hbm>>) target(%dma_start3A_345 : memref<64x128xf32, #tpu.memory_space<vmem>>) offsets(%dma_start3A_348 : memref<64xi32, #tpu.memory_space<vmem>>) semaphore(%dma_start3A_353 : memref<!tpu.dma_semaphore, #tpu.memory_space<semaphore_mem>>)
    %rem3A_354 = arith.constant 3 : i32
    %rem3A_355 = arith.constant 8 : i32
    %rem3A_356 = arith.remsi %rem3A_354, %rem3A_355 : i32
    %add3A_357 = arith.constant 3 : i32
    %add3A_358 = arith.addi %select_n3A, %add3A_357 : i32
    %dma_wait3A_359 = arith.constant 0 : i32
    %dma_wait3A_360 = arith.constant 0 : i32
    %dma_wait3A_361 = arith.constant 0 : i32
    %dma_wait3A_362 = tpu.memref_slice %arg6[%rem3A_356, %dma_wait3A_359, %dma_wait3A_360, %dma_wait3A_361] : memref<8x2x1x64xi32, #tpu.memory_space<vmem>> -> memref<1x2x1x64xi32, #tpu.memory_space<vmem>>
    %dma_wait3A_363 = tpu.memref_squeeze %dma_wait3A_362 : memref<1x2x1x64xi32, #tpu.memory_space<vmem>> -> memref<2x1x64xi32, #tpu.memory_space<vmem>>
    %dma_wait3A_364 = arith.constant 0 : i32
    %dma_wait3A_365 = arith.constant 0 : i32
    %dma_wait3A_366 = arith.constant 0 : i32
    %dma_wait3A_367 = tpu.memref_slice %arg4[%add3A_358, %dma_wait3A_364, %dma_wait3A_365, %dma_wait3A_366] : memref<10112x2x1x64xi32, #tpu.memory_space<hbm>> -> memref<1x2x1x64xi32, #tpu.memory_space<hbm>>
    %dma_wait3A_368 = tpu.memref_squeeze %dma_wait3A_367 : memref<1x2x1x64xi32, #tpu.memory_space<hbm>> -> memref<2x1x64xi32, #tpu.memory_space<hbm>>
    %dma_wait3A_369 = tpu.memref_slice %arg9[%rem3A_356] : memref<8x!tpu.dma_semaphore, #tpu.memory_space<semaphore_mem>> -> memref<1x!tpu.dma_semaphore, #tpu.memory_space<semaphore_mem>>
    %dma_wait3A_370 = tpu.memref_squeeze %dma_wait3A_369 : memref<1x!tpu.dma_semaphore, #tpu.memory_space<semaphore_mem>> -> memref<!tpu.dma_semaphore, #tpu.memory_space<semaphore_mem>>
    %dma_wait3A_371 = arith.constant 0 : i32
    %dma_wait3A_372 = arith.constant 0 : i32
    %dma_wait3A_373 = arith.constant 0 : i32
    %dma_wait3A_374 = tpu.memref_slice %arg6[%rem3A_356, %dma_wait3A_371, %dma_wait3A_372, %dma_wait3A_373] : memref<8x2x1x64xi32, #tpu.memory_space<vmem>> -> memref<1x2x1x64xi32, #tpu.memory_space<vmem>>
    %dma_wait3A_375 = tpu.memref_squeeze %dma_wait3A_374 : memref<1x2x1x64xi32, #tpu.memory_space<vmem>> -> memref<2x1x64xi32, #tpu.memory_space<vmem>>
    %dma_wait3A_376 = arith.constant 0 : i32
    %dma_wait3A_377 = arith.constant 0 : i32
    %dma_wait3A_378 = arith.constant 0 : i32
    %dma_wait3A_379 = tpu.memref_slice %arg4[%add3A_358, %dma_wait3A_376, %dma_wait3A_377, %dma_wait3A_378] : memref<10112x2x1x64xi32, #tpu.memory_space<hbm>> -> memref<1x2x1x64xi32, #tpu.memory_space<hbm>>
    %dma_wait3A_380 = tpu.memref_squeeze %dma_wait3A_379 : memref<1x2x1x64xi32, #tpu.memory_space<hbm>> -> memref<2x1x64xi32, #tpu.memory_space<hbm>>
    tpu.wait_dma2 semaphore(%dma_wait3A_370 : memref<!tpu.dma_semaphore, #tpu.memory_space<semaphore_mem>>) src(%dma_wait3A_380 : memref<2x1x64xi32, #tpu.memory_space<hbm>>) dst(%dma_wait3A_375 : memref<2x1x64xi32, #tpu.memory_space<vmem>>)
    %rem3A_381 = arith.constant 3 : i32
    %rem3A_382 = arith.constant 8 : i32
    %rem3A_383 = arith.remsi %rem3A_381, %rem3A_382 : i32
    %rem3A_384 = arith.constant 3 : i32
    %rem3A_385 = arith.constant 5 : i32
    %rem3A_386 = arith.remsi %rem3A_384, %rem3A_385 : i32
    %dma_start3A_387 = arith.constant 0 : i32
    %dma_start3A_388 = arith.constant 0 : i32
    %dma_start3A_389 = arith.constant 0 : i32
    %dma_start3A_390 = arith.constant 0 : i32
    %dma_start3A_391 = tpu.memref_slice %arg7[%rem3A_386, %dma_start3A_389, %dma_start3A_390] : memref<5x64x128xf32, #tpu.memory_space<vmem>> -> memref<1x64x128xf32, #tpu.memory_space<vmem>>
    %dma_start3A_392 = tpu.memref_squeeze %dma_start3A_391 : memref<1x64x128xf32, #tpu.memory_space<vmem>> -> memref<64x128xf32, #tpu.memory_space<vmem>>
    %dma_start3A_393 = arith.constant 0 : i32
    %dma_start3A_394 = tpu.memref_slice %arg6[%rem3A_383, %dma_start3A_387, %dma_start3A_388, %dma_start3A_393] : memref<8x2x1x64xi32, #tpu.memory_space<vmem>> -> memref<1x1x1x64xi32, #tpu.memory_space<vmem>>
    %dma_start3A_395 = tpu.memref_squeeze %dma_start3A_394 : memref<1x1x1x64xi32, #tpu.memory_space<vmem>> -> memref<64xi32, #tpu.memory_space<vmem>>
    %dma_start3A_396 = arith.constant 0 : i32
    %dma_start3A_397 = arith.constant 0 : i32
    %dma_start3A_398 = tpu.memref_slice %arg2[%dma_start3A_396, %dma_start3A_397] : memref<20480x128xf32, #tpu.memory_space<hbm>> -> memref<20480x128xf32, #tpu.memory_space<hbm>>
    %dma_start3A_399 = tpu.memref_slice %arg10[%rem3A_386] : memref<5x!tpu.dma_semaphore, #tpu.memory_space<semaphore_mem>> -> memref<1x!tpu.dma_semaphore, #tpu.memory_space<semaphore_mem>>
    %dma_start3A_400 = tpu.memref_squeeze %dma_start3A_399 : memref<1x!tpu.dma_semaphore, #tpu.memory_space<semaphore_mem>> -> memref<!tpu.dma_semaphore, #tpu.memory_space<semaphore_mem>>
    tpu.enqueue_indirect_dma source(%dma_start3A_398 : memref<20480x128xf32, #tpu.memory_space<hbm>>) target(%dma_start3A_392 : memref<64x128xf32, #tpu.memory_space<vmem>>) offsets(%dma_start3A_395 : memref<64xi32, #tpu.memory_space<vmem>>) semaphore(%dma_start3A_400 : memref<!tpu.dma_semaphore, #tpu.memory_space<semaphore_mem>>)
    %barrier3A = arith.constant 0 : index
    tpu.barrier barrier_id(%barrier3A)
    %scan3A = arith.constant 0 : i32
    %scan3A_401 = arith.constant 0 : i32
    %scan3A_402 = arith.constant 316 : i32
    %scan3A_403 = arith.addi %scan3A_401, %scan3A_402 : i32
    %scan3A_404 = arith.constant 1 : i32
    scf.for %scan3A_414 = %scan3A_401 to %scan3A_403 step %scan3A_404  : i32 {
      %rem3A_415 = arith.constant 8 : i32
      %rem3A_416 = arith.remsi %scan3A_414, %rem3A_415 : i32
      %rem3A_417 = arith.constant 5 : i32
      %rem3A_418 = arith.remsi %scan3A_414, %rem3A_417 : i32
      %dma_wait3A_419 = arith.constant 0 : i32
      %dma_wait3A_420 = arith.constant 0 : i32
      %dma_wait3A_421 = arith.constant 0 : i32
      %dma_wait3A_422 = arith.constant 0 : i32
      %dma_wait3A_423 = tpu.memref_slice %arg7[%rem3A_418, %dma_wait3A_421, %dma_wait3A_422] : memref<5x64x128xf32, #tpu.memory_space<vmem>> -> memref<1x64x128xf32, #tpu.memory_space<vmem>>
      %dma_wait3A_424 = tpu.memref_squeeze %dma_wait3A_423 : memref<1x64x128xf32, #tpu.memory_space<vmem>> -> memref<64x128xf32, #tpu.memory_space<vmem>>
      %dma_wait3A_425 = arith.constant 0 : i32
      %dma_wait3A_426 = tpu.memref_slice %arg6[%rem3A_416, %dma_wait3A_419, %dma_wait3A_420, %dma_wait3A_425] : memref<8x2x1x64xi32, #tpu.memory_space<vmem>> -> memref<1x1x1x64xi32, #tpu.memory_space<vmem>>
      %dma_wait3A_427 = tpu.memref_squeeze %dma_wait3A_426 : memref<1x1x1x64xi32, #tpu.memory_space<vmem>> -> memref<64xi32, #tpu.memory_space<vmem>>
      %dma_wait3A_428 = arith.constant 0 : i32
      %dma_wait3A_429 = arith.constant 0 : i32
      %dma_wait3A_430 = tpu.memref_slice %arg2[%dma_wait3A_428, %dma_wait3A_429] : memref<20480x128xf32, #tpu.memory_space<hbm>> -> memref<20480x128xf32, #tpu.memory_space<hbm>>
      %dma_wait3A_431 = tpu.memref_slice %arg10[%rem3A_418] : memref<5x!tpu.dma_semaphore, #tpu.memory_space<semaphore_mem>> -> memref<1x!tpu.dma_semaphore, #tpu.memory_space<semaphore_mem>>
      %dma_wait3A_432 = tpu.memref_squeeze %dma_wait3A_431 : memref<1x!tpu.dma_semaphore, #tpu.memory_space<semaphore_mem>> -> memref<!tpu.dma_semaphore, #tpu.memory_space<semaphore_mem>>
      tpu.wait_indirect_dma semaphore(%dma_wait3A_432 : memref<!tpu.dma_semaphore, #tpu.memory_space<semaphore_mem>>) src(%dma_wait3A_430 : memref<20480x128xf32, #tpu.memory_space<hbm>>) dst(%dma_wait3A_424 : memref<64x128xf32, #tpu.memory_space<vmem>>)
      %rem3A_433 = arith.constant 8 : i32
      %rem3A_434 = arith.remsi %scan3A_414, %rem3A_433 : i32
      %rem3A_435 = arith.constant 5 : i32
      %rem3A_436 = arith.remsi %scan3A_414, %rem3A_435 : i32
      %run_scoped3A = arith.constant 1 : i32
      %run_scoped3A_437 = arith.constant 0 : i32
      "tpu.region"() ({
        %run_scoped3A_451 = tpu.sem_alloc : memref<!tpu.dma_semaphore, #tpu.memory_space<semaphore_mem>>
        %dma_start3A_452 = arith.constant 0 : i32
        %dma_start3A_453 = arith.constant 0 : i32
        %dma_start3A_454 = tpu.memref_slice %arg7[%rem3A_436, %dma_start3A_452, %dma_start3A_453] : memref<5x64x128xf32, #tpu.memory_space<vmem>> -> memref<1x64x128xf32, #tpu.memory_space<vmem>>
        %dma_start3A_455 = tpu.memref_squeeze %dma_start3A_454 : memref<1x64x128xf32, #tpu.memory_space<vmem>> -> memref<64x128xf32, #tpu.memory_space<vmem>>
        %dma_start3A_456 = arith.constant 0 : i32
        %dma_start3A_457 = tpu.memref_slice %arg6[%rem3A_434, %run_scoped3A, %run_scoped3A_437, %dma_start3A_456] : memref<8x2x1x64xi32, #tpu.memory_space<vmem>> -> memref<1x1x1x64xi32, #tpu.memory_space<vmem>>
        %dma_start3A_458 = tpu.memref_squeeze %dma_start3A_457 : memref<1x1x1x64xi32, #tpu.memory_space<vmem>> -> memref<64xi32, #tpu.memory_space<vmem>>
        %dma_start3A_459 = arith.constant 0 : i32
        %dma_start3A_460 = arith.constant 0 : i32
        %dma_start3A_461 = tpu.memref_slice %arg8[%dma_start3A_459, %dma_start3A_460] : memref<10240x128xf32, #tpu.memory_space<vmem_shared>> -> memref<10240x128xf32, #tpu.memory_space<vmem_shared>>
        tpu.enqueue_indirect_dma source(%dma_start3A_455 : memref<64x128xf32, #tpu.memory_space<vmem>>) target(%dma_start3A_461 : memref<10240x128xf32, #tpu.memory_space<vmem_shared>>) offsets(%dma_start3A_458 : memref<64xi32, #tpu.memory_space<vmem>>) semaphore(%run_scoped3A_451 : memref<!tpu.dma_semaphore, #tpu.memory_space<semaphore_mem>>) {add = true}
        %dma_wait3A_462 = arith.constant 0 : i32
        %dma_wait3A_463 = arith.constant 0 : i32
        %dma_wait3A_464 = tpu.memref_slice %arg7[%rem3A_436, %dma_wait3A_462, %dma_wait3A_463] : memref<5x64x128xf32, #tpu.memory_space<vmem>> -> memref<1x64x128xf32, #tpu.memory_space<vmem>>
        %dma_wait3A_465 = tpu.memref_squeeze %dma_wait3A_464 : memref<1x64x128xf32, #tpu.memory_space<vmem>> -> memref<64x128xf32, #tpu.memory_space<vmem>>
        %dma_wait3A_466 = arith.constant 0 : i32
        %dma_wait3A_467 = tpu.memref_slice %arg6[%rem3A_434, %run_scoped3A, %run_scoped3A_437, %dma_wait3A_466] : memref<8x2x1x64xi32, #tpu.memory_space<vmem>> -> memref<1x1x1x64xi32, #tpu.memory_space<vmem>>
        %dma_wait3A_468 = tpu.memref_squeeze %dma_wait3A_467 : memref<1x1x1x64xi32, #tpu.memory_space<vmem>> -> memref<64xi32, #tpu.memory_space<vmem>>
        %dma_wait3A_469 = arith.constant 0 : i32
        %dma_wait3A_470 = arith.constant 0 : i32
        %dma_wait3A_471 = tpu.memref_slice %arg8[%dma_wait3A_469, %dma_wait3A_470] : memref<10240x128xf32, #tpu.memory_space<vmem_shared>> -> memref<10240x128xf32, #tpu.memory_space<vmem_shared>>
        tpu.wait_indirect_dma semaphore(%run_scoped3A_451 : memref<!tpu.dma_semaphore, #tpu.memory_space<semaphore_mem>>) src(%dma_wait3A_465 : memref<64x128xf32, #tpu.memory_space<vmem>>) dst(%dma_wait3A_471 : memref<10240x128xf32, #tpu.memory_space<vmem_shared>>)
        tpu.yield
      }) : () -> ()
      %add3A_438 = arith.constant 4 : i32
      %add3A_439 = arith.addi %scan3A_414, %add3A_438 : i32
      %lt3A = arith.constant 316 : i32
      %lt3A_440 = arith.cmpi slt, %add3A_439, %lt3A : i32
      %convert_element_type3A = arith.extui %lt3A_440 : i1 to i32
      %cond3A = arith.constant 0 : i32
      %cond3A_441 = arith.cmpi ne, %convert_element_type3A, %cond3A : i32
      scf.if %cond3A_441 {
        %add3A_451 = arith.constant 4 : i32
        %add3A_452 = arith.addi %scan3A_414, %add3A_451 : i32
        %rem3A_453 = arith.constant 8 : i32
        %rem3A_454 = arith.remsi %add3A_452, %rem3A_453 : i32
        %add3A_455 = arith.addi %select_n3A, %add3A_452 : i32
        %dma_wait3A_456 = arith.constant 0 : i32
        %dma_wait3A_457 = arith.constant 0 : i32
        %dma_wait3A_458 = arith.constant 0 : i32
        %dma_wait3A_459 = tpu.memref_slice %arg6[%rem3A_454, %dma_wait3A_456, %dma_wait3A_457, %dma_wait3A_458] : memref<8x2x1x64xi32, #tpu.memory_space<vmem>> -> memref<1x2x1x64xi32, #tpu.memory_space<vmem>>
        %dma_wait3A_460 = tpu.memref_squeeze %dma_wait3A_459 : memref<1x2x1x64xi32, #tpu.memory_space<vmem>> -> memref<2x1x64xi32, #tpu.memory_space<vmem>>
        %dma_wait3A_461 = arith.constant 0 : i32
        %dma_wait3A_462 = arith.constant 0 : i32
        %dma_wait3A_463 = arith.constant 0 : i32
        %dma_wait3A_464 = tpu.memref_slice %arg4[%add3A_455, %dma_wait3A_461, %dma_wait3A_462, %dma_wait3A_463] : memref<10112x2x1x64xi32, #tpu.memory_space<hbm>> -> memref<1x2x1x64xi32, #tpu.memory_space<hbm>>
        %dma_wait3A_465 = tpu.memref_squeeze %dma_wait3A_464 : memref<1x2x1x64xi32, #tpu.memory_space<hbm>> -> memref<2x1x64xi32, #tpu.memory_space<hbm>>
        %dma_wait3A_466 = tpu.memref_slice %arg9[%rem3A_454] : memref<8x!tpu.dma_semaphore, #tpu.memory_space<semaphore_mem>> -> memref<1x!tpu.dma_semaphore, #tpu.memory_space<semaphore_mem>>
        %dma_wait3A_467 = tpu.memref_squeeze %dma_wait3A_466 : memref<1x!tpu.dma_semaphore, #tpu.memory_space<semaphore_mem>> -> memref<!tpu.dma_semaphore, #tpu.memory_space<semaphore_mem>>
        %dma_wait3A_468 = arith.constant 0 : i32
        %dma_wait3A_469 = arith.constant 0 : i32
        %dma_wait3A_470 = arith.constant 0 : i32
        %dma_wait3A_471 = tpu.memref_slice %arg6[%rem3A_454, %dma_wait3A_468, %dma_wait3A_469, %dma_wait3A_470] : memref<8x2x1x64xi32, #tpu.memory_space<vmem>> -> memref<1x2x1x64xi32, #tpu.memory_space<vmem>>
        %dma_wait3A_472 = tpu.memref_squeeze %dma_wait3A_471 : memref<1x2x1x64xi32, #tpu.memory_space<vmem>> -> memref<2x1x64xi32, #tpu.memory_space<vmem>>
        %dma_wait3A_473 = arith.constant 0 : i32
        %dma_wait3A_474 = arith.constant 0 : i32
        %dma_wait3A_475 = arith.constant 0 : i32
        %dma_wait3A_476 = tpu.memref_slice %arg4[%add3A_455, %dma_wait3A_473, %dma_wait3A_474, %dma_wait3A_475] : memref<10112x2x1x64xi32, #tpu.memory_space<hbm>> -> memref<1x2x1x64xi32, #tpu.memory_space<hbm>>
        %dma_wait3A_477 = tpu.memref_squeeze %dma_wait3A_476 : memref<1x2x1x64xi32, #tpu.memory_space<hbm>> -> memref<2x1x64xi32, #tpu.memory_space<hbm>>
        tpu.wait_dma2 semaphore(%dma_wait3A_467 : memref<!tpu.dma_semaphore, #tpu.memory_space<semaphore_mem>>) src(%dma_wait3A_477 : memref<2x1x64xi32, #tpu.memory_space<hbm>>) dst(%dma_wait3A_472 : memref<2x1x64xi32, #tpu.memory_space<vmem>>)
        %add3A_478 = arith.constant 4 : i32
        %add3A_479 = arith.addi %scan3A_414, %add3A_478 : i32
        %rem3A_480 = arith.constant 8 : i32
        %rem3A_481 = arith.remsi %add3A_479, %rem3A_480 : i32
        %rem3A_482 = arith.constant 5 : i32
        %rem3A_483 = arith.remsi %add3A_479, %rem3A_482 : i32
        %dma_start3A_484 = arith.constant 0 : i32
        %dma_start3A_485 = arith.constant 0 : i32
        %dma_start3A_486 = arith.constant 0 : i32
        %dma_start3A_487 = arith.constant 0 : i32
        %dma_start3A_488 = tpu.memref_slice %arg7[%rem3A_483, %dma_start3A_486, %dma_start3A_487] : memref<5x64x128xf32, #tpu.memory_space<vmem>> -> memref<1x64x128xf32, #tpu.memory_space<vmem>>
        %dma_start3A_489 = tpu.memref_squeeze %dma_start3A_488 : memref<1x64x128xf32, #tpu.memory_space<vmem>> -> memref<64x128xf32, #tpu.memory_space<vmem>>
        %dma_start3A_490 = arith.constant 0 : i32
        %dma_start3A_491 = tpu.memref_slice %arg6[%rem3A_481, %dma_start3A_484, %dma_start3A_485, %dma_start3A_490] : memref<8x2x1x64xi32, #tpu.memory_space<vmem>> -> memref<1x1x1x64xi32, #tpu.memory_space<vmem>>
        %dma_start3A_492 = tpu.memref_squeeze %dma_start3A_491 : memref<1x1x1x64xi32, #tpu.memory_space<vmem>> -> memref<64xi32, #tpu.memory_space<vmem>>
        %dma_start3A_493 = arith.constant 0 : i32
        %dma_start3A_494 = arith.constant 0 : i32
        %dma_start3A_495 = tpu.memref_slice %arg2[%dma_start3A_493, %dma_start3A_494] : memref<20480x128xf32, #tpu.memory_space<hbm>> -> memref<20480x128xf32, #tpu.memory_space<hbm>>
        %dma_start3A_496 = tpu.memref_slice %arg10[%rem3A_483] : memref<5x!tpu.dma_semaphore, #tpu.memory_space<semaphore_mem>> -> memref<1x!tpu.dma_semaphore, #tpu.memory_space<semaphore_mem>>
        %dma_start3A_497 = tpu.memref_squeeze %dma_start3A_496 : memref<1x!tpu.dma_semaphore, #tpu.memory_space<semaphore_mem>> -> memref<!tpu.dma_semaphore, #tpu.memory_space<semaphore_mem>>
        tpu.enqueue_indirect_dma source(%dma_start3A_495 : memref<20480x128xf32, #tpu.memory_space<hbm>>) target(%dma_start3A_489 : memref<64x128xf32, #tpu.memory_space<vmem>>) offsets(%dma_start3A_492 : memref<64xi32, #tpu.memory_space<vmem>>) semaphore(%dma_start3A_497 : memref<!tpu.dma_semaphore, #tpu.memory_space<semaphore_mem>>)
      } else {
      }
      %add3A_442 = arith.constant 8 : i32
      %add3A_443 = arith.addi %scan3A_414, %add3A_442 : i32
      %sub3A_444 = arith.constant 1 : i32
      %sub3A_445 = arith.subi %add3A_443, %sub3A_444 : i32
      %lt3A_446 = arith.constant 316 : i32
      %lt3A_447 = arith.cmpi slt, %sub3A_445, %lt3A_446 : i32
      %convert_element_type3A_448 = arith.extui %lt3A_447 : i1 to i32
      %cond3A_449 = arith.constant 0 : i32
      %cond3A_450 = arith.cmpi ne, %convert_element_type3A_448, %cond3A_449 : i32
      scf.if %cond3A_450 {
        %add3A_451 = arith.constant 8 : i32
        %add3A_452 = arith.addi %scan3A_414, %add3A_451 : i32
        %sub3A_453 = arith.constant 1 : i32
        %sub3A_454 = arith.subi %add3A_452, %sub3A_453 : i32
        %rem3A_455 = arith.constant 8 : i32
        %rem3A_456 = arith.remsi %sub3A_454, %rem3A_455 : i32
        %add3A_457 = arith.addi %select_n3A, %sub3A_454 : i32
        %dma_start3A_458 = arith.constant 0 : i32
        %dma_start3A_459 = arith.constant 0 : i32
        %dma_start3A_460 = arith.constant 0 : i32
        %dma_start3A_461 = tpu.memref_slice %arg6[%rem3A_456, %dma_start3A_458, %dma_start3A_459, %dma_start3A_460] : memref<8x2x1x64xi32, #tpu.memory_space<vmem>> -> memref<1x2x1x64xi32, #tpu.memory_space<vmem>>
        %dma_start3A_462 = tpu.memref_squeeze %dma_start3A_461 : memref<1x2x1x64xi32, #tpu.memory_space<vmem>> -> memref<2x1x64xi32, #tpu.memory_space<vmem>>
        %dma_start3A_463 = arith.constant 0 : i32
        %dma_start3A_464 = arith.constant 0 : i32
        %dma_start3A_465 = arith.constant 0 : i32
        %dma_start3A_466 = tpu.memref_slice %arg4[%add3A_457, %dma_start3A_463, %dma_start3A_464, %dma_start3A_465] : memref<10112x2x1x64xi32, #tpu.memory_space<hbm>> -> memref<1x2x1x64xi32, #tpu.memory_space<hbm>>
        %dma_start3A_467 = tpu.memref_squeeze %dma_start3A_466 : memref<1x2x1x64xi32, #tpu.memory_space<hbm>> -> memref<2x1x64xi32, #tpu.memory_space<hbm>>
        %dma_start3A_468 = tpu.memref_slice %arg9[%rem3A_456] : memref<8x!tpu.dma_semaphore, #tpu.memory_space<semaphore_mem>> -> memref<1x!tpu.dma_semaphore, #tpu.memory_space<semaphore_mem>>
        %dma_start3A_469 = tpu.memref_squeeze %dma_start3A_468 : memref<1x!tpu.dma_semaphore, #tpu.memory_space<semaphore_mem>> -> memref<!tpu.dma_semaphore, #tpu.memory_space<semaphore_mem>>
        %dma_start3A_470 = arith.constant 0 : i32
        %dma_start3A_471 = arith.constant 0 : i32
        %dma_start3A_472 = arith.constant 0 : i32
        %dma_start3A_473 = tpu.memref_slice %arg6[%rem3A_456, %dma_start3A_470, %dma_start3A_471, %dma_start3A_472] : memref<8x2x1x64xi32, #tpu.memory_space<vmem>> -> memref<1x2x1x64xi32, #tpu.memory_space<vmem>>
        %dma_start3A_474 = tpu.memref_squeeze %dma_start3A_473 : memref<1x2x1x64xi32, #tpu.memory_space<vmem>> -> memref<2x1x64xi32, #tpu.memory_space<vmem>>
        %dma_start3A_475 = arith.constant 0 : i32
        %dma_start3A_476 = arith.constant 0 : i32
        %dma_start3A_477 = arith.constant 0 : i32
        %dma_start3A_478 = tpu.memref_slice %arg4[%add3A_457, %dma_start3A_475, %dma_start3A_476, %dma_start3A_477] : memref<10112x2x1x64xi32, #tpu.memory_space<hbm>> -> memref<1x2x1x64xi32, #tpu.memory_space<hbm>>
        %dma_start3A_479 = tpu.memref_squeeze %dma_start3A_478 : memref<1x2x1x64xi32, #tpu.memory_space<hbm>> -> memref<2x1x64xi32, #tpu.memory_space<hbm>>
        tpu.enqueue_dma source(%dma_start3A_479 : memref<2x1x64xi32, #tpu.memory_space<hbm>>) target(%dma_start3A_474 : memref<2x1x64xi32, #tpu.memory_space<vmem>>) target_semaphore(%dma_start3A_469 : memref<!tpu.dma_semaphore, #tpu.memory_space<semaphore_mem>>)
      } else {
      }
    }
    %scan3A_405 = arith.constant 316 : i32
    %barrier3A_406 = arith.constant 0 : index
    tpu.barrier barrier_id(%barrier3A_406)
    %mul3A_407 = arith.constant 640 : i32
    %mul3A_408 = arith.muli %arg1, %mul3A_407 : i32
    %mul3A_409 = arith.constant 10240 : i32
    %mul3A_410 = arith.muli %arg0, %mul3A_409 : i32
    %mul3A_411 = arith.constant 640 : i32
    %mul3A_412 = arith.muli %arg1, %mul3A_411 : i32
    %add3A_413 = arith.addi %mul3A_410, %mul3A_412 : i32
    "tpu.region"() ({
      %run_scoped3A = tpu.sem_alloc : memref<!tpu.dma_semaphore, #tpu.memory_space<semaphore_mem>>
      %dma_start3A_414 = arith.constant 0 : i32
      %dma_start3A_415 = tpu.memref_slice %arg5[%add3A_413, %dma_start3A_414] : memref<20480x128xf32, #tpu.memory_space<hbm>> -> memref<640x128xf32, #tpu.memory_space<hbm>>
      %dma_start3A_416 = arith.constant 0 : i32
      %dma_start3A_417 = tpu.memref_slice %arg8[%mul3A_408, %dma_start3A_416] : memref<10240x128xf32, #tpu.memory_space<vmem_shared>> -> memref<640x128xf32, #tpu.memory_space<vmem_shared>>
      tpu.enqueue_dma source(%dma_start3A_417 : memref<640x128xf32, #tpu.memory_space<vmem_shared>>) target(%dma_start3A_415 : memref<640x128xf32, #tpu.memory_space<hbm>>) target_semaphore(%run_scoped3A : memref<!tpu.dma_semaphore, #tpu.memory_space<semaphore_mem>>)
      %dma_wait3A_418 = arith.constant 0 : i32
      %dma_wait3A_419 = tpu.memref_slice %arg5[%add3A_413, %dma_wait3A_418] : memref<20480x128xf32, #tpu.memory_space<hbm>> -> memref<640x128xf32, #tpu.memory_space<hbm>>
      %dma_wait3A_420 = arith.constant 0 : i32
      %dma_wait3A_421 = tpu.memref_slice %arg8[%mul3A_408, %dma_wait3A_420] : memref<10240x128xf32, #tpu.memory_space<vmem_shared>> -> memref<640x128xf32, #tpu.memory_space<vmem_shared>>
      tpu.wait_dma2 semaphore(%run_scoped3A : memref<!tpu.dma_semaphore, #tpu.memory_space<semaphore_mem>>) src(%dma_wait3A_421 : memref<640x128xf32, #tpu.memory_space<vmem_shared>>) dst(%dma_wait3A_419 : memref<640x128xf32, #tpu.memory_space<hbm>>)
      tpu.yield
    }) : () -> ()
    return
  }
}

#map = affine_map<(d0, d1) -> (0, 0)>
#map1 = affine_map<(d0, d1) -> (0, 0, 0, 0)>
module attributes {stable_mosaic.version = 14 : i64} {
  func.func @conv(%arg0: i32, %arg1: i32, %arg2: memref<10240x128xf32, #tpu.memory_space<hbm>>, %arg3: memref<20480x128xf32, #tpu.memory_space<hbm>>, %arg4: memref<5056x2x1x64xi32, #tpu.memory_space<hbm>>, %arg5: memref<20480x128xf32, #tpu.memory_space<hbm>>, %arg6: memref<8x2x1x64xi32, #tpu.memory_space<vmem>>, %arg7: memref<5x64x128xf32, #tpu.memory_space<vmem>>, %arg8: memref<10240x128xf32, #tpu.memory_space<vmem_shared>>, %arg9: memref<8x!tpu.dma_semaphore, #tpu.memory_space<semaphore_mem>>, %arg10: memref<5x!tpu.dma_semaphore, #tpu.memory_space<semaphore_mem>>) attributes {dimension_semantics = [#tpu.dimension_semantics<core_parallel>, #tpu.dimension_semantics<subcore_parallel>], iteration_bounds = array<i64: 2, 16>, scalar_prefetch = 0 : i64, scratch_operands = 5 : i64, tpu.core_type = #tpu.core_type<sc_vector_subcore>, window_params = [{transform_indices = #map}, {transform_indices = #map}, {transform_indices = #map1}, {transform_indices = #map}]} {
    %mul3A = arith.constant 10240 : i32
    %mul3A_0 = arith.muli %arg0, %mul3A : i32
    %mul3A_1 = arith.constant 640 : i32
    %mul3A_2 = arith.muli %arg1, %mul3A_1 : i32
    %add3A = arith.addi %mul3A_0, %mul3A_2 : i32
    %mul3A_3 = arith.constant 640 : i32
    %mul3A_4 = arith.muli %arg1, %mul3A_3 : i32
    "tpu.region"() ({
      %run_scoped3A = tpu.sem_alloc : memref<!tpu.dma_semaphore, #tpu.memory_space<semaphore_mem>>
      %dma_start3A_414 = arith.constant 0 : i32
      %dma_start3A_415 = tpu.memref_slice %arg8[%mul3A_4, %dma_start3A_414] : memref<10240x128xf32, #tpu.memory_space<vmem_shared>> -> memref<640x128xf32, #tpu.memory_space<vmem_shared>>
      %dma_start3A_416 = arith.constant 0 : i32
      %dma_start3A_417 = tpu.memref_slice %arg3[%add3A, %dma_start3A_416] : memref<20480x128xf32, #tpu.memory_space<hbm>> -> memref<640x128xf32, #tpu.memory_space<hbm>>
      tpu.enqueue_dma source(%dma_start3A_417 : memref<640x128xf32, #tpu.memory_space<hbm>>) target(%dma_start3A_415 : memref<640x128xf32, #tpu.memory_space<vmem_shared>>) target_semaphore(%run_scoped3A : memref<!tpu.dma_semaphore, #tpu.memory_space<semaphore_mem>>)
      %dma_wait3A_418 = arith.constant 0 : i32
      %dma_wait3A_419 = tpu.memref_slice %arg8[%mul3A_4, %dma_wait3A_418] : memref<10240x128xf32, #tpu.memory_space<vmem_shared>> -> memref<640x128xf32, #tpu.memory_space<vmem_shared>>
      %dma_wait3A_420 = arith.constant 0 : i32
      %dma_wait3A_421 = tpu.memref_slice %arg3[%add3A, %dma_wait3A_420] : memref<20480x128xf32, #tpu.memory_space<hbm>> -> memref<640x128xf32, #tpu.memory_space<hbm>>
      tpu.wait_dma2 semaphore(%run_scoped3A : memref<!tpu.dma_semaphore, #tpu.memory_space<semaphore_mem>>) src(%dma_wait3A_421 : memref<640x128xf32, #tpu.memory_space<hbm>>) dst(%dma_wait3A_419 : memref<640x128xf32, #tpu.memory_space<vmem_shared>>)
      tpu.yield
    }) : () -> ()
    %mul3A_5 = arith.constant 161792 : i32
    %mul3A_6 = arith.muli %arg0, %mul3A_5 : i32
    %mul3A_7 = arith.constant 10112 : i32
    %mul3A_8 = arith.muli %arg1, %mul3A_7 : i32
    %add3A_9 = arith.addi %mul3A_6, %mul3A_8 : i32
    %jit3A = arith.constant 64 : i32
    %div3A = arith.divsi %add3A_9, %jit3A : i32
    %sign3A = arith.constant 0 : i32
    %sign3A_10 = arith.cmpi sgt, %add3A_9, %sign3A : i32
    %sign3A_11 = arith.extui %sign3A_10 : i1 to i32
    %sign3A_12 = arith.constant 0 : i32
    %sign3A_13 = arith.cmpi slt, %add3A_9, %sign3A_12 : i32
    %sign3A_14 = arith.extui %sign3A_13 : i1 to i32
    %sign3A_15 = arith.subi %sign3A_11, %sign3A_14 : i32
    %sign3A_16 = arith.constant 0 : i32
    %sign3A_17 = arith.cmpi sgt, %jit3A, %sign3A_16 : i32
    %sign3A_18 = arith.extui %sign3A_17 : i1 to i32
    %sign3A_19 = arith.constant 0 : i32
    %sign3A_20 = arith.cmpi slt, %jit3A, %sign3A_19 : i32
    %sign3A_21 = arith.extui %sign3A_20 : i1 to i32
    %sign3A_22 = arith.subi %sign3A_18, %sign3A_21 : i32
    %ne3A = arith.cmpi ne, %sign3A_15, %sign3A_22 : i32
    %rem3A = arith.remsi %add3A_9, %jit3A : i32
    %ne3A_23 = arith.constant 0 : i32
    %ne3A_24 = arith.cmpi ne, %rem3A, %ne3A_23 : i32
    %and3A = arith.andi %ne3A, %ne3A_24 : i1
    %sub3A = arith.constant 1 : i32
    %sub3A_25 = arith.subi %div3A, %sub3A : i32
    %select_n3A = arith.select %and3A, %sub3A_25, %div3A : i32
    %rem3A_26 = arith.constant 0 : i32
    %rem3A_27 = arith.constant 8 : i32
    %rem3A_28 = arith.remsi %rem3A_26, %rem3A_27 : i32
    %add3A_29 = arith.constant 0 : i32
    %add3A_30 = arith.addi %select_n3A, %add3A_29 : i32
    %dma_start3A = arith.constant 0 : i32
    %dma_start3A_31 = arith.constant 0 : i32
    %dma_start3A_32 = arith.constant 0 : i32
    %dma_start3A_33 = tpu.memref_slice %arg6[%rem3A_28, %dma_start3A, %dma_start3A_31, %dma_start3A_32] : memref<8x2x1x64xi32, #tpu.memory_space<vmem>> -> memref<1x2x1x64xi32, #tpu.memory_space<vmem>>
    %dma_start3A_34 = tpu.memref_squeeze %dma_start3A_33 : memref<1x2x1x64xi32, #tpu.memory_space<vmem>> -> memref<2x1x64xi32, #tpu.memory_space<vmem>>
    %dma_start3A_35 = arith.constant 0 : i32
    %dma_start3A_36 = arith.constant 0 : i32
    %dma_start3A_37 = arith.constant 0 : i32
    %dma_start3A_38 = tpu.memref_slice %arg4[%add3A_30, %dma_start3A_35, %dma_start3A_36, %dma_start3A_37] : memref<5056x2x1x64xi32, #tpu.memory_space<hbm>> -> memref<1x2x1x64xi32, #tpu.memory_space<hbm>>
    %dma_start3A_39 = tpu.memref_squeeze %dma_start3A_38 : memref<1x2x1x64xi32, #tpu.memory_space<hbm>> -> memref<2x1x64xi32, #tpu.memory_space<hbm>>
    %dma_start3A_40 = tpu.memref_slice %arg9[%rem3A_28] : memref<8x!tpu.dma_semaphore, #tpu.memory_space<semaphore_mem>> -> memref<1x!tpu.dma_semaphore, #tpu.memory_space<semaphore_mem>>
    %dma_start3A_41 = tpu.memref_squeeze %dma_start3A_40 : memref<1x!tpu.dma_semaphore, #tpu.memory_space<semaphore_mem>> -> memref<!tpu.dma_semaphore, #tpu.memory_space<semaphore_mem>>
    %dma_start3A_42 = arith.constant 0 : i32
    %dma_start3A_43 = arith.constant 0 : i32
    %dma_start3A_44 = arith.constant 0 : i32
    %dma_start3A_45 = tpu.memref_slice %arg6[%rem3A_28, %dma_start3A_42, %dma_start3A_43, %dma_start3A_44] : memref<8x2x1x64xi32, #tpu.memory_space<vmem>> -> memref<1x2x1x64xi32, #tpu.memory_space<vmem>>
    %dma_start3A_46 = tpu.memref_squeeze %dma_start3A_45 : memref<1x2x1x64xi32, #tpu.memory_space<vmem>> -> memref<2x1x64xi32, #tpu.memory_space<vmem>>
    %dma_start3A_47 = arith.constant 0 : i32
    %dma_start3A_48 = arith.constant 0 : i32
    %dma_start3A_49 = arith.constant 0 : i32
    %dma_start3A_50 = tpu.memref_slice %arg4[%add3A_30, %dma_start3A_47, %dma_start3A_48, %dma_start3A_49] : memref<5056x2x1x64xi32, #tpu.memory_space<hbm>> -> memref<1x2x1x64xi32, #tpu.memory_space<hbm>>
    %dma_start3A_51 = tpu.memref_squeeze %dma_start3A_50 : memref<1x2x1x64xi32, #tpu.memory_space<hbm>> -> memref<2x1x64xi32, #tpu.memory_space<hbm>>
    tpu.enqueue_dma source(%dma_start3A_51 : memref<2x1x64xi32, #tpu.memory_space<hbm>>) target(%dma_start3A_46 : memref<2x1x64xi32, #tpu.memory_space<vmem>>) target_semaphore(%dma_start3A_41 : memref<!tpu.dma_semaphore, #tpu.memory_space<semaphore_mem>>)
    %rem3A_52 = arith.constant 1 : i32
    %rem3A_53 = arith.constant 8 : i32
    %rem3A_54 = arith.remsi %rem3A_52, %rem3A_53 : i32
    %add3A_55 = arith.constant 1 : i32
    %add3A_56 = arith.addi %select_n3A, %add3A_55 : i32
    %dma_start3A_57 = arith.constant 0 : i32
    %dma_start3A_58 = arith.constant 0 : i32
    %dma_start3A_59 = arith.constant 0 : i32
    %dma_start3A_60 = tpu.memref_slice %arg6[%rem3A_54, %dma_start3A_57, %dma_start3A_58, %dma_start3A_59] : memref<8x2x1x64xi32, #tpu.memory_space<vmem>> -> memref<1x2x1x64xi32, #tpu.memory_space<vmem>>
    %dma_start3A_61 = tpu.memref_squeeze %dma_start3A_60 : memref<1x2x1x64xi32, #tpu.memory_space<vmem>> -> memref<2x1x64xi32, #tpu.memory_space<vmem>>
    %dma_start3A_62 = arith.constant 0 : i32
    %dma_start3A_63 = arith.constant 0 : i32
    %dma_start3A_64 = arith.constant 0 : i32
    %dma_start3A_65 = tpu.memref_slice %arg4[%add3A_56, %dma_start3A_62, %dma_start3A_63, %dma_start3A_64] : memref<5056x2x1x64xi32, #tpu.memory_space<hbm>> -> memref<1x2x1x64xi32, #tpu.memory_space<hbm>>
    %dma_start3A_66 = tpu.memref_squeeze %dma_start3A_65 : memref<1x2x1x64xi32, #tpu.memory_space<hbm>> -> memref<2x1x64xi32, #tpu.memory_space<hbm>>
    %dma_start3A_67 = tpu.memref_slice %arg9[%rem3A_54] : memref<8x!tpu.dma_semaphore, #tpu.memory_space<semaphore_mem>> -> memref<1x!tpu.dma_semaphore, #tpu.memory_space<semaphore_mem>>
    %dma_start3A_68 = tpu.memref_squeeze %dma_start3A_67 : memref<1x!tpu.dma_semaphore, #tpu.memory_space<semaphore_mem>> -> memref<!tpu.dma_semaphore, #tpu.memory_space<semaphore_mem>>
    %dma_start3A_69 = arith.constant 0 : i32
    %dma_start3A_70 = arith.constant 0 : i32
    %dma_start3A_71 = arith.constant 0 : i32
    %dma_start3A_72 = tpu.memref_slice %arg6[%rem3A_54, %dma_start3A_69, %dma_start3A_70, %dma_start3A_71] : memref<8x2x1x64xi32, #tpu.memory_space<vmem>> -> memref<1x2x1x64xi32, #tpu.memory_space<vmem>>
    %dma_start3A_73 = tpu.memref_squeeze %dma_start3A_72 : memref<1x2x1x64xi32, #tpu.memory_space<vmem>> -> memref<2x1x64xi32, #tpu.memory_space<vmem>>
    %dma_start3A_74 = arith.constant 0 : i32
    %dma_start3A_75 = arith.constant 0 : i32
    %dma_start3A_76 = arith.constant 0 : i32
    %dma_start3A_77 = tpu.memref_slice %arg4[%add3A_56, %dma_start3A_74, %dma_start3A_75, %dma_start3A_76] : memref<5056x2x1x64xi32, #tpu.memory_space<hbm>> -> memref<1x2x1x64xi32, #tpu.memory_space<hbm>>
    %dma_start3A_78 = tpu.memref_squeeze %dma_start3A_77 : memref<1x2x1x64xi32, #tpu.memory_space<hbm>> -> memref<2x1x64xi32, #tpu.memory_space<hbm>>
    tpu.enqueue_dma source(%dma_start3A_78 : memref<2x1x64xi32, #tpu.memory_space<hbm>>) target(%dma_start3A_73 : memref<2x1x64xi32, #tpu.memory_space<vmem>>) target_semaphore(%dma_start3A_68 : memref<!tpu.dma_semaphore, #tpu.memory_space<semaphore_mem>>)
    %rem3A_79 = arith.constant 2 : i32
    %rem3A_80 = arith.constant 8 : i32
    %rem3A_81 = arith.remsi %rem3A_79, %rem3A_80 : i32
    %add3A_82 = arith.constant 2 : i32
    %add3A_83 = arith.addi %select_n3A, %add3A_82 : i32
    %dma_start3A_84 = arith.constant 0 : i32
    %dma_start3A_85 = arith.constant 0 : i32
    %dma_start3A_86 = arith.constant 0 : i32
    %dma_start3A_87 = tpu.memref_slice %arg6[%rem3A_81, %dma_start3A_84, %dma_start3A_85, %dma_start3A_86] : memref<8x2x1x64xi32, #tpu.memory_space<vmem>> -> memref<1x2x1x64xi32, #tpu.memory_space<vmem>>
    %dma_start3A_88 = tpu.memref_squeeze %dma_start3A_87 : memref<1x2x1x64xi32, #tpu.memory_space<vmem>> -> memref<2x1x64xi32, #tpu.memory_space<vmem>>
    %dma_start3A_89 = arith.constant 0 : i32
    %dma_start3A_90 = arith.constant 0 : i32
    %dma_start3A_91 = arith.constant 0 : i32
    %dma_start3A_92 = tpu.memref_slice %arg4[%add3A_83, %dma_start3A_89, %dma_start3A_90, %dma_start3A_91] : memref<5056x2x1x64xi32, #tpu.memory_space<hbm>> -> memref<1x2x1x64xi32, #tpu.memory_space<hbm>>
    %dma_start3A_93 = tpu.memref_squeeze %dma_start3A_92 : memref<1x2x1x64xi32, #tpu.memory_space<hbm>> -> memref<2x1x64xi32, #tpu.memory_space<hbm>>
    %dma_start3A_94 = tpu.memref_slice %arg9[%rem3A_81] : memref<8x!tpu.dma_semaphore, #tpu.memory_space<semaphore_mem>> -> memref<1x!tpu.dma_semaphore, #tpu.memory_space<semaphore_mem>>
    %dma_start3A_95 = tpu.memref_squeeze %dma_start3A_94 : memref<1x!tpu.dma_semaphore, #tpu.memory_space<semaphore_mem>> -> memref<!tpu.dma_semaphore, #tpu.memory_space<semaphore_mem>>
    %dma_start3A_96 = arith.constant 0 : i32
    %dma_start3A_97 = arith.constant 0 : i32
    %dma_start3A_98 = arith.constant 0 : i32
    %dma_start3A_99 = tpu.memref_slice %arg6[%rem3A_81, %dma_start3A_96, %dma_start3A_97, %dma_start3A_98] : memref<8x2x1x64xi32, #tpu.memory_space<vmem>> -> memref<1x2x1x64xi32, #tpu.memory_space<vmem>>
    %dma_start3A_100 = tpu.memref_squeeze %dma_start3A_99 : memref<1x2x1x64xi32, #tpu.memory_space<vmem>> -> memref<2x1x64xi32, #tpu.memory_space<vmem>>
    %dma_start3A_101 = arith.constant 0 : i32
    %dma_start3A_102 = arith.constant 0 : i32
    %dma_start3A_103 = arith.constant 0 : i32
    %dma_start3A_104 = tpu.memref_slice %arg4[%add3A_83, %dma_start3A_101, %dma_start3A_102, %dma_start3A_103] : memref<5056x2x1x64xi32, #tpu.memory_space<hbm>> -> memref<1x2x1x64xi32, #tpu.memory_space<hbm>>
    %dma_start3A_105 = tpu.memref_squeeze %dma_start3A_104 : memref<1x2x1x64xi32, #tpu.memory_space<hbm>> -> memref<2x1x64xi32, #tpu.memory_space<hbm>>
    tpu.enqueue_dma source(%dma_start3A_105 : memref<2x1x64xi32, #tpu.memory_space<hbm>>) target(%dma_start3A_100 : memref<2x1x64xi32, #tpu.memory_space<vmem>>) target_semaphore(%dma_start3A_95 : memref<!tpu.dma_semaphore, #tpu.memory_space<semaphore_mem>>)
    %rem3A_106 = arith.constant 3 : i32
    %rem3A_107 = arith.constant 8 : i32
    %rem3A_108 = arith.remsi %rem3A_106, %rem3A_107 : i32
    %add3A_109 = arith.constant 3 : i32
    %add3A_110 = arith.addi %select_n3A, %add3A_109 : i32
    %dma_start3A_111 = arith.constant 0 : i32
    %dma_start3A_112 = arith.constant 0 : i32
    %dma_start3A_113 = arith.constant 0 : i32
    %dma_start3A_114 = tpu.memref_slice %arg6[%rem3A_108, %dma_start3A_111, %dma_start3A_112, %dma_start3A_113] : memref<8x2x1x64xi32, #tpu.memory_space<vmem>> -> memref<1x2x1x64xi32, #tpu.memory_space<vmem>>
    %dma_start3A_115 = tpu.memref_squeeze %dma_start3A_114 : memref<1x2x1x64xi32, #tpu.memory_space<vmem>> -> memref<2x1x64xi32, #tpu.memory_space<vmem>>
    %dma_start3A_116 = arith.constant 0 : i32
    %dma_start3A_117 = arith.constant 0 : i32
    %dma_start3A_118 = arith.constant 0 : i32
    %dma_start3A_119 = tpu.memref_slice %arg4[%add3A_110, %dma_start3A_116, %dma_start3A_117, %dma_start3A_118] : memref<5056x2x1x64xi32, #tpu.memory_space<hbm>> -> memref<1x2x1x64xi32, #tpu.memory_space<hbm>>
    %dma_start3A_120 = tpu.memref_squeeze %dma_start3A_119 : memref<1x2x1x64xi32, #tpu.memory_space<hbm>> -> memref<2x1x64xi32, #tpu.memory_space<hbm>>
    %dma_start3A_121 = tpu.memref_slice %arg9[%rem3A_108] : memref<8x!tpu.dma_semaphore, #tpu.memory_space<semaphore_mem>> -> memref<1x!tpu.dma_semaphore, #tpu.memory_space<semaphore_mem>>
    %dma_start3A_122 = tpu.memref_squeeze %dma_start3A_121 : memref<1x!tpu.dma_semaphore, #tpu.memory_space<semaphore_mem>> -> memref<!tpu.dma_semaphore, #tpu.memory_space<semaphore_mem>>
    %dma_start3A_123 = arith.constant 0 : i32
    %dma_start3A_124 = arith.constant 0 : i32
    %dma_start3A_125 = arith.constant 0 : i32
    %dma_start3A_126 = tpu.memref_slice %arg6[%rem3A_108, %dma_start3A_123, %dma_start3A_124, %dma_start3A_125] : memref<8x2x1x64xi32, #tpu.memory_space<vmem>> -> memref<1x2x1x64xi32, #tpu.memory_space<vmem>>
    %dma_start3A_127 = tpu.memref_squeeze %dma_start3A_126 : memref<1x2x1x64xi32, #tpu.memory_space<vmem>> -> memref<2x1x64xi32, #tpu.memory_space<vmem>>
    %dma_start3A_128 = arith.constant 0 : i32
    %dma_start3A_129 = arith.constant 0 : i32
    %dma_start3A_130 = arith.constant 0 : i32
    %dma_start3A_131 = tpu.memref_slice %arg4[%add3A_110, %dma_start3A_128, %dma_start3A_129, %dma_start3A_130] : memref<5056x2x1x64xi32, #tpu.memory_space<hbm>> -> memref<1x2x1x64xi32, #tpu.memory_space<hbm>>
    %dma_start3A_132 = tpu.memref_squeeze %dma_start3A_131 : memref<1x2x1x64xi32, #tpu.memory_space<hbm>> -> memref<2x1x64xi32, #tpu.memory_space<hbm>>
    tpu.enqueue_dma source(%dma_start3A_132 : memref<2x1x64xi32, #tpu.memory_space<hbm>>) target(%dma_start3A_127 : memref<2x1x64xi32, #tpu.memory_space<vmem>>) target_semaphore(%dma_start3A_122 : memref<!tpu.dma_semaphore, #tpu.memory_space<semaphore_mem>>)
    %rem3A_133 = arith.constant 4 : i32
    %rem3A_134 = arith.constant 8 : i32
    %rem3A_135 = arith.remsi %rem3A_133, %rem3A_134 : i32
    %add3A_136 = arith.constant 4 : i32
    %add3A_137 = arith.addi %select_n3A, %add3A_136 : i32
    %dma_start3A_138 = arith.constant 0 : i32
    %dma_start3A_139 = arith.constant 0 : i32
    %dma_start3A_140 = arith.constant 0 : i32
    %dma_start3A_141 = tpu.memref_slice %arg6[%rem3A_135, %dma_start3A_138, %dma_start3A_139, %dma_start3A_140] : memref<8x2x1x64xi32, #tpu.memory_space<vmem>> -> memref<1x2x1x64xi32, #tpu.memory_space<vmem>>
    %dma_start3A_142 = tpu.memref_squeeze %dma_start3A_141 : memref<1x2x1x64xi32, #tpu.memory_space<vmem>> -> memref<2x1x64xi32, #tpu.memory_space<vmem>>
    %dma_start3A_143 = arith.constant 0 : i32
    %dma_start3A_144 = arith.constant 0 : i32
    %dma_start3A_145 = arith.constant 0 : i32
    %dma_start3A_146 = tpu.memref_slice %arg4[%add3A_137, %dma_start3A_143, %dma_start3A_144, %dma_start3A_145] : memref<5056x2x1x64xi32, #tpu.memory_space<hbm>> -> memref<1x2x1x64xi32, #tpu.memory_space<hbm>>
    %dma_start3A_147 = tpu.memref_squeeze %dma_start3A_146 : memref<1x2x1x64xi32, #tpu.memory_space<hbm>> -> memref<2x1x64xi32, #tpu.memory_space<hbm>>
    %dma_start3A_148 = tpu.memref_slice %arg9[%rem3A_135] : memref<8x!tpu.dma_semaphore, #tpu.memory_space<semaphore_mem>> -> memref<1x!tpu.dma_semaphore, #tpu.memory_space<semaphore_mem>>
    %dma_start3A_149 = tpu.memref_squeeze %dma_start3A_148 : memref<1x!tpu.dma_semaphore, #tpu.memory_space<semaphore_mem>> -> memref<!tpu.dma_semaphore, #tpu.memory_space<semaphore_mem>>
    %dma_start3A_150 = arith.constant 0 : i32
    %dma_start3A_151 = arith.constant 0 : i32
    %dma_start3A_152 = arith.constant 0 : i32
    %dma_start3A_153 = tpu.memref_slice %arg6[%rem3A_135, %dma_start3A_150, %dma_start3A_151, %dma_start3A_152] : memref<8x2x1x64xi32, #tpu.memory_space<vmem>> -> memref<1x2x1x64xi32, #tpu.memory_space<vmem>>
    %dma_start3A_154 = tpu.memref_squeeze %dma_start3A_153 : memref<1x2x1x64xi32, #tpu.memory_space<vmem>> -> memref<2x1x64xi32, #tpu.memory_space<vmem>>
    %dma_start3A_155 = arith.constant 0 : i32
    %dma_start3A_156 = arith.constant 0 : i32
    %dma_start3A_157 = arith.constant 0 : i32
    %dma_start3A_158 = tpu.memref_slice %arg4[%add3A_137, %dma_start3A_155, %dma_start3A_156, %dma_start3A_157] : memref<5056x2x1x64xi32, #tpu.memory_space<hbm>> -> memref<1x2x1x64xi32, #tpu.memory_space<hbm>>
    %dma_start3A_159 = tpu.memref_squeeze %dma_start3A_158 : memref<1x2x1x64xi32, #tpu.memory_space<hbm>> -> memref<2x1x64xi32, #tpu.memory_space<hbm>>
    tpu.enqueue_dma source(%dma_start3A_159 : memref<2x1x64xi32, #tpu.memory_space<hbm>>) target(%dma_start3A_154 : memref<2x1x64xi32, #tpu.memory_space<vmem>>) target_semaphore(%dma_start3A_149 : memref<!tpu.dma_semaphore, #tpu.memory_space<semaphore_mem>>)
    %rem3A_160 = arith.constant 5 : i32
    %rem3A_161 = arith.constant 8 : i32
    %rem3A_162 = arith.remsi %rem3A_160, %rem3A_161 : i32
    %add3A_163 = arith.constant 5 : i32
    %add3A_164 = arith.addi %select_n3A, %add3A_163 : i32
    %dma_start3A_165 = arith.constant 0 : i32
    %dma_start3A_166 = arith.constant 0 : i32
    %dma_start3A_167 = arith.constant 0 : i32
    %dma_start3A_168 = tpu.memref_slice %arg6[%rem3A_162, %dma_start3A_165, %dma_start3A_166, %dma_start3A_167] : memref<8x2x1x64xi32, #tpu.memory_space<vmem>> -> memref<1x2x1x64xi32, #tpu.memory_space<vmem>>
    %dma_start3A_169 = tpu.memref_squeeze %dma_start3A_168 : memref<1x2x1x64xi32, #tpu.memory_space<vmem>> -> memref<2x1x64xi32, #tpu.memory_space<vmem>>
    %dma_start3A_170 = arith.constant 0 : i32
    %dma_start3A_171 = arith.constant 0 : i32
    %dma_start3A_172 = arith.constant 0 : i32
    %dma_start3A_173 = tpu.memref_slice %arg4[%add3A_164, %dma_start3A_170, %dma_start3A_171, %dma_start3A_172] : memref<5056x2x1x64xi32, #tpu.memory_space<hbm>> -> memref<1x2x1x64xi32, #tpu.memory_space<hbm>>
    %dma_start3A_174 = tpu.memref_squeeze %dma_start3A_173 : memref<1x2x1x64xi32, #tpu.memory_space<hbm>> -> memref<2x1x64xi32, #tpu.memory_space<hbm>>
    %dma_start3A_175 = tpu.memref_slice %arg9[%rem3A_162] : memref<8x!tpu.dma_semaphore, #tpu.memory_space<semaphore_mem>> -> memref<1x!tpu.dma_semaphore, #tpu.memory_space<semaphore_mem>>
    %dma_start3A_176 = tpu.memref_squeeze %dma_start3A_175 : memref<1x!tpu.dma_semaphore, #tpu.memory_space<semaphore_mem>> -> memref<!tpu.dma_semaphore, #tpu.memory_space<semaphore_mem>>
    %dma_start3A_177 = arith.constant 0 : i32
    %dma_start3A_178 = arith.constant 0 : i32
    %dma_start3A_179 = arith.constant 0 : i32
    %dma_start3A_180 = tpu.memref_slice %arg6[%rem3A_162, %dma_start3A_177, %dma_start3A_178, %dma_start3A_179] : memref<8x2x1x64xi32, #tpu.memory_space<vmem>> -> memref<1x2x1x64xi32, #tpu.memory_space<vmem>>
    %dma_start3A_181 = tpu.memref_squeeze %dma_start3A_180 : memref<1x2x1x64xi32, #tpu.memory_space<vmem>> -> memref<2x1x64xi32, #tpu.memory_space<vmem>>
    %dma_start3A_182 = arith.constant 0 : i32
    %dma_start3A_183 = arith.constant 0 : i32
    %dma_start3A_184 = arith.constant 0 : i32
    %dma_start3A_185 = tpu.memref_slice %arg4[%add3A_164, %dma_start3A_182, %dma_start3A_183, %dma_start3A_184] : memref<5056x2x1x64xi32, #tpu.memory_space<hbm>> -> memref<1x2x1x64xi32, #tpu.memory_space<hbm>>
    %dma_start3A_186 = tpu.memref_squeeze %dma_start3A_185 : memref<1x2x1x64xi32, #tpu.memory_space<hbm>> -> memref<2x1x64xi32, #tpu.memory_space<hbm>>
    tpu.enqueue_dma source(%dma_start3A_186 : memref<2x1x64xi32, #tpu.memory_space<hbm>>) target(%dma_start3A_181 : memref<2x1x64xi32, #tpu.memory_space<vmem>>) target_semaphore(%dma_start3A_176 : memref<!tpu.dma_semaphore, #tpu.memory_space<semaphore_mem>>)
    %rem3A_187 = arith.constant 6 : i32
    %rem3A_188 = arith.constant 8 : i32
    %rem3A_189 = arith.remsi %rem3A_187, %rem3A_188 : i32
    %add3A_190 = arith.constant 6 : i32
    %add3A_191 = arith.addi %select_n3A, %add3A_190 : i32
    %dma_start3A_192 = arith.constant 0 : i32
    %dma_start3A_193 = arith.constant 0 : i32
    %dma_start3A_194 = arith.constant 0 : i32
    %dma_start3A_195 = tpu.memref_slice %arg6[%rem3A_189, %dma_start3A_192, %dma_start3A_193, %dma_start3A_194] : memref<8x2x1x64xi32, #tpu.memory_space<vmem>> -> memref<1x2x1x64xi32, #tpu.memory_space<vmem>>
    %dma_start3A_196 = tpu.memref_squeeze %dma_start3A_195 : memref<1x2x1x64xi32, #tpu.memory_space<vmem>> -> memref<2x1x64xi32, #tpu.memory_space<vmem>>
    %dma_start3A_197 = arith.constant 0 : i32
    %dma_start3A_198 = arith.constant 0 : i32
    %dma_start3A_199 = arith.constant 0 : i32
    %dma_start3A_200 = tpu.memref_slice %arg4[%add3A_191, %dma_start3A_197, %dma_start3A_198, %dma_start3A_199] : memref<5056x2x1x64xi32, #tpu.memory_space<hbm>> -> memref<1x2x1x64xi32, #tpu.memory_space<hbm>>
    %dma_start3A_201 = tpu.memref_squeeze %dma_start3A_200 : memref<1x2x1x64xi32, #tpu.memory_space<hbm>> -> memref<2x1x64xi32, #tpu.memory_space<hbm>>
    %dma_start3A_202 = tpu.memref_slice %arg9[%rem3A_189] : memref<8x!tpu.dma_semaphore, #tpu.memory_space<semaphore_mem>> -> memref<1x!tpu.dma_semaphore, #tpu.memory_space<semaphore_mem>>
    %dma_start3A_203 = tpu.memref_squeeze %dma_start3A_202 : memref<1x!tpu.dma_semaphore, #tpu.memory_space<semaphore_mem>> -> memref<!tpu.dma_semaphore, #tpu.memory_space<semaphore_mem>>
    %dma_start3A_204 = arith.constant 0 : i32
    %dma_start3A_205 = arith.constant 0 : i32
    %dma_start3A_206 = arith.constant 0 : i32
    %dma_start3A_207 = tpu.memref_slice %arg6[%rem3A_189, %dma_start3A_204, %dma_start3A_205, %dma_start3A_206] : memref<8x2x1x64xi32, #tpu.memory_space<vmem>> -> memref<1x2x1x64xi32, #tpu.memory_space<vmem>>
    %dma_start3A_208 = tpu.memref_squeeze %dma_start3A_207 : memref<1x2x1x64xi32, #tpu.memory_space<vmem>> -> memref<2x1x64xi32, #tpu.memory_space<vmem>>
    %dma_start3A_209 = arith.constant 0 : i32
    %dma_start3A_210 = arith.constant 0 : i32
    %dma_start3A_211 = arith.constant 0 : i32
    %dma_start3A_212 = tpu.memref_slice %arg4[%add3A_191, %dma_start3A_209, %dma_start3A_210, %dma_start3A_211] : memref<5056x2x1x64xi32, #tpu.memory_space<hbm>> -> memref<1x2x1x64xi32, #tpu.memory_space<hbm>>
    %dma_start3A_213 = tpu.memref_squeeze %dma_start3A_212 : memref<1x2x1x64xi32, #tpu.memory_space<hbm>> -> memref<2x1x64xi32, #tpu.memory_space<hbm>>
    tpu.enqueue_dma source(%dma_start3A_213 : memref<2x1x64xi32, #tpu.memory_space<hbm>>) target(%dma_start3A_208 : memref<2x1x64xi32, #tpu.memory_space<vmem>>) target_semaphore(%dma_start3A_203 : memref<!tpu.dma_semaphore, #tpu.memory_space<semaphore_mem>>)
    %rem3A_214 = arith.constant 0 : i32
    %rem3A_215 = arith.constant 8 : i32
    %rem3A_216 = arith.remsi %rem3A_214, %rem3A_215 : i32
    %add3A_217 = arith.constant 0 : i32
    %add3A_218 = arith.addi %select_n3A, %add3A_217 : i32
    %dma_wait3A = arith.constant 0 : i32
    %dma_wait3A_219 = arith.constant 0 : i32
    %dma_wait3A_220 = arith.constant 0 : i32
    %dma_wait3A_221 = tpu.memref_slice %arg6[%rem3A_216, %dma_wait3A, %dma_wait3A_219, %dma_wait3A_220] : memref<8x2x1x64xi32, #tpu.memory_space<vmem>> -> memref<1x2x1x64xi32, #tpu.memory_space<vmem>>
    %dma_wait3A_222 = tpu.memref_squeeze %dma_wait3A_221 : memref<1x2x1x64xi32, #tpu.memory_space<vmem>> -> memref<2x1x64xi32, #tpu.memory_space<vmem>>
    %dma_wait3A_223 = arith.constant 0 : i32
    %dma_wait3A_224 = arith.constant 0 : i32
    %dma_wait3A_225 = arith.constant 0 : i32
    %dma_wait3A_226 = tpu.memref_slice %arg4[%add3A_218, %dma_wait3A_223, %dma_wait3A_224, %dma_wait3A_225] : memref<5056x2x1x64xi32, #tpu.memory_space<hbm>> -> memref<1x2x1x64xi32, #tpu.memory_space<hbm>>
    %dma_wait3A_227 = tpu.memref_squeeze %dma_wait3A_226 : memref<1x2x1x64xi32, #tpu.memory_space<hbm>> -> memref<2x1x64xi32, #tpu.memory_space<hbm>>
    %dma_wait3A_228 = tpu.memref_slice %arg9[%rem3A_216] : memref<8x!tpu.dma_semaphore, #tpu.memory_space<semaphore_mem>> -> memref<1x!tpu.dma_semaphore, #tpu.memory_space<semaphore_mem>>
    %dma_wait3A_229 = tpu.memref_squeeze %dma_wait3A_228 : memref<1x!tpu.dma_semaphore, #tpu.memory_space<semaphore_mem>> -> memref<!tpu.dma_semaphore, #tpu.memory_space<semaphore_mem>>
    %dma_wait3A_230 = arith.constant 0 : i32
    %dma_wait3A_231 = arith.constant 0 : i32
    %dma_wait3A_232 = arith.constant 0 : i32
    %dma_wait3A_233 = tpu.memref_slice %arg6[%rem3A_216, %dma_wait3A_230, %dma_wait3A_231, %dma_wait3A_232] : memref<8x2x1x64xi32, #tpu.memory_space<vmem>> -> memref<1x2x1x64xi32, #tpu.memory_space<vmem>>
    %dma_wait3A_234 = tpu.memref_squeeze %dma_wait3A_233 : memref<1x2x1x64xi32, #tpu.memory_space<vmem>> -> memref<2x1x64xi32, #tpu.memory_space<vmem>>
    %dma_wait3A_235 = arith.constant 0 : i32
    %dma_wait3A_236 = arith.constant 0 : i32
    %dma_wait3A_237 = arith.constant 0 : i32
    %dma_wait3A_238 = tpu.memref_slice %arg4[%add3A_218, %dma_wait3A_235, %dma_wait3A_236, %dma_wait3A_237] : memref<5056x2x1x64xi32, #tpu.memory_space<hbm>> -> memref<1x2x1x64xi32, #tpu.memory_space<hbm>>
    %dma_wait3A_239 = tpu.memref_squeeze %dma_wait3A_238 : memref<1x2x1x64xi32, #tpu.memory_space<hbm>> -> memref<2x1x64xi32, #tpu.memory_space<hbm>>
    tpu.wait_dma2 semaphore(%dma_wait3A_229 : memref<!tpu.dma_semaphore, #tpu.memory_space<semaphore_mem>>) src(%dma_wait3A_239 : memref<2x1x64xi32, #tpu.memory_space<hbm>>) dst(%dma_wait3A_234 : memref<2x1x64xi32, #tpu.memory_space<vmem>>)
    %rem3A_240 = arith.constant 0 : i32
    %rem3A_241 = arith.constant 8 : i32
    %rem3A_242 = arith.remsi %rem3A_240, %rem3A_241 : i32
    %rem3A_243 = arith.constant 0 : i32
    %rem3A_244 = arith.constant 5 : i32
    %rem3A_245 = arith.remsi %rem3A_243, %rem3A_244 : i32
    %dma_start3A_246 = arith.constant 0 : i32
    %dma_start3A_247 = arith.constant 0 : i32
    %dma_start3A_248 = arith.constant 0 : i32
    %dma_start3A_249 = arith.constant 0 : i32
    %dma_start3A_250 = tpu.memref_slice %arg7[%rem3A_245, %dma_start3A_248, %dma_start3A_249] : memref<5x64x128xf32, #tpu.memory_space<vmem>> -> memref<1x64x128xf32, #tpu.memory_space<vmem>>
    %dma_start3A_251 = tpu.memref_squeeze %dma_start3A_250 : memref<1x64x128xf32, #tpu.memory_space<vmem>> -> memref<64x128xf32, #tpu.memory_space<vmem>>
    %dma_start3A_252 = arith.constant 0 : i32
    %dma_start3A_253 = tpu.memref_slice %arg6[%rem3A_242, %dma_start3A_246, %dma_start3A_247, %dma_start3A_252] : memref<8x2x1x64xi32, #tpu.memory_space<vmem>> -> memref<1x1x1x64xi32, #tpu.memory_space<vmem>>
    %dma_start3A_254 = tpu.memref_squeeze %dma_start3A_253 : memref<1x1x1x64xi32, #tpu.memory_space<vmem>> -> memref<64xi32, #tpu.memory_space<vmem>>
    %dma_start3A_255 = arith.constant 0 : i32
    %dma_start3A_256 = arith.constant 0 : i32
    %dma_start3A_257 = tpu.memref_slice %arg2[%dma_start3A_255, %dma_start3A_256] : memref<10240x128xf32, #tpu.memory_space<hbm>> -> memref<10240x128xf32, #tpu.memory_space<hbm>>
    %dma_start3A_258 = tpu.memref_slice %arg10[%rem3A_245] : memref<5x!tpu.dma_semaphore, #tpu.memory_space<semaphore_mem>> -> memref<1x!tpu.dma_semaphore, #tpu.memory_space<semaphore_mem>>
    %dma_start3A_259 = tpu.memref_squeeze %dma_start3A_258 : memref<1x!tpu.dma_semaphore, #tpu.memory_space<semaphore_mem>> -> memref<!tpu.dma_semaphore, #tpu.memory_space<semaphore_mem>>
    tpu.enqueue_indirect_dma source(%dma_start3A_257 : memref<10240x128xf32, #tpu.memory_space<hbm>>) target(%dma_start3A_251 : memref<64x128xf32, #tpu.memory_space<vmem>>) offsets(%dma_start3A_254 : memref<64xi32, #tpu.memory_space<vmem>>) semaphore(%dma_start3A_259 : memref<!tpu.dma_semaphore, #tpu.memory_space<semaphore_mem>>)
    %rem3A_260 = arith.constant 1 : i32
    %rem3A_261 = arith.constant 8 : i32
    %rem3A_262 = arith.remsi %rem3A_260, %rem3A_261 : i32
    %add3A_263 = arith.constant 1 : i32
    %add3A_264 = arith.addi %select_n3A, %add3A_263 : i32
    %dma_wait3A_265 = arith.constant 0 : i32
    %dma_wait3A_266 = arith.constant 0 : i32
    %dma_wait3A_267 = arith.constant 0 : i32
    %dma_wait3A_268 = tpu.memref_slice %arg6[%rem3A_262, %dma_wait3A_265, %dma_wait3A_266, %dma_wait3A_267] : memref<8x2x1x64xi32, #tpu.memory_space<vmem>> -> memref<1x2x1x64xi32, #tpu.memory_space<vmem>>
    %dma_wait3A_269 = tpu.memref_squeeze %dma_wait3A_268 : memref<1x2x1x64xi32, #tpu.memory_space<vmem>> -> memref<2x1x64xi32, #tpu.memory_space<vmem>>
    %dma_wait3A_270 = arith.constant 0 : i32
    %dma_wait3A_271 = arith.constant 0 : i32
    %dma_wait3A_272 = arith.constant 0 : i32
    %dma_wait3A_273 = tpu.memref_slice %arg4[%add3A_264, %dma_wait3A_270, %dma_wait3A_271, %dma_wait3A_272] : memref<5056x2x1x64xi32, #tpu.memory_space<hbm>> -> memref<1x2x1x64xi32, #tpu.memory_space<hbm>>
    %dma_wait3A_274 = tpu.memref_squeeze %dma_wait3A_273 : memref<1x2x1x64xi32, #tpu.memory_space<hbm>> -> memref<2x1x64xi32, #tpu.memory_space<hbm>>
    %dma_wait3A_275 = tpu.memref_slice %arg9[%rem3A_262] : memref<8x!tpu.dma_semaphore, #tpu.memory_space<semaphore_mem>> -> memref<1x!tpu.dma_semaphore, #tpu.memory_space<semaphore_mem>>
    %dma_wait3A_276 = tpu.memref_squeeze %dma_wait3A_275 : memref<1x!tpu.dma_semaphore, #tpu.memory_space<semaphore_mem>> -> memref<!tpu.dma_semaphore, #tpu.memory_space<semaphore_mem>>
    %dma_wait3A_277 = arith.constant 0 : i32
    %dma_wait3A_278 = arith.constant 0 : i32
    %dma_wait3A_279 = arith.constant 0 : i32
    %dma_wait3A_280 = tpu.memref_slice %arg6[%rem3A_262, %dma_wait3A_277, %dma_wait3A_278, %dma_wait3A_279] : memref<8x2x1x64xi32, #tpu.memory_space<vmem>> -> memref<1x2x1x64xi32, #tpu.memory_space<vmem>>
    %dma_wait3A_281 = tpu.memref_squeeze %dma_wait3A_280 : memref<1x2x1x64xi32, #tpu.memory_space<vmem>> -> memref<2x1x64xi32, #tpu.memory_space<vmem>>
    %dma_wait3A_282 = arith.constant 0 : i32
    %dma_wait3A_283 = arith.constant 0 : i32
    %dma_wait3A_284 = arith.constant 0 : i32
    %dma_wait3A_285 = tpu.memref_slice %arg4[%add3A_264, %dma_wait3A_282, %dma_wait3A_283, %dma_wait3A_284] : memref<5056x2x1x64xi32, #tpu.memory_space<hbm>> -> memref<1x2x1x64xi32, #tpu.memory_space<hbm>>
    %dma_wait3A_286 = tpu.memref_squeeze %dma_wait3A_285 : memref<1x2x1x64xi32, #tpu.memory_space<hbm>> -> memref<2x1x64xi32, #tpu.memory_space<hbm>>
    tpu.wait_dma2 semaphore(%dma_wait3A_276 : memref<!tpu.dma_semaphore, #tpu.memory_space<semaphore_mem>>) src(%dma_wait3A_286 : memref<2x1x64xi32, #tpu.memory_space<hbm>>) dst(%dma_wait3A_281 : memref<2x1x64xi32, #tpu.memory_space<vmem>>)
    %rem3A_287 = arith.constant 1 : i32
    %rem3A_288 = arith.constant 8 : i32
    %rem3A_289 = arith.remsi %rem3A_287, %rem3A_288 : i32
    %rem3A_290 = arith.constant 1 : i32
    %rem3A_291 = arith.constant 5 : i32
    %rem3A_292 = arith.remsi %rem3A_290, %rem3A_291 : i32
    %dma_start3A_293 = arith.constant 0 : i32
    %dma_start3A_294 = arith.constant 0 : i32
    %dma_start3A_295 = arith.constant 0 : i32
    %dma_start3A_296 = arith.constant 0 : i32
    %dma_start3A_297 = tpu.memref_slice %arg7[%rem3A_292, %dma_start3A_295, %dma_start3A_296] : memref<5x64x128xf32, #tpu.memory_space<vmem>> -> memref<1x64x128xf32, #tpu.memory_space<vmem>>
    %dma_start3A_298 = tpu.memref_squeeze %dma_start3A_297 : memref<1x64x128xf32, #tpu.memory_space<vmem>> -> memref<64x128xf32, #tpu.memory_space<vmem>>
    %dma_start3A_299 = arith.constant 0 : i32
    %dma_start3A_300 = tpu.memref_slice %arg6[%rem3A_289, %dma_start3A_293, %dma_start3A_294, %dma_start3A_299] : memref<8x2x1x64xi32, #tpu.memory_space<vmem>> -> memref<1x1x1x64xi32, #tpu.memory_space<vmem>>
    %dma_start3A_301 = tpu.memref_squeeze %dma_start3A_300 : memref<1x1x1x64xi32, #tpu.memory_space<vmem>> -> memref<64xi32, #tpu.memory_space<vmem>>
    %dma_start3A_302 = arith.constant 0 : i32
    %dma_start3A_303 = arith.constant 0 : i32
    %dma_start3A_304 = tpu.memref_slice %arg2[%dma_start3A_302, %dma_start3A_303] : memref<10240x128xf32, #tpu.memory_space<hbm>> -> memref<10240x128xf32, #tpu.memory_space<hbm>>
    %dma_start3A_305 = tpu.memref_slice %arg10[%rem3A_292] : memref<5x!tpu.dma_semaphore, #tpu.memory_space<semaphore_mem>> -> memref<1x!tpu.dma_semaphore, #tpu.memory_space<semaphore_mem>>
    %dma_start3A_306 = tpu.memref_squeeze %dma_start3A_305 : memref<1x!tpu.dma_semaphore, #tpu.memory_space<semaphore_mem>> -> memref<!tpu.dma_semaphore, #tpu.memory_space<semaphore_mem>>
    tpu.enqueue_indirect_dma source(%dma_start3A_304 : memref<10240x128xf32, #tpu.memory_space<hbm>>) target(%dma_start3A_298 : memref<64x128xf32, #tpu.memory_space<vmem>>) offsets(%dma_start3A_301 : memref<64xi32, #tpu.memory_space<vmem>>) semaphore(%dma_start3A_306 : memref<!tpu.dma_semaphore, #tpu.memory_space<semaphore_mem>>)
    %rem3A_307 = arith.constant 2 : i32
    %rem3A_308 = arith.constant 8 : i32
    %rem3A_309 = arith.remsi %rem3A_307, %rem3A_308 : i32
    %add3A_310 = arith.constant 2 : i32
    %add3A_311 = arith.addi %select_n3A, %add3A_310 : i32
    %dma_wait3A_312 = arith.constant 0 : i32
    %dma_wait3A_313 = arith.constant 0 : i32
    %dma_wait3A_314 = arith.constant 0 : i32
    %dma_wait3A_315 = tpu.memref_slice %arg6[%rem3A_309, %dma_wait3A_312, %dma_wait3A_313, %dma_wait3A_314] : memref<8x2x1x64xi32, #tpu.memory_space<vmem>> -> memref<1x2x1x64xi32, #tpu.memory_space<vmem>>
    %dma_wait3A_316 = tpu.memref_squeeze %dma_wait3A_315 : memref<1x2x1x64xi32, #tpu.memory_space<vmem>> -> memref<2x1x64xi32, #tpu.memory_space<vmem>>
    %dma_wait3A_317 = arith.constant 0 : i32
    %dma_wait3A_318 = arith.constant 0 : i32
    %dma_wait3A_319 = arith.constant 0 : i32
    %dma_wait3A_320 = tpu.memref_slice %arg4[%add3A_311, %dma_wait3A_317, %dma_wait3A_318, %dma_wait3A_319] : memref<5056x2x1x64xi32, #tpu.memory_space<hbm>> -> memref<1x2x1x64xi32, #tpu.memory_space<hbm>>
    %dma_wait3A_321 = tpu.memref_squeeze %dma_wait3A_320 : memref<1x2x1x64xi32, #tpu.memory_space<hbm>> -> memref<2x1x64xi32, #tpu.memory_space<hbm>>
    %dma_wait3A_322 = tpu.memref_slice %arg9[%rem3A_309] : memref<8x!tpu.dma_semaphore, #tpu.memory_space<semaphore_mem>> -> memref<1x!tpu.dma_semaphore, #tpu.memory_space<semaphore_mem>>
    %dma_wait3A_323 = tpu.memref_squeeze %dma_wait3A_322 : memref<1x!tpu.dma_semaphore, #tpu.memory_space<semaphore_mem>> -> memref<!tpu.dma_semaphore, #tpu.memory_space<semaphore_mem>>
    %dma_wait3A_324 = arith.constant 0 : i32
    %dma_wait3A_325 = arith.constant 0 : i32
    %dma_wait3A_326 = arith.constant 0 : i32
    %dma_wait3A_327 = tpu.memref_slice %arg6[%rem3A_309, %dma_wait3A_324, %dma_wait3A_325, %dma_wait3A_326] : memref<8x2x1x64xi32, #tpu.memory_space<vmem>> -> memref<1x2x1x64xi32, #tpu.memory_space<vmem>>
    %dma_wait3A_328 = tpu.memref_squeeze %dma_wait3A_327 : memref<1x2x1x64xi32, #tpu.memory_space<vmem>> -> memref<2x1x64xi32, #tpu.memory_space<vmem>>
    %dma_wait3A_329 = arith.constant 0 : i32
    %dma_wait3A_330 = arith.constant 0 : i32
    %dma_wait3A_331 = arith.constant 0 : i32
    %dma_wait3A_332 = tpu.memref_slice %arg4[%add3A_311, %dma_wait3A_329, %dma_wait3A_330, %dma_wait3A_331] : memref<5056x2x1x64xi32, #tpu.memory_space<hbm>> -> memref<1x2x1x64xi32, #tpu.memory_space<hbm>>
    %dma_wait3A_333 = tpu.memref_squeeze %dma_wait3A_332 : memref<1x2x1x64xi32, #tpu.memory_space<hbm>> -> memref<2x1x64xi32, #tpu.memory_space<hbm>>
    tpu.wait_dma2 semaphore(%dma_wait3A_323 : memref<!tpu.dma_semaphore, #tpu.memory_space<semaphore_mem>>) src(%dma_wait3A_333 : memref<2x1x64xi32, #tpu.memory_space<hbm>>) dst(%dma_wait3A_328 : memref<2x1x64xi32, #tpu.memory_space<vmem>>)
    %rem3A_334 = arith.constant 2 : i32
    %rem3A_335 = arith.constant 8 : i32
    %rem3A_336 = arith.remsi %rem3A_334, %rem3A_335 : i32
    %rem3A_337 = arith.constant 2 : i32
    %rem3A_338 = arith.constant 5 : i32
    %rem3A_339 = arith.remsi %rem3A_337, %rem3A_338 : i32
    %dma_start3A_340 = arith.constant 0 : i32
    %dma_start3A_341 = arith.constant 0 : i32
    %dma_start3A_342 = arith.constant 0 : i32
    %dma_start3A_343 = arith.constant 0 : i32
    %dma_start3A_344 = tpu.memref_slice %arg7[%rem3A_339, %dma_start3A_342, %dma_start3A_343] : memref<5x64x128xf32, #tpu.memory_space<vmem>> -> memref<1x64x128xf32, #tpu.memory_space<vmem>>
    %dma_start3A_345 = tpu.memref_squeeze %dma_start3A_344 : memref<1x64x128xf32, #tpu.memory_space<vmem>> -> memref<64x128xf32, #tpu.memory_space<vmem>>
    %dma_start3A_346 = arith.constant 0 : i32
    %dma_start3A_347 = tpu.memref_slice %arg6[%rem3A_336, %dma_start3A_340, %dma_start3A_341, %dma_start3A_346] : memref<8x2x1x64xi32, #tpu.memory_space<vmem>> -> memref<1x1x1x64xi32, #tpu.memory_space<vmem>>
    %dma_start3A_348 = tpu.memref_squeeze %dma_start3A_347 : memref<1x1x1x64xi32, #tpu.memory_space<vmem>> -> memref<64xi32, #tpu.memory_space<vmem>>
    %dma_start3A_349 = arith.constant 0 : i32
    %dma_start3A_350 = arith.constant 0 : i32
    %dma_start3A_351 = tpu.memref_slice %arg2[%dma_start3A_349, %dma_start3A_350] : memref<10240x128xf32, #tpu.memory_space<hbm>> -> memref<10240x128xf32, #tpu.memory_space<hbm>>
    %dma_start3A_352 = tpu.memref_slice %arg10[%rem3A_339] : memref<5x!tpu.dma_semaphore, #tpu.memory_space<semaphore_mem>> -> memref<1x!tpu.dma_semaphore, #tpu.memory_space<semaphore_mem>>
    %dma_start3A_353 = tpu.memref_squeeze %dma_start3A_352 : memref<1x!tpu.dma_semaphore, #tpu.memory_space<semaphore_mem>> -> memref<!tpu.dma_semaphore, #tpu.memory_space<semaphore_mem>>
    tpu.enqueue_indirect_dma source(%dma_start3A_351 : memref<10240x128xf32, #tpu.memory_space<hbm>>) target(%dma_start3A_345 : memref<64x128xf32, #tpu.memory_space<vmem>>) offsets(%dma_start3A_348 : memref<64xi32, #tpu.memory_space<vmem>>) semaphore(%dma_start3A_353 : memref<!tpu.dma_semaphore, #tpu.memory_space<semaphore_mem>>)
    %rem3A_354 = arith.constant 3 : i32
    %rem3A_355 = arith.constant 8 : i32
    %rem3A_356 = arith.remsi %rem3A_354, %rem3A_355 : i32
    %add3A_357 = arith.constant 3 : i32
    %add3A_358 = arith.addi %select_n3A, %add3A_357 : i32
    %dma_wait3A_359 = arith.constant 0 : i32
    %dma_wait3A_360 = arith.constant 0 : i32
    %dma_wait3A_361 = arith.constant 0 : i32
    %dma_wait3A_362 = tpu.memref_slice %arg6[%rem3A_356, %dma_wait3A_359, %dma_wait3A_360, %dma_wait3A_361] : memref<8x2x1x64xi32, #tpu.memory_space<vmem>> -> memref<1x2x1x64xi32, #tpu.memory_space<vmem>>
    %dma_wait3A_363 = tpu.memref_squeeze %dma_wait3A_362 : memref<1x2x1x64xi32, #tpu.memory_space<vmem>> -> memref<2x1x64xi32, #tpu.memory_space<vmem>>
    %dma_wait3A_364 = arith.constant 0 : i32
    %dma_wait3A_365 = arith.constant 0 : i32
    %dma_wait3A_366 = arith.constant 0 : i32
    %dma_wait3A_367 = tpu.memref_slice %arg4[%add3A_358, %dma_wait3A_364, %dma_wait3A_365, %dma_wait3A_366] : memref<5056x2x1x64xi32, #tpu.memory_space<hbm>> -> memref<1x2x1x64xi32, #tpu.memory_space<hbm>>
    %dma_wait3A_368 = tpu.memref_squeeze %dma_wait3A_367 : memref<1x2x1x64xi32, #tpu.memory_space<hbm>> -> memref<2x1x64xi32, #tpu.memory_space<hbm>>
    %dma_wait3A_369 = tpu.memref_slice %arg9[%rem3A_356] : memref<8x!tpu.dma_semaphore, #tpu.memory_space<semaphore_mem>> -> memref<1x!tpu.dma_semaphore, #tpu.memory_space<semaphore_mem>>
    %dma_wait3A_370 = tpu.memref_squeeze %dma_wait3A_369 : memref<1x!tpu.dma_semaphore, #tpu.memory_space<semaphore_mem>> -> memref<!tpu.dma_semaphore, #tpu.memory_space<semaphore_mem>>
    %dma_wait3A_371 = arith.constant 0 : i32
    %dma_wait3A_372 = arith.constant 0 : i32
    %dma_wait3A_373 = arith.constant 0 : i32
    %dma_wait3A_374 = tpu.memref_slice %arg6[%rem3A_356, %dma_wait3A_371, %dma_wait3A_372, %dma_wait3A_373] : memref<8x2x1x64xi32, #tpu.memory_space<vmem>> -> memref<1x2x1x64xi32, #tpu.memory_space<vmem>>
    %dma_wait3A_375 = tpu.memref_squeeze %dma_wait3A_374 : memref<1x2x1x64xi32, #tpu.memory_space<vmem>> -> memref<2x1x64xi32, #tpu.memory_space<vmem>>
    %dma_wait3A_376 = arith.constant 0 : i32
    %dma_wait3A_377 = arith.constant 0 : i32
    %dma_wait3A_378 = arith.constant 0 : i32
    %dma_wait3A_379 = tpu.memref_slice %arg4[%add3A_358, %dma_wait3A_376, %dma_wait3A_377, %dma_wait3A_378] : memref<5056x2x1x64xi32, #tpu.memory_space<hbm>> -> memref<1x2x1x64xi32, #tpu.memory_space<hbm>>
    %dma_wait3A_380 = tpu.memref_squeeze %dma_wait3A_379 : memref<1x2x1x64xi32, #tpu.memory_space<hbm>> -> memref<2x1x64xi32, #tpu.memory_space<hbm>>
    tpu.wait_dma2 semaphore(%dma_wait3A_370 : memref<!tpu.dma_semaphore, #tpu.memory_space<semaphore_mem>>) src(%dma_wait3A_380 : memref<2x1x64xi32, #tpu.memory_space<hbm>>) dst(%dma_wait3A_375 : memref<2x1x64xi32, #tpu.memory_space<vmem>>)
    %rem3A_381 = arith.constant 3 : i32
    %rem3A_382 = arith.constant 8 : i32
    %rem3A_383 = arith.remsi %rem3A_381, %rem3A_382 : i32
    %rem3A_384 = arith.constant 3 : i32
    %rem3A_385 = arith.constant 5 : i32
    %rem3A_386 = arith.remsi %rem3A_384, %rem3A_385 : i32
    %dma_start3A_387 = arith.constant 0 : i32
    %dma_start3A_388 = arith.constant 0 : i32
    %dma_start3A_389 = arith.constant 0 : i32
    %dma_start3A_390 = arith.constant 0 : i32
    %dma_start3A_391 = tpu.memref_slice %arg7[%rem3A_386, %dma_start3A_389, %dma_start3A_390] : memref<5x64x128xf32, #tpu.memory_space<vmem>> -> memref<1x64x128xf32, #tpu.memory_space<vmem>>
    %dma_start3A_392 = tpu.memref_squeeze %dma_start3A_391 : memref<1x64x128xf32, #tpu.memory_space<vmem>> -> memref<64x128xf32, #tpu.memory_space<vmem>>
    %dma_start3A_393 = arith.constant 0 : i32
    %dma_start3A_394 = tpu.memref_slice %arg6[%rem3A_383, %dma_start3A_387, %dma_start3A_388, %dma_start3A_393] : memref<8x2x1x64xi32, #tpu.memory_space<vmem>> -> memref<1x1x1x64xi32, #tpu.memory_space<vmem>>
    %dma_start3A_395 = tpu.memref_squeeze %dma_start3A_394 : memref<1x1x1x64xi32, #tpu.memory_space<vmem>> -> memref<64xi32, #tpu.memory_space<vmem>>
    %dma_start3A_396 = arith.constant 0 : i32
    %dma_start3A_397 = arith.constant 0 : i32
    %dma_start3A_398 = tpu.memref_slice %arg2[%dma_start3A_396, %dma_start3A_397] : memref<10240x128xf32, #tpu.memory_space<hbm>> -> memref<10240x128xf32, #tpu.memory_space<hbm>>
    %dma_start3A_399 = tpu.memref_slice %arg10[%rem3A_386] : memref<5x!tpu.dma_semaphore, #tpu.memory_space<semaphore_mem>> -> memref<1x!tpu.dma_semaphore, #tpu.memory_space<semaphore_mem>>
    %dma_start3A_400 = tpu.memref_squeeze %dma_start3A_399 : memref<1x!tpu.dma_semaphore, #tpu.memory_space<semaphore_mem>> -> memref<!tpu.dma_semaphore, #tpu.memory_space<semaphore_mem>>
    tpu.enqueue_indirect_dma source(%dma_start3A_398 : memref<10240x128xf32, #tpu.memory_space<hbm>>) target(%dma_start3A_392 : memref<64x128xf32, #tpu.memory_space<vmem>>) offsets(%dma_start3A_395 : memref<64xi32, #tpu.memory_space<vmem>>) semaphore(%dma_start3A_400 : memref<!tpu.dma_semaphore, #tpu.memory_space<semaphore_mem>>)
    %barrier3A = arith.constant 0 : index
    tpu.barrier barrier_id(%barrier3A)
    %scan3A = arith.constant 0 : i32
    %scan3A_401 = arith.constant 0 : i32
    %scan3A_402 = arith.constant 158 : i32
    %scan3A_403 = arith.addi %scan3A_401, %scan3A_402 : i32
    %scan3A_404 = arith.constant 1 : i32
    scf.for %scan3A_414 = %scan3A_401 to %scan3A_403 step %scan3A_404  : i32 {
      %rem3A_415 = arith.constant 8 : i32
      %rem3A_416 = arith.remsi %scan3A_414, %rem3A_415 : i32
      %rem3A_417 = arith.constant 5 : i32
      %rem3A_418 = arith.remsi %scan3A_414, %rem3A_417 : i32
      %dma_wait3A_419 = arith.constant 0 : i32
      %dma_wait3A_420 = arith.constant 0 : i32
      %dma_wait3A_421 = arith.constant 0 : i32
      %dma_wait3A_422 = arith.constant 0 : i32
      %dma_wait3A_423 = tpu.memref_slice %arg7[%rem3A_418, %dma_wait3A_421, %dma_wait3A_422] : memref<5x64x128xf32, #tpu.memory_space<vmem>> -> memref<1x64x128xf32, #tpu.memory_space<vmem>>
      %dma_wait3A_424 = tpu.memref_squeeze %dma_wait3A_423 : memref<1x64x128xf32, #tpu.memory_space<vmem>> -> memref<64x128xf32, #tpu.memory_space<vmem>>
      %dma_wait3A_425 = arith.constant 0 : i32
      %dma_wait3A_426 = tpu.memref_slice %arg6[%rem3A_416, %dma_wait3A_419, %dma_wait3A_420, %dma_wait3A_425] : memref<8x2x1x64xi32, #tpu.memory_space<vmem>> -> memref<1x1x1x64xi32, #tpu.memory_space<vmem>>
      %dma_wait3A_427 = tpu.memref_squeeze %dma_wait3A_426 : memref<1x1x1x64xi32, #tpu.memory_space<vmem>> -> memref<64xi32, #tpu.memory_space<vmem>>
      %dma_wait3A_428 = arith.constant 0 : i32
      %dma_wait3A_429 = arith.constant 0 : i32
      %dma_wait3A_430 = tpu.memref_slice %arg2[%dma_wait3A_428, %dma_wait3A_429] : memref<10240x128xf32, #tpu.memory_space<hbm>> -> memref<10240x128xf32, #tpu.memory_space<hbm>>
      %dma_wait3A_431 = tpu.memref_slice %arg10[%rem3A_418] : memref<5x!tpu.dma_semaphore, #tpu.memory_space<semaphore_mem>> -> memref<1x!tpu.dma_semaphore, #tpu.memory_space<semaphore_mem>>
      %dma_wait3A_432 = tpu.memref_squeeze %dma_wait3A_431 : memref<1x!tpu.dma_semaphore, #tpu.memory_space<semaphore_mem>> -> memref<!tpu.dma_semaphore, #tpu.memory_space<semaphore_mem>>
      tpu.wait_indirect_dma semaphore(%dma_wait3A_432 : memref<!tpu.dma_semaphore, #tpu.memory_space<semaphore_mem>>) src(%dma_wait3A_430 : memref<10240x128xf32, #tpu.memory_space<hbm>>) dst(%dma_wait3A_424 : memref<64x128xf32, #tpu.memory_space<vmem>>)
      %rem3A_433 = arith.constant 8 : i32
      %rem3A_434 = arith.remsi %scan3A_414, %rem3A_433 : i32
      %rem3A_435 = arith.constant 5 : i32
      %rem3A_436 = arith.remsi %scan3A_414, %rem3A_435 : i32
      %run_scoped3A = arith.constant 1 : i32
      %run_scoped3A_437 = arith.constant 0 : i32
      "tpu.region"() ({
        %run_scoped3A_451 = tpu.sem_alloc : memref<!tpu.dma_semaphore, #tpu.memory_space<semaphore_mem>>
        %dma_start3A_452 = arith.constant 0 : i32
        %dma_start3A_453 = arith.constant 0 : i32
        %dma_start3A_454 = tpu.memref_slice %arg7[%rem3A_436, %dma_start3A_452, %dma_start3A_453] : memref<5x64x128xf32, #tpu.memory_space<vmem>> -> memref<1x64x128xf32, #tpu.memory_space<vmem>>
        %dma_start3A_455 = tpu.memref_squeeze %dma_start3A_454 : memref<1x64x128xf32, #tpu.memory_space<vmem>> -> memref<64x128xf32, #tpu.memory_space<vmem>>
        %dma_start3A_456 = arith.constant 0 : i32
        %dma_start3A_457 = tpu.memref_slice %arg6[%rem3A_434, %run_scoped3A, %run_scoped3A_437, %dma_start3A_456] : memref<8x2x1x64xi32, #tpu.memory_space<vmem>> -> memref<1x1x1x64xi32, #tpu.memory_space<vmem>>
        %dma_start3A_458 = tpu.memref_squeeze %dma_start3A_457 : memref<1x1x1x64xi32, #tpu.memory_space<vmem>> -> memref<64xi32, #tpu.memory_space<vmem>>
        %dma_start3A_459 = arith.constant 0 : i32
        %dma_start3A_460 = arith.constant 0 : i32
        %dma_start3A_461 = tpu.memref_slice %arg8[%dma_start3A_459, %dma_start3A_460] : memref<10240x128xf32, #tpu.memory_space<vmem_shared>> -> memref<10240x128xf32, #tpu.memory_space<vmem_shared>>
        tpu.enqueue_indirect_dma source(%dma_start3A_455 : memref<64x128xf32, #tpu.memory_space<vmem>>) target(%dma_start3A_461 : memref<10240x128xf32, #tpu.memory_space<vmem_shared>>) offsets(%dma_start3A_458 : memref<64xi32, #tpu.memory_space<vmem>>) semaphore(%run_scoped3A_451 : memref<!tpu.dma_semaphore, #tpu.memory_space<semaphore_mem>>) {add = true}
        %dma_wait3A_462 = arith.constant 0 : i32
        %dma_wait3A_463 = arith.constant 0 : i32
        %dma_wait3A_464 = tpu.memref_slice %arg7[%rem3A_436, %dma_wait3A_462, %dma_wait3A_463] : memref<5x64x128xf32, #tpu.memory_space<vmem>> -> memref<1x64x128xf32, #tpu.memory_space<vmem>>
        %dma_wait3A_465 = tpu.memref_squeeze %dma_wait3A_464 : memref<1x64x128xf32, #tpu.memory_space<vmem>> -> memref<64x128xf32, #tpu.memory_space<vmem>>
        %dma_wait3A_466 = arith.constant 0 : i32
        %dma_wait3A_467 = tpu.memref_slice %arg6[%rem3A_434, %run_scoped3A, %run_scoped3A_437, %dma_wait3A_466] : memref<8x2x1x64xi32, #tpu.memory_space<vmem>> -> memref<1x1x1x64xi32, #tpu.memory_space<vmem>>
        %dma_wait3A_468 = tpu.memref_squeeze %dma_wait3A_467 : memref<1x1x1x64xi32, #tpu.memory_space<vmem>> -> memref<64xi32, #tpu.memory_space<vmem>>
        %dma_wait3A_469 = arith.constant 0 : i32
        %dma_wait3A_470 = arith.constant 0 : i32
        %dma_wait3A_471 = tpu.memref_slice %arg8[%dma_wait3A_469, %dma_wait3A_470] : memref<10240x128xf32, #tpu.memory_space<vmem_shared>> -> memref<10240x128xf32, #tpu.memory_space<vmem_shared>>
        tpu.wait_indirect_dma semaphore(%run_scoped3A_451 : memref<!tpu.dma_semaphore, #tpu.memory_space<semaphore_mem>>) src(%dma_wait3A_465 : memref<64x128xf32, #tpu.memory_space<vmem>>) dst(%dma_wait3A_471 : memref<10240x128xf32, #tpu.memory_space<vmem_shared>>)
        tpu.yield
      }) : () -> ()
      %add3A_438 = arith.constant 4 : i32
      %add3A_439 = arith.addi %scan3A_414, %add3A_438 : i32
      %lt3A = arith.constant 158 : i32
      %lt3A_440 = arith.cmpi slt, %add3A_439, %lt3A : i32
      %convert_element_type3A = arith.extui %lt3A_440 : i1 to i32
      %cond3A = arith.constant 0 : i32
      %cond3A_441 = arith.cmpi ne, %convert_element_type3A, %cond3A : i32
      scf.if %cond3A_441 {
        %add3A_451 = arith.constant 4 : i32
        %add3A_452 = arith.addi %scan3A_414, %add3A_451 : i32
        %rem3A_453 = arith.constant 8 : i32
        %rem3A_454 = arith.remsi %add3A_452, %rem3A_453 : i32
        %add3A_455 = arith.addi %select_n3A, %add3A_452 : i32
        %dma_wait3A_456 = arith.constant 0 : i32
        %dma_wait3A_457 = arith.constant 0 : i32
        %dma_wait3A_458 = arith.constant 0 : i32
        %dma_wait3A_459 = tpu.memref_slice %arg6[%rem3A_454, %dma_wait3A_456, %dma_wait3A_457, %dma_wait3A_458] : memref<8x2x1x64xi32, #tpu.memory_space<vmem>> -> memref<1x2x1x64xi32, #tpu.memory_space<vmem>>
        %dma_wait3A_460 = tpu.memref_squeeze %dma_wait3A_459 : memref<1x2x1x64xi32, #tpu.memory_space<vmem>> -> memref<2x1x64xi32, #tpu.memory_space<vmem>>
        %dma_wait3A_461 = arith.constant 0 : i32
        %dma_wait3A_462 = arith.constant 0 : i32
        %dma_wait3A_463 = arith.constant 0 : i32
        %dma_wait3A_464 = tpu.memref_slice %arg4[%add3A_455, %dma_wait3A_461, %dma_wait3A_462, %dma_wait3A_463] : memref<5056x2x1x64xi32, #tpu.memory_space<hbm>> -> memref<1x2x1x64xi32, #tpu.memory_space<hbm>>
        %dma_wait3A_465 = tpu.memref_squeeze %dma_wait3A_464 : memref<1x2x1x64xi32, #tpu.memory_space<hbm>> -> memref<2x1x64xi32, #tpu.memory_space<hbm>>
        %dma_wait3A_466 = tpu.memref_slice %arg9[%rem3A_454] : memref<8x!tpu.dma_semaphore, #tpu.memory_space<semaphore_mem>> -> memref<1x!tpu.dma_semaphore, #tpu.memory_space<semaphore_mem>>
        %dma_wait3A_467 = tpu.memref_squeeze %dma_wait3A_466 : memref<1x!tpu.dma_semaphore, #tpu.memory_space<semaphore_mem>> -> memref<!tpu.dma_semaphore, #tpu.memory_space<semaphore_mem>>
        %dma_wait3A_468 = arith.constant 0 : i32
        %dma_wait3A_469 = arith.constant 0 : i32
        %dma_wait3A_470 = arith.constant 0 : i32
        %dma_wait3A_471 = tpu.memref_slice %arg6[%rem3A_454, %dma_wait3A_468, %dma_wait3A_469, %dma_wait3A_470] : memref<8x2x1x64xi32, #tpu.memory_space<vmem>> -> memref<1x2x1x64xi32, #tpu.memory_space<vmem>>
        %dma_wait3A_472 = tpu.memref_squeeze %dma_wait3A_471 : memref<1x2x1x64xi32, #tpu.memory_space<vmem>> -> memref<2x1x64xi32, #tpu.memory_space<vmem>>
        %dma_wait3A_473 = arith.constant 0 : i32
        %dma_wait3A_474 = arith.constant 0 : i32
        %dma_wait3A_475 = arith.constant 0 : i32
        %dma_wait3A_476 = tpu.memref_slice %arg4[%add3A_455, %dma_wait3A_473, %dma_wait3A_474, %dma_wait3A_475] : memref<5056x2x1x64xi32, #tpu.memory_space<hbm>> -> memref<1x2x1x64xi32, #tpu.memory_space<hbm>>
        %dma_wait3A_477 = tpu.memref_squeeze %dma_wait3A_476 : memref<1x2x1x64xi32, #tpu.memory_space<hbm>> -> memref<2x1x64xi32, #tpu.memory_space<hbm>>
        tpu.wait_dma2 semaphore(%dma_wait3A_467 : memref<!tpu.dma_semaphore, #tpu.memory_space<semaphore_mem>>) src(%dma_wait3A_477 : memref<2x1x64xi32, #tpu.memory_space<hbm>>) dst(%dma_wait3A_472 : memref<2x1x64xi32, #tpu.memory_space<vmem>>)
        %add3A_478 = arith.constant 4 : i32
        %add3A_479 = arith.addi %scan3A_414, %add3A_478 : i32
        %rem3A_480 = arith.constant 8 : i32
        %rem3A_481 = arith.remsi %add3A_479, %rem3A_480 : i32
        %rem3A_482 = arith.constant 5 : i32
        %rem3A_483 = arith.remsi %add3A_479, %rem3A_482 : i32
        %dma_start3A_484 = arith.constant 0 : i32
        %dma_start3A_485 = arith.constant 0 : i32
        %dma_start3A_486 = arith.constant 0 : i32
        %dma_start3A_487 = arith.constant 0 : i32
        %dma_start3A_488 = tpu.memref_slice %arg7[%rem3A_483, %dma_start3A_486, %dma_start3A_487] : memref<5x64x128xf32, #tpu.memory_space<vmem>> -> memref<1x64x128xf32, #tpu.memory_space<vmem>>
        %dma_start3A_489 = tpu.memref_squeeze %dma_start3A_488 : memref<1x64x128xf32, #tpu.memory_space<vmem>> -> memref<64x128xf32, #tpu.memory_space<vmem>>
        %dma_start3A_490 = arith.constant 0 : i32
        %dma_start3A_491 = tpu.memref_slice %arg6[%rem3A_481, %dma_start3A_484, %dma_start3A_485, %dma_start3A_490] : memref<8x2x1x64xi32, #tpu.memory_space<vmem>> -> memref<1x1x1x64xi32, #tpu.memory_space<vmem>>
        %dma_start3A_492 = tpu.memref_squeeze %dma_start3A_491 : memref<1x1x1x64xi32, #tpu.memory_space<vmem>> -> memref<64xi32, #tpu.memory_space<vmem>>
        %dma_start3A_493 = arith.constant 0 : i32
        %dma_start3A_494 = arith.constant 0 : i32
        %dma_start3A_495 = tpu.memref_slice %arg2[%dma_start3A_493, %dma_start3A_494] : memref<10240x128xf32, #tpu.memory_space<hbm>> -> memref<10240x128xf32, #tpu.memory_space<hbm>>
        %dma_start3A_496 = tpu.memref_slice %arg10[%rem3A_483] : memref<5x!tpu.dma_semaphore, #tpu.memory_space<semaphore_mem>> -> memref<1x!tpu.dma_semaphore, #tpu.memory_space<semaphore_mem>>
        %dma_start3A_497 = tpu.memref_squeeze %dma_start3A_496 : memref<1x!tpu.dma_semaphore, #tpu.memory_space<semaphore_mem>> -> memref<!tpu.dma_semaphore, #tpu.memory_space<semaphore_mem>>
        tpu.enqueue_indirect_dma source(%dma_start3A_495 : memref<10240x128xf32, #tpu.memory_space<hbm>>) target(%dma_start3A_489 : memref<64x128xf32, #tpu.memory_space<vmem>>) offsets(%dma_start3A_492 : memref<64xi32, #tpu.memory_space<vmem>>) semaphore(%dma_start3A_497 : memref<!tpu.dma_semaphore, #tpu.memory_space<semaphore_mem>>)
      } else {
      }
      %add3A_442 = arith.constant 8 : i32
      %add3A_443 = arith.addi %scan3A_414, %add3A_442 : i32
      %sub3A_444 = arith.constant 1 : i32
      %sub3A_445 = arith.subi %add3A_443, %sub3A_444 : i32
      %lt3A_446 = arith.constant 158 : i32
      %lt3A_447 = arith.cmpi slt, %sub3A_445, %lt3A_446 : i32
      %convert_element_type3A_448 = arith.extui %lt3A_447 : i1 to i32
      %cond3A_449 = arith.constant 0 : i32
      %cond3A_450 = arith.cmpi ne, %convert_element_type3A_448, %cond3A_449 : i32
      scf.if %cond3A_450 {
        %add3A_451 = arith.constant 8 : i32
        %add3A_452 = arith.addi %scan3A_414, %add3A_451 : i32
        %sub3A_453 = arith.constant 1 : i32
        %sub3A_454 = arith.subi %add3A_452, %sub3A_453 : i32
        %rem3A_455 = arith.constant 8 : i32
        %rem3A_456 = arith.remsi %sub3A_454, %rem3A_455 : i32
        %add3A_457 = arith.addi %select_n3A, %sub3A_454 : i32
        %dma_start3A_458 = arith.constant 0 : i32
        %dma_start3A_459 = arith.constant 0 : i32
        %dma_start3A_460 = arith.constant 0 : i32
        %dma_start3A_461 = tpu.memref_slice %arg6[%rem3A_456, %dma_start3A_458, %dma_start3A_459, %dma_start3A_460] : memref<8x2x1x64xi32, #tpu.memory_space<vmem>> -> memref<1x2x1x64xi32, #tpu.memory_space<vmem>>
        %dma_start3A_462 = tpu.memref_squeeze %dma_start3A_461 : memref<1x2x1x64xi32, #tpu.memory_space<vmem>> -> memref<2x1x64xi32, #tpu.memory_space<vmem>>
        %dma_start3A_463 = arith.constant 0 : i32
        %dma_start3A_464 = arith.constant 0 : i32
        %dma_start3A_465 = arith.constant 0 : i32
        %dma_start3A_466 = tpu.memref_slice %arg4[%add3A_457, %dma_start3A_463, %dma_start3A_464, %dma_start3A_465] : memref<5056x2x1x64xi32, #tpu.memory_space<hbm>> -> memref<1x2x1x64xi32, #tpu.memory_space<hbm>>
        %dma_start3A_467 = tpu.memref_squeeze %dma_start3A_466 : memref<1x2x1x64xi32, #tpu.memory_space<hbm>> -> memref<2x1x64xi32, #tpu.memory_space<hbm>>
        %dma_start3A_468 = tpu.memref_slice %arg9[%rem3A_456] : memref<8x!tpu.dma_semaphore, #tpu.memory_space<semaphore_mem>> -> memref<1x!tpu.dma_semaphore, #tpu.memory_space<semaphore_mem>>
        %dma_start3A_469 = tpu.memref_squeeze %dma_start3A_468 : memref<1x!tpu.dma_semaphore, #tpu.memory_space<semaphore_mem>> -> memref<!tpu.dma_semaphore, #tpu.memory_space<semaphore_mem>>
        %dma_start3A_470 = arith.constant 0 : i32
        %dma_start3A_471 = arith.constant 0 : i32
        %dma_start3A_472 = arith.constant 0 : i32
        %dma_start3A_473 = tpu.memref_slice %arg6[%rem3A_456, %dma_start3A_470, %dma_start3A_471, %dma_start3A_472] : memref<8x2x1x64xi32, #tpu.memory_space<vmem>> -> memref<1x2x1x64xi32, #tpu.memory_space<vmem>>
        %dma_start3A_474 = tpu.memref_squeeze %dma_start3A_473 : memref<1x2x1x64xi32, #tpu.memory_space<vmem>> -> memref<2x1x64xi32, #tpu.memory_space<vmem>>
        %dma_start3A_475 = arith.constant 0 : i32
        %dma_start3A_476 = arith.constant 0 : i32
        %dma_start3A_477 = arith.constant 0 : i32
        %dma_start3A_478 = tpu.memref_slice %arg4[%add3A_457, %dma_start3A_475, %dma_start3A_476, %dma_start3A_477] : memref<5056x2x1x64xi32, #tpu.memory_space<hbm>> -> memref<1x2x1x64xi32, #tpu.memory_space<hbm>>
        %dma_start3A_479 = tpu.memref_squeeze %dma_start3A_478 : memref<1x2x1x64xi32, #tpu.memory_space<hbm>> -> memref<2x1x64xi32, #tpu.memory_space<hbm>>
        tpu.enqueue_dma source(%dma_start3A_479 : memref<2x1x64xi32, #tpu.memory_space<hbm>>) target(%dma_start3A_474 : memref<2x1x64xi32, #tpu.memory_space<vmem>>) target_semaphore(%dma_start3A_469 : memref<!tpu.dma_semaphore, #tpu.memory_space<semaphore_mem>>)
      } else {
      }
    }
    %scan3A_405 = arith.constant 158 : i32
    %barrier3A_406 = arith.constant 0 : index
    tpu.barrier barrier_id(%barrier3A_406)
    %mul3A_407 = arith.constant 640 : i32
    %mul3A_408 = arith.muli %arg1, %mul3A_407 : i32
    %mul3A_409 = arith.constant 10240 : i32
    %mul3A_410 = arith.muli %arg0, %mul3A_409 : i32
    %mul3A_411 = arith.constant 640 : i32
    %mul3A_412 = arith.muli %arg1, %mul3A_411 : i32
    %add3A_413 = arith.addi %mul3A_410, %mul3A_412 : i32
    "tpu.region"() ({
      %run_scoped3A = tpu.sem_alloc : memref<!tpu.dma_semaphore, #tpu.memory_space<semaphore_mem>>
      %dma_start3A_414 = arith.constant 0 : i32
      %dma_start3A_415 = tpu.memref_slice %arg5[%add3A_413, %dma_start3A_414] : memref<20480x128xf32, #tpu.memory_space<hbm>> -> memref<640x128xf32, #tpu.memory_space<hbm>>
      %dma_start3A_416 = arith.constant 0 : i32
      %dma_start3A_417 = tpu.memref_slice %arg8[%mul3A_408, %dma_start3A_416] : memref<10240x128xf32, #tpu.memory_space<vmem_shared>> -> memref<640x128xf32, #tpu.memory_space<vmem_shared>>
      tpu.enqueue_dma source(%dma_start3A_417 : memref<640x128xf32, #tpu.memory_space<vmem_shared>>) target(%dma_start3A_415 : memref<640x128xf32, #tpu.memory_space<hbm>>) target_semaphore(%run_scoped3A : memref<!tpu.dma_semaphore, #tpu.memory_space<semaphore_mem>>)
      %dma_wait3A_418 = arith.constant 0 : i32
      %dma_wait3A_419 = tpu.memref_slice %arg5[%add3A_413, %dma_wait3A_418] : memref<20480x128xf32, #tpu.memory_space<hbm>> -> memref<640x128xf32, #tpu.memory_space<hbm>>
      %dma_wait3A_420 = arith.constant 0 : i32
      %dma_wait3A_421 = tpu.memref_slice %arg8[%mul3A_408, %dma_wait3A_420] : memref<10240x128xf32, #tpu.memory_space<vmem_shared>> -> memref<640x128xf32, #tpu.memory_space<vmem_shared>>
      tpu.wait_dma2 semaphore(%run_scoped3A : memref<!tpu.dma_semaphore, #tpu.memory_space<semaphore_mem>>) src(%dma_wait3A_421 : memref<640x128xf32, #tpu.memory_space<vmem_shared>>) dst(%dma_wait3A_419 : memref<640x128xf32, #tpu.memory_space<hbm>>)
      tpu.yield
    }) : () -> ()
    return
  }
}

module attributes {stable_mosaic.version = 14 : i64} {
  func.func @_tc1_body(%arg0: i32, %arg1: i32, %arg2: memref<256x128xf32, #tpu.memory_space<vmem>>, %arg3: memref<128x128xf32, #tpu.memory_space<vmem>>, %arg4: memref<16x256xf32, #tpu.memory_space<vmem>>, %arg5: memref<256x128xf32, #tpu.memory_space<vmem>>, %arg6: memref<256xf32, #tpu.memory_space<vmem>>) attributes {dimension_semantics = [#tpu.dimension_semantics<arbitrary>, #tpu.dimension_semantics<arbitrary>], iteration_bounds = array<i64: 40, 2>, scalar_prefetch = 0 : i64, scratch_operands = 0 : i64, tpu.core_type = #tpu.core_type<tc>, window_params = [{transform_indices = @transform_0, window_bounds = array<i64: 256, 128>}, {transform_indices = @transform_1, window_bounds = array<i64: 128, 128>}, {transform_indices = @transform_2, window_bounds = array<i64: 16, 256>}, {transform_indices = @transform_3, window_bounds = array<i64: 256, 128>}, {transform_indices = @transform_4, window_bounds = array<i64: 256>}]} {
    %get3A = arith.constant 0 : index
    %get3A_0 = arith.constant 0 : index
    %get3A_1 = vector.load %arg4[%get3A, %get3A_0] : memref<16x256xf32, #tpu.memory_space<vmem>>, vector<16x256xf32>
    %reduce_sum3A = arith.constant dense<0.000000e+00> : vector<256xf32>
    %reduce_sum3A_2 = vector.multi_reduction <add>, %get3A_1, %reduce_sum3A [0] : vector<16x256xf32> to vector<256xf32>
    %add3A = arith.constant 1.000000e+00 : f32
    %add3A_3 = vector.broadcast %add3A : f32 to vector<256xf32>
    %add3A_4 = arith.addf %reduce_sum3A_2, %add3A_3 : vector<256xf32>
    %rsqrt3A = math.rsqrt %add3A_4 : vector<256xf32>
    %get3A_5 = arith.constant 0 : index
    %get3A_6 = arith.constant 0 : index
    %get3A_7 = vector.load %arg2[%get3A_5, %get3A_6] : memref<256x128xf32, #tpu.memory_space<vmem>>, vector<256x128xf32>
    %get3A_8 = arith.constant 0 : index
    %get3A_9 = arith.constant 0 : index
    %get3A_10 = vector.load %arg3[%get3A_8, %get3A_9] : memref<128x128xf32, #tpu.memory_space<vmem>>, vector<128x128xf32>
    %dot_general3A = arith.constant dense<0.000000e+00> : vector<256x128xf32>
    %dot_general3A_11 = tpu.matmul %get3A_7, %get3A_10, %dot_general3A {dimension_numbers = #tpu.dot_dimension_numbers<[1], [0], [0], [1], [0, 0, 1, 1], [], []>, transpose_lhs_hint = false} : vector<256x128xf32>, vector<128x128xf32>, vector<256x128xf32> -> vector<256x128xf32>
    %broadcast_in_dim3A = vector.shape_cast %rsqrt3A : vector<256xf32> to vector<256x1xf32>
    %mul3A = vector.broadcast %broadcast_in_dim3A : vector<256x1xf32> to vector<256x128xf32>
    %mul3A_12 = arith.mulf %dot_general3A_11, %mul3A : vector<256x128xf32>
    %swap3A = arith.constant 0 : index
    %swap3A_13 = arith.constant 0 : index
    %swap3A_14 = vector.load %arg5[%swap3A, %swap3A_13] : memref<256x128xf32, #tpu.memory_space<vmem>>, vector<256x128xf32>
    tpu.vector_store %arg5[%swap3A, %swap3A_13], %mul3A_12 {strides = array<i32>} : memref<256x128xf32, #tpu.memory_space<vmem>>, vector<256x128xf32>,
    %eq3A = arith.constant 0 : i32
    %eq3A_15 = arith.cmpi eq, %arg1, %eq3A : i32
    %convert_element_type3A = arith.extui %eq3A_15 : i1 to i32
    %cond3A = arith.constant 0 : i32
    %cond3A_16 = arith.cmpi ne, %convert_element_type3A, %cond3A : i32
    scf.if %cond3A_16 {
      %swap3A_17 = arith.constant 0 : index
      %swap3A_18 = vector.load %arg6[%swap3A_17] : memref<256xf32, #tpu.memory_space<vmem>>, vector<256xf32>
      tpu.vector_store %arg6[%swap3A_17], %add3A_4 {strides = array<i32>} : memref<256xf32, #tpu.memory_space<vmem>>, vector<256xf32>,
    } else {
    }
    return
  }
  func.func @transform_0(%arg0: i32, %arg1: i32) -> (i32, i32) {
    %c0_i32 = arith.constant 0 : i32
    %c0_i32_0 = arith.constant 0 : i32
    return %arg0, %c0_i32 : i32, i32
  }
  func.func @transform_1(%arg0: i32, %arg1: i32) -> (i32, i32) {
    %c0_i32 = arith.constant 0 : i32
    %c0_i32_0 = arith.constant 0 : i32
    return %c0_i32, %arg1 : i32, i32
  }
  func.func @transform_2(%arg0: i32, %arg1: i32) -> (i32, i32) {
    %jit3A = arith.constant 20 : i32
    %div3A = arith.divsi %arg0, %jit3A : i32
    %sign3A = arith.constant 0 : i32
    %sign3A_0 = arith.cmpi sgt, %arg0, %sign3A : i32
    %sign3A_1 = arith.extui %sign3A_0 : i1 to i32
    %sign3A_2 = arith.constant 0 : i32
    %sign3A_3 = arith.cmpi slt, %arg0, %sign3A_2 : i32
    %sign3A_4 = arith.extui %sign3A_3 : i1 to i32
    %sign3A_5 = arith.subi %sign3A_1, %sign3A_4 : i32
    %sign3A_6 = arith.constant 0 : i32
    %sign3A_7 = arith.cmpi sgt, %jit3A, %sign3A_6 : i32
    %sign3A_8 = arith.extui %sign3A_7 : i1 to i32
    %sign3A_9 = arith.constant 0 : i32
    %sign3A_10 = arith.cmpi slt, %jit3A, %sign3A_9 : i32
    %sign3A_11 = arith.extui %sign3A_10 : i1 to i32
    %sign3A_12 = arith.subi %sign3A_8, %sign3A_11 : i32
    %ne3A = arith.cmpi ne, %sign3A_5, %sign3A_12 : i32
    %rem3A = arith.remsi %arg0, %jit3A : i32
    %ne3A_13 = arith.constant 0 : i32
    %ne3A_14 = arith.cmpi ne, %rem3A, %ne3A_13 : i32
    %and3A = arith.andi %ne3A, %ne3A_14 : i1
    %sub3A = arith.constant 1 : i32
    %sub3A_15 = arith.subi %div3A, %sub3A : i32
    %select_n3A = arith.select %and3A, %sub3A_15, %div3A : i32
    %jit3A_16 = arith.constant 20 : i32
    %eq3A = arith.constant 0 : i32
    %eq3A_17 = arith.cmpi eq, %jit3A_16, %eq3A : i32
    %jit3A_18 = arith.constant 1 : i32
    %select_n3A_19 = arith.select %eq3A_17, %jit3A_18, %jit3A_16 : i32
    %rem3A_20 = arith.remsi %arg0, %select_n3A_19 : i32
    %ne3A_21 = arith.constant 0 : i32
    %ne3A_22 = arith.cmpi ne, %rem3A_20, %ne3A_21 : i32
    %lt3A = arith.constant 0 : i32
    %lt3A_23 = arith.cmpi slt, %rem3A_20, %lt3A : i32
    %lt3A_24 = arith.constant 0 : i32
    %lt3A_25 = arith.cmpi slt, %select_n3A_19, %lt3A_24 : i32
    %ne3A_26 = arith.xori %lt3A_23, %lt3A_25 : i1
    %and3A_27 = arith.andi %ne3A_26, %ne3A_22 : i1
    %add3A = arith.addi %rem3A_20, %select_n3A_19 : i32
    %select_n3A_28 = arith.select %and3A_27, %add3A, %rem3A_20 : i32
    %c0_i32 = arith.constant 0 : i32
    return %select_n3A, %select_n3A_28 : i32, i32
  }
  func.func @transform_3(%arg0: i32, %arg1: i32) -> (i32, i32) {
    %mul3A = arith.constant 40 : i32
    %mul3A_0 = arith.muli %arg1, %mul3A : i32
    %add3A = arith.addi %mul3A_0, %arg0 : i32
    %c0_i32 = arith.constant 0 : i32
    %c0_i32_1 = arith.constant 0 : i32
    return %add3A, %c0_i32 : i32, i32
  }
  func.func @transform_4(%arg0: i32, %arg1: i32) -> i32 {
    %c0_i32 = arith.constant 0 : i32
    return %arg0 : i32
  }
}

module attributes {stable_mosaic.version = 14 : i64} {
  func.func @_tc2_body(%arg0: i32, %arg1: memref<256x128xf32, #tpu.memory_space<vmem>>, %arg2: memref<256x128xf32, #tpu.memory_space<vmem>>, %arg3: memref<256xf32, #tpu.memory_space<vmem>>, %arg4: memref<256xf32, #tpu.memory_space<vmem>>, %arg5: memref<256x128xf32, #tpu.memory_space<vmem>>, %arg6: memref<256x128xf32, #tpu.memory_space<vmem>>, %arg7: memref<256x128xf32, #tpu.memory_space<vmem>>) attributes {dimension_semantics = [#tpu.dimension_semantics<arbitrary>], iteration_bounds = array<i64: 40>, scalar_prefetch = 0 : i64, scratch_operands = 0 : i64, tpu.core_type = #tpu.core_type<tc>, window_params = [{transform_indices = @transform_0, window_bounds = array<i64: 256, 128>}, {transform_indices = @transform_1, window_bounds = array<i64: 256, 128>}, {transform_indices = @transform_2, window_bounds = array<i64: 256>}, {pipeline_mode = #tpu.pipeline_mode<synchronous>, transform_indices = @transform_3, window_bounds = array<i64: 256>}, {pipeline_mode = #tpu.pipeline_mode<synchronous>, transform_indices = @transform_4, window_bounds = array<i64: 256, 128>}, {transform_indices = @transform_5, window_bounds = array<i64: 256, 128>}, {transform_indices = @transform_6, window_bounds = array<i64: 256, 128>}]} {
    %get3A = arith.constant 0 : index
    %get3A_0 = vector.load %arg3[%get3A] : memref<256xf32, #tpu.memory_space<vmem>>, vector<256xf32>
    %rsqrt3A = math.rsqrt %get3A_0 : vector<256xf32>
    %get3A_1 = arith.constant 0 : index
    %get3A_2 = arith.constant 0 : index
    %get3A_3 = vector.load %arg1[%get3A_1, %get3A_2] : memref<256x128xf32, #tpu.memory_space<vmem>>, vector<256x128xf32>
    %get3A_4 = arith.constant 0 : index
    %get3A_5 = arith.constant 0 : index
    %get3A_6 = vector.load %arg2[%get3A_4, %get3A_5] : memref<256x128xf32, #tpu.memory_space<vmem>>, vector<256x128xf32>
    %concatenate3A = tpu.concatenate %get3A_3, %get3A_6 in 1 : vector<256x128xf32>, vector<256x128xf32> -> vector<256x256xf32>
    %broadcast_in_dim3A = vector.shape_cast %rsqrt3A : vector<256xf32> to vector<256x1xf32>
    %mul3A = vector.broadcast %broadcast_in_dim3A : vector<256x1xf32> to vector<256x256xf32>
    %mul3A_7 = arith.mulf %concatenate3A, %mul3A : vector<256x256xf32>
    %get3A_8 = arith.constant 0 : index
    %get3A_9 = vector.load %arg4[%get3A_8] : memref<256xf32, #tpu.memory_space<vmem>>, vector<256xf32>
    %broadcast_in_dim3A_10 = vector.shape_cast %get3A_9 : vector<256xf32> to vector<1x256xf32>
    %add3A = vector.broadcast %broadcast_in_dim3A_10 : vector<1x256xf32> to vector<256x256xf32>
    %add3A_11 = arith.addf %mul3A_7, %add3A : vector<256x256xf32>
    %max3A = arith.constant 0.000000e+00 : f32
    %max3A_12 = vector.broadcast %max3A : f32 to vector<256x256xf32>
    %max3A_13 = arith.maximumf %add3A_11, %max3A_12 : vector<256x256xf32>
    %get3A_14 = arith.constant 0 : index
    %get3A_15 = arith.constant 0 : index
    %get3A_16 = vector.load %arg5[%get3A_14, %get3A_15] : memref<256x128xf32, #tpu.memory_space<vmem>>, vector<256x128xf32>
    %dot_general3A = arith.constant dense<0.000000e+00> : vector<256x128xf32>
    %dot_general3A_17 = tpu.matmul %max3A_13, %get3A_16, %dot_general3A {dimension_numbers = #tpu.dot_dimension_numbers<[1], [0], [0], [1], [0, 0, 1, 1], [], []>, transpose_lhs_hint = false} : vector<256x256xf32>, vector<256x128xf32>, vector<256x128xf32> -> vector<256x128xf32>
    %broadcast_in_dim3A_18 = vector.shape_cast %rsqrt3A : vector<256xf32> to vector<256x1xf32>
    %mul3A_19 = vector.broadcast %broadcast_in_dim3A_18 : vector<256x1xf32> to vector<256x128xf32>
    %mul3A_20 = arith.mulf %dot_general3A_17, %mul3A_19 : vector<256x128xf32>
    %swap3A = arith.constant 0 : index
    %swap3A_21 = arith.constant 0 : index
    %swap3A_22 = vector.load %arg6[%swap3A, %swap3A_21] : memref<256x128xf32, #tpu.memory_space<vmem>>, vector<256x128xf32>
    tpu.vector_store %arg6[%swap3A, %swap3A_21], %mul3A_20 {strides = array<i32>} : memref<256x128xf32, #tpu.memory_space<vmem>>, vector<256x128xf32>,
    %mul3A_23 = arith.constant 5.000000e-01 : f32
    %mul3A_24 = vector.broadcast %mul3A_23 : f32 to vector<256x128xf32>
    %mul3A_25 = arith.mulf %mul3A_24, %mul3A_20 : vector<256x128xf32>
    %swap3A_26 = arith.constant 0 : index
    %swap3A_27 = arith.constant 0 : index
    %swap3A_28 = vector.load %arg7[%swap3A_26, %swap3A_27] : memref<256x128xf32, #tpu.memory_space<vmem>>, vector<256x128xf32>
    tpu.vector_store %arg7[%swap3A_26, %swap3A_27], %mul3A_25 {strides = array<i32>} : memref<256x128xf32, #tpu.memory_space<vmem>>, vector<256x128xf32>,
    return
  }
  func.func @transform_0(%arg0: i32) -> (i32, i32) {
    %c0_i32 = arith.constant 0 : i32
    %c0_i32_0 = arith.constant 0 : i32
    return %arg0, %c0_i32 : i32, i32
  }
  func.func @transform_1(%arg0: i32) -> (i32, i32) {
    %add3A = arith.constant 40 : i32
    %add3A_0 = arith.addi %add3A, %arg0 : i32
    %c0_i32 = arith.constant 0 : i32
    %c0_i32_1 = arith.constant 0 : i32
    return %add3A_0, %c0_i32 : i32, i32
  }
  func.func @transform_2(%arg0: i32) -> i32 {
    %c0_i32 = arith.constant 0 : i32
    return %arg0 : i32
  }
  func.func @transform_3(%arg0: i32) -> i32 {
    %c0_i32 = arith.constant 0 : i32
    %c0_i32_0 = arith.constant 0 : i32
    return %c0_i32 : i32
  }
  func.func @transform_4(%arg0: i32) -> (i32, i32) {
    %c0_i32 = arith.constant 0 : i32
    %c0_i32_0 = arith.constant 0 : i32
    %c0_i32_1 = arith.constant 0 : i32
    return %c0_i32, %c0_i32_0 : i32, i32
  }
  func.func @transform_5(%arg0: i32) -> (i32, i32) {
    %c0_i32 = arith.constant 0 : i32
    %c0_i32_0 = arith.constant 0 : i32
    return %arg0, %c0_i32 : i32, i32
  }
  func.func @transform_6(%arg0: i32) -> (i32, i32) {
    %c0_i32 = arith.constant 0 : i32
    %c0_i32_0 = arith.constant 0 : i32
    return %arg0, %c0_i32 : i32, i32
  }
}

module attributes {stable_mosaic.version = 14 : i64} {
  func.func @_tcf_body(%arg0: memref<20480x128xf32, #tpu.memory_space<vmem>>, %arg1: memref<10240xf32, #tpu.memory_space<vmem>>, %arg2: memref<128xf32, #tpu.memory_space<vmem>>, %arg3: memref<65xi32, #tpu.memory_space<smem>>, %arg4: memref<128x512xf32, #tpu.memory_space<vmem>>, %arg5: memref<512xf32, #tpu.memory_space<vmem>>, %arg6: memref<512x1275xf32, #tpu.memory_space<vmem>>, %arg7: memref<1275xf32, #tpu.memory_space<vmem>>, %arg8: memref<64x1275xf32, #tpu.memory_space<vmem>>, %arg9: memref<10240x128xf32, #tpu.memory_space<vmem>>) attributes {dimension_semantics = [], scalar_prefetch = 0 : i64, scratch_operands = 1 : i64, tpu.core_type = #tpu.core_type<tc>} {
    %get3A = arith.constant 0 : index
    %get3A_0 = vector.load %arg1[%get3A] : memref<10240xf32, #tpu.memory_space<vmem>>, vector<10240xf32>
    %rsqrt3A = math.rsqrt %get3A_0 : vector<10240xf32>
    %get3A_1 = arith.constant 0 : index
    %get3A_2 = arith.constant 0 : index
    %get3A_3 = vector.load %arg0[%get3A_1, %get3A_2] : memref<20480x128xf32, #tpu.memory_space<vmem>>, vector<10240x128xf32>
    %get3A_4 = arith.constant 10240 : index
    %get3A_5 = arith.constant 0 : index
    %get3A_6 = vector.load %arg0[%get3A_4, %get3A_5] : memref<20480x128xf32, #tpu.memory_space<vmem>>, vector<10240x128xf32>
    %add3A = arith.addf %get3A_3, %get3A_6 : vector<10240x128xf32>
    %broadcast_in_dim3A = vector.shape_cast %rsqrt3A : vector<10240xf32> to vector<10240x1xf32>
    %mul3A = vector.broadcast %broadcast_in_dim3A : vector<10240x1xf32> to vector<10240x128xf32>
    %mul3A_7 = arith.mulf %add3A, %mul3A : vector<10240x128xf32>
    %get3A_8 = arith.constant 0 : index
    %get3A_9 = vector.load %arg2[%get3A_8] : memref<128xf32, #tpu.memory_space<vmem>>, vector<128xf32>
    %broadcast_in_dim3A_10 = vector.shape_cast %get3A_9 : vector<128xf32> to vector<1x128xf32>
    %add3A_11 = vector.broadcast %broadcast_in_dim3A_10 : vector<1x128xf32> to vector<10240x128xf32>
    %add3A_12 = arith.addf %mul3A_7, %add3A_11 : vector<10240x128xf32>
    %swap3A = arith.constant 0 : index
    %swap3A_13 = arith.constant 0 : index
    %swap3A_14 = vector.load %arg9[%swap3A, %swap3A_13] : memref<10240x128xf32, #tpu.memory_space<vmem>>, vector<10240x128xf32>
    tpu.vector_store %arg9[%swap3A, %swap3A_13], %add3A_12 {strides = array<i32>} : memref<10240x128xf32, #tpu.memory_space<vmem>>, vector<10240x128xf32>,
    %broadcast_in_dim3A_15 = arith.constant -3.000000e+38 : f32
    %broadcast_in_dim3A_16 = vector.broadcast %broadcast_in_dim3A_15 : f32 to vector<64x128xf32>
    %scan3A = arith.constant -3.000000e+38 : f32
    %scan3A_17 = arith.constant 0 : i32
    %scan3A_18 = arith.constant 64 : i32
    %scan3A_19 = arith.addi %scan3A_17, %scan3A_18 : i32
    %scan3A_20 = arith.constant 1 : i32
    %scan3A_21 = scf.for %scan3A_52 = %scan3A_17 to %scan3A_19 step %scan3A_20 iter_args(%scan3A_53 = %broadcast_in_dim3A_16) -> (vector<64x128xf32>)  : i32 {
      %get3A_54 = arith.index_cast %scan3A_52 : i32 to index
      %get3A_55 = memref.load %arg3[%get3A_54] : memref<65xi32, #tpu.memory_space<smem>>
      %add3A_56 = arith.constant 1 : i32
      %add3A_57 = arith.addi %scan3A_52, %add3A_56 : i32
      %get3A_58 = arith.index_cast %add3A_57 : i32 to index
      %get3A_59 = memref.load %arg3[%get3A_58] : memref<65xi32, #tpu.memory_space<smem>>
      %jit3A = arith.constant 8 : i32
      %div3A = arith.divsi %get3A_55, %jit3A : i32
      %sign3A = arith.constant 0 : i32
      %sign3A_60 = arith.cmpi sgt, %get3A_55, %sign3A : i32
      %sign3A_61 = arith.extui %sign3A_60 : i1 to i32
      %sign3A_62 = arith.constant 0 : i32
      %sign3A_63 = arith.cmpi slt, %get3A_55, %sign3A_62 : i32
      %sign3A_64 = arith.extui %sign3A_63 : i1 to i32
      %sign3A_65 = arith.subi %sign3A_61, %sign3A_64 : i32
      %sign3A_66 = arith.constant 0 : i32
      %sign3A_67 = arith.cmpi sgt, %jit3A, %sign3A_66 : i32
      %sign3A_68 = arith.extui %sign3A_67 : i1 to i32
      %sign3A_69 = arith.constant 0 : i32
      %sign3A_70 = arith.cmpi slt, %jit3A, %sign3A_69 : i32
      %sign3A_71 = arith.extui %sign3A_70 : i1 to i32
      %sign3A_72 = arith.subi %sign3A_68, %sign3A_71 : i32
      %ne3A = arith.cmpi ne, %sign3A_65, %sign3A_72 : i32
      %rem3A = arith.remsi %get3A_55, %jit3A : i32
      %ne3A_73 = arith.constant 0 : i32
      %ne3A_74 = arith.cmpi ne, %rem3A, %ne3A_73 : i32
      %and3A = arith.andi %ne3A, %ne3A_74 : i1
      %sub3A = arith.constant 1 : i32
      %sub3A_75 = arith.subi %div3A, %sub3A : i32
      %select_n3A = arith.select %and3A, %sub3A_75, %div3A : i32
      %mul3A_76 = arith.constant 8 : i32
      %mul3A_77 = arith.muli %select_n3A, %mul3A_76 : i32
      %sub3A_78 = arith.subi %get3A_59, %mul3A_77 : i32
      %add3A_79 = arith.constant 7 : i32
      %add3A_80 = arith.addi %sub3A_78, %add3A_79 : i32
      %jit3A_81 = arith.constant 8 : i32
      %div3A_82 = arith.divsi %add3A_80, %jit3A_81 : i32
      %sign3A_83 = arith.constant 0 : i32
      %sign3A_84 = arith.cmpi sgt, %add3A_80, %sign3A_83 : i32
      %sign3A_85 = arith.extui %sign3A_84 : i1 to i32
      %sign3A_86 = arith.constant 0 : i32
      %sign3A_87 = arith.cmpi slt, %add3A_80, %sign3A_86 : i32
      %sign3A_88 = arith.extui %sign3A_87 : i1 to i32
      %sign3A_89 = arith.subi %sign3A_85, %sign3A_88 : i32
      %sign3A_90 = arith.constant 0 : i32
      %sign3A_91 = arith.cmpi sgt, %jit3A_81, %sign3A_90 : i32
      %sign3A_92 = arith.extui %sign3A_91 : i1 to i32
      %sign3A_93 = arith.constant 0 : i32
      %sign3A_94 = arith.cmpi slt, %jit3A_81, %sign3A_93 : i32
      %sign3A_95 = arith.extui %sign3A_94 : i1 to i32
      %sign3A_96 = arith.subi %sign3A_92, %sign3A_95 : i32
      %ne3A_97 = arith.cmpi ne, %sign3A_89, %sign3A_96 : i32
      %rem3A_98 = arith.remsi %add3A_80, %jit3A_81 : i32
      %ne3A_99 = arith.constant 0 : i32
      %ne3A_100 = arith.cmpi ne, %rem3A_98, %ne3A_99 : i32
      %and3A_101 = arith.andi %ne3A_97, %ne3A_100 : i1
      %sub3A_102 = arith.constant 1 : i32
      %sub3A_103 = arith.subi %div3A_82, %sub3A_102 : i32
      %select_n3A_104 = arith.select %and3A_101, %sub3A_103, %div3A_82 : i32
      %broadcast_in_dim3A_105 = vector.broadcast %scan3A : f32 to vector<8x128xf32>
      %while3A = arith.constant 0 : i32
      %while3A_106 = arith.subi %select_n3A_104, %while3A : i32
      %while3A_107 = arith.addi %while3A, %while3A_106 : i32
      %while3A_108 = arith.constant 1 : i32
      %while3A_109 = arith.divsi %while3A_106, %while3A_108 : i32
      %while3A_110 = arith.muli %while3A_109, %while3A_108 : i32
      %while3A_111 = arith.addi %while3A, %while3A_110 : i32
      %while3A_112 = arith.constant 1 : i32
      %while3A_113 = scf.for %while3A_124 = %while3A to %while3A_111 step %while3A_112 iter_args(%while3A_125 = %broadcast_in_dim3A_105) -> (vector<8x128xf32>)  : i32 {
        %add3A_126 = arith.addi %select_n3A, %while3A_124 : i32
        %mul3A_127 = arith.constant 8 : i32
        %mul3A_128 = arith.muli %add3A_126, %mul3A_127 : i32
        %multiple_of3A = tpu.assume_multiple %mul3A_128, 8 : i32
        %get3A_129 = arith.index_cast %multiple_of3A : i32 to index
        %get3A_130 = arith.constant 0 : index
        %get3A_131 = vector.load %arg9[%get3A_129, %get3A_130] : memref<10240x128xf32, #tpu.memory_space<vmem>>, vector<8x128xf32>
        %iota3A_132 = tpu.iota {dimensions = array<i32: 0>} : vector<8x1xi32>
        %add3A_133 = vector.broadcast %multiple_of3A : i32 to vector<8x1xi32>
        %add3A_134 = arith.addi %add3A_133, %iota3A_132 : vector<8x1xi32>
        %ge3A = vector.broadcast %get3A_55 : i32 to vector<8x1xi32>
        %ge3A_135 = arith.cmpi sge, %add3A_134, %ge3A : vector<8x1xi32>
        %lt3A = vector.broadcast %get3A_59 : i32 to vector<8x1xi32>
        %lt3A_136 = arith.cmpi slt, %add3A_134, %lt3A : vector<8x1xi32>
        %and3A_137 = arith.andi %ge3A_135, %lt3A_136 : vector<8x1xi1>
        %broadcast_in_dim3A_138 = vector.shape_cast %and3A_137 : vector<8x1xi1> to vector<8x1xi1>
        %broadcast_in_dim3A_139 = vector.broadcast %broadcast_in_dim3A_138 : vector<8x1xi1> to vector<8x128xi1>
        %broadcast_in_dim3A_140 = vector.broadcast %scan3A : f32 to vector<8x128xf32>
        %select_n3A_141 = arith.select %broadcast_in_dim3A_139, %get3A_131, %broadcast_in_dim3A_140 : vector<8x128xi1>, vector<8x128xf32>
        %max3A_142 = arith.maximumf %while3A_125, %select_n3A_141 : vector<8x128xf32>
        scf.yield %max3A_142 : vector<8x128xf32>
      }
      %while3A_114 = arith.constant 1 : i32
      %while3A_115 = scf.for %while3A_124 = %while3A_111 to %while3A_107 step %while3A_114 iter_args(%while3A_125 = %while3A_113) -> (vector<8x128xf32>)  : i32 {
        %add3A_126 = arith.addi %select_n3A, %while3A_124 : i32
        %mul3A_127 = arith.constant 8 : i32
        %mul3A_128 = arith.muli %add3A_126, %mul3A_127 : i32
        %multiple_of3A = tpu.assume_multiple %mul3A_128, 8 : i32
        %get3A_129 = arith.index_cast %multiple_of3A : i32 to index
        %get3A_130 = arith.constant 0 : index
        %get3A_131 = vector.load %arg9[%get3A_129, %get3A_130] : memref<10240x128xf32, #tpu.memory_space<vmem>>, vector<8x128xf32>
        %iota3A_132 = tpu.iota {dimensions = array<i32: 0>} : vector<8x1xi32>
        %add3A_133 = vector.broadcast %multiple_of3A : i32 to vector<8x1xi32>
        %add3A_134 = arith.addi %add3A_133, %iota3A_132 : vector<8x1xi32>
        %ge3A = vector.broadcast %get3A_55 : i32 to vector<8x1xi32>
        %ge3A_135 = arith.cmpi sge, %add3A_134, %ge3A : vector<8x1xi32>
        %lt3A = vector.broadcast %get3A_59 : i32 to vector<8x1xi32>
        %lt3A_136 = arith.cmpi slt, %add3A_134, %lt3A : vector<8x1xi32>
        %and3A_137 = arith.andi %ge3A_135, %lt3A_136 : vector<8x1xi1>
        %broadcast_in_dim3A_138 = vector.shape_cast %and3A_137 : vector<8x1xi1> to vector<8x1xi1>
        %broadcast_in_dim3A_139 = vector.broadcast %broadcast_in_dim3A_138 : vector<8x1xi1> to vector<8x128xi1>
        %broadcast_in_dim3A_140 = vector.broadcast %scan3A : f32 to vector<8x128xf32>
        %select_n3A_141 = arith.select %broadcast_in_dim3A_139, %get3A_131, %broadcast_in_dim3A_140 : vector<8x128xi1>, vector<8x128xf32>
        %max3A_142 = arith.maximumf %while3A_125, %select_n3A_141 : vector<8x128xf32>
        scf.yield %max3A_142 : vector<8x128xf32>
      }
      %reduce_max3A = arith.constant dense<0xFF800000> : vector<128xf32>
      %reduce_max3A_116 = vector.multi_reduction <maximumf>, %while3A_115, %reduce_max3A [0] : vector<8x128xf32> to vector<128xf32>
      %iota3A = tpu.iota {dimensions = array<i32: 0>} : vector<64x1xi32>
      %eq3A = vector.broadcast %scan3A_52 : i32 to vector<64x1xi32>
      %eq3A_117 = arith.cmpi eq, %iota3A, %eq3A : vector<64x1xi32>
      %broadcast_in_dim3A_118 = vector.shape_cast %reduce_max3A_116 : vector<128xf32> to vector<1x128xf32>
      %broadcast_in_dim3A_119 = vector.shape_cast %eq3A_117 : vector<64x1xi1> to vector<64x1xi1>
      %broadcast_in_dim3A_120 = vector.broadcast %broadcast_in_dim3A_119 : vector<64x1xi1> to vector<64x128xi1>
      %broadcast_in_dim3A_121 = vector.shape_cast %broadcast_in_dim3A_118 : vector<1x128xf32> to vector<1x128xf32>
      %broadcast_in_dim3A_122 = vector.broadcast %broadcast_in_dim3A_121 : vector<1x128xf32> to vector<64x128xf32>
      %select_n3A_123 = arith.select %broadcast_in_dim3A_120, %broadcast_in_dim3A_122, %scan3A_53 : vector<64x128xi1>, vector<64x128xf32>
      scf.yield %select_n3A_123 : vector<64x128xf32>
    }
    %scan3A_22 = arith.constant 64 : i32
    %get3A_23 = arith.constant 0 : index
    %get3A_24 = arith.constant 0 : index
    %get3A_25 = vector.load %arg4[%get3A_23, %get3A_24] : memref<128x512xf32, #tpu.memory_space<vmem>>, vector<128x512xf32>
    %dot_general3A = arith.constant dense<0.000000e+00> : vector<64x512xf32>
    %dot_general3A_26 = tpu.matmul %scan3A_21, %get3A_25, %dot_general3A {dimension_numbers = #tpu.dot_dimension_numbers<[1], [0], [0], [1], [0, 0, 1, 1], [], []>, transpose_lhs_hint = false} : vector<64x128xf32>, vector<128x512xf32>, vector<64x512xf32> -> vector<64x512xf32>
    %get3A_27 = arith.constant 0 : index
    %get3A_28 = vector.load %arg5[%get3A_27] : memref<512xf32, #tpu.memory_space<vmem>>, vector<512xf32>
    %broadcast_in_dim3A_29 = vector.shape_cast %get3A_28 : vector<512xf32> to vector<1x512xf32>
    %add3A_30 = vector.broadcast %broadcast_in_dim3A_29 : vector<1x512xf32> to vector<64x512xf32>
    %add3A_31 = arith.addf %dot_general3A_26, %add3A_30 : vector<64x512xf32>
    %max3A = arith.constant 0.000000e+00 : f32
    %max3A_32 = vector.broadcast %max3A : f32 to vector<64x512xf32>
    %max3A_33 = arith.maximumf %add3A_31, %max3A_32 : vector<64x512xf32>
    %get3A_34 = arith.constant 0 : index
    %get3A_35 = arith.constant 0 : index
    %get3A_36 = vector.load %arg6[%get3A_34, %get3A_35] : memref<512x1275xf32, #tpu.memory_space<vmem>>, vector<512x1275xf32>
    %dot_general3A_37 = arith.constant dense<0.000000e+00> : vector<64x1275xf32>
    %dot_general3A_38 = tpu.matmul %max3A_33, %get3A_36, %dot_general3A_37 {dimension_numbers = #tpu.dot_dimension_numbers<[1], [0], [0], [1], [0, 0, 1, 1], [], []>, transpose_lhs_hint = false} : vector<64x512xf32>, vector<512x1275xf32>, vector<64x1275xf32> -> vector<64x1275xf32>
    %get3A_39 = arith.constant 0 : index
    %get3A_40 = vector.load %arg7[%get3A_39] : memref<1275xf32, #tpu.memory_space<vmem>>, vector<1275xf32>
    %broadcast_in_dim3A_41 = vector.shape_cast %get3A_40 : vector<1275xf32> to vector<1x1275xf32>
    %add3A_42 = vector.broadcast %broadcast_in_dim3A_41 : vector<1x1275xf32> to vector<64x1275xf32>
    %add3A_43 = arith.addf %dot_general3A_38, %add3A_42 : vector<64x1275xf32>
    %logistic3A = arith.negf %add3A_43 : vector<64x1275xf32>
    %logistic3A_44 = math.exp %logistic3A : vector<64x1275xf32>
    %logistic3A_45 = arith.constant 1.000000e+00 : f32
    %logistic3A_46 = vector.broadcast %logistic3A_45 : f32 to vector<64x1275xf32>
    %logistic3A_47 = arith.addf %logistic3A_46, %logistic3A_44 : vector<64x1275xf32>
    %logistic3A_48 = arith.divf %logistic3A_46, %logistic3A_47 : vector<64x1275xf32>
    %swap3A_49 = arith.constant 0 : index
    %swap3A_50 = arith.constant 0 : index
    %swap3A_51 = vector.load %arg8[%swap3A_49, %swap3A_50] : memref<64x1275xf32, #tpu.memory_space<vmem>>, vector<64x1275xf32>
    tpu.vector_store %arg8[%swap3A_49, %swap3A_50], %logistic3A_48 {strides = array<i32>} : memref<64x1275xf32, #tpu.memory_space<vmem>>, vector<64x1275xf32>,
    return
  }
}

</mosaic_0001>

<sc_bundles>
// kernel: kernel.11.cloned.1.call-start
scs
__scs_entry_jumppad:
0x0: {  	(pc) =	sbr.rel $0x88, $3  }
0x1: {  	(tag) =	ssettag $0x0;
	lr =	simm.s32 $0x1  }
0x2: {  	[smem:$0x3F96] =	sst lr;
	_ =	strace $0xD0000000  }
0x3: {  	_ = 	snop  }
0x4: {  	_ = 	snop  }
0x5: {  	_ = 	snop  }
0x6: {  	_ = 	snop  }
0x7: {  	_ = 	snop  }
__scs_overlays_trampoline_lowered:
0x8: {  	[smem:$0x3FA5] =	sst s0  }
0x9: {  	[smem:$0x3FA6] =	sst s1  }
0xa: {  	[smem:$0x3FA7] =	sst s2  }
0xb: {  	[smem:$0x3FA8] =	sst s3  }
0xc: {  	[smem:$0x3FA9] =	sst s4  }
0xd: {  	[smem:$0x3FAA] =	sst s5  }
0xe: {  	[smem:$0x3FAB] =	sst s6  }
0xf: {  	[smem:$0x3FAC] =	sst s7  }
0x10: {  	[smem:$0x3FAD] =	sst s8  }
0x11: {  	[smem:$0x3FAE] =	sst s9;
	s0 =	simm.s32 @!p0 $0x0  }
0x12: {  	s1 =	sld [smem:$0x3F94];
	s0 =	simm.s32 @p0 $0x1  }
0x13: {  	[smem:$0x3FAF] =	sst s0;
	s0 =	simm.s32 @!p1 $0x0  }
0x14: {  	s2 =	sld [smem:$0x3F93];
	s0 =	simm.s32 @p1 $0x1  }
0x15: {  	[smem:$0x3FB0] =	sst s0;
	s0 =	simm.s32 @!p2 $0x0  }
0x16: {  	s3 =	sld [smem:$0x3FDB];
	s0 =	simm.s32 @p2 $0x1  }
0x17: {  	s4 =	simm.s32 $0x1BF5;
	[smem:$0x3FB2] =	sst s0  }
0x18: {  	s0 =	sld [smem:$0x3F95];
	_ =	swait.ge [sflag:s4], $0x0  }
0x19: {  	s7 =	sld [smem:$0x3F96]  }
0x1a: {  	s8 =	sadd.s32 $0xFFFFE003, lr  }
0x1b: {  	s9 =	sadd.s32 $0xFFFFFEF7, lr;
	s5 =	simm.s32 $0xFFFFFFFF;
	p2 =	slt.u32 s8, $0xFFFFF086  }
0x1c: {  	p1 =	slt.u32 s9, $0xF7A;
	s5 =	simm.s32 @!p2 $0x0  }
0x1d: {  	s5 =	simm.s32 @p1 $0x1;
	p0 =	seq.s32 s7, s2  }
0x1e: {  	s7 =	smul.u32 @!p0 $0xF7A, s2;
	p2 =	seq.s32 @!p0 s5, $0x0  }
0x1f: {  	s9 =	smul.u32 $0xF7A, s1;
	s8 =	simm.s32 @!p0 $0x1BF5;
	p2 =	por !p2, p0  }
0x20: {  	[sflag:s8] =	ssyncset.s32 @!p0 $0xFFFFF086;
	s6 =	sadd.s32 @!p0 s3, s7;
	s7 =	simm.s32 @!p0 $0x108  }
0x21: {  	s3 =	sadd.s32 s3, s9;
	s6 =	sadd.s32 @!p0 $0x88, s6;
	s7 =	simm.s32 @p2 $0x1082  }
0x22: {  	[simem:s7], [sflag:s8] =	dma.local @!p0 [hbm:s6], $0xF7A  }
0x23: {  	s9 =	sor.u32 $0xD0000000, s2;
	s6 =	simm.s32 $0x108;
	_ =	swait.ge @!p0 [sflag:s8], $0x0  }
0x24: {  	s3 =	sadd.s32 $0x88, s3;
	s6 =	simm.s32 @!p1 $0x1082;
	[sflag:s4] =	ssyncset.s32 $0xFFFFF086  }
0x25: {  	[simem:s6], [sflag:s4] =	dma.local [hbm:s3], $0xF7A  }
0x26: {  	[smem:$0x3F96] =	sst s1;
	(tag) =	ssettag s2;
	_ =	strace s9  }
0x27: {  	s1 =	sld [smem:$0x3FA6]  }
0x28: {  	s2 =	sld [smem:$0x3FA7]  }
0x29: {  	s4 =	sld [smem:$0x3FA9]  }
0x2a: {  	p0 =	seq.s32 s5, $0x0;
	s5 =	sld [smem:$0x3FAA]  }
0x2b: {  	s6 =	sld [smem:$0x3FAB]  }
0x2c: {  	s7 =	sld [smem:$0x3FAC]  }
0x2d: {  	s3 =	simm.s32 $0x108;
	s8 =	sld [smem:$0x3FAD]  }
0x2e: {  	s3 =	simm.s32 @!p0 $0x1082;
	s9 =	sld [smem:$0x3FAE]  }
0x2f: {  	lr =	sadd.s32 s0, s3;
	s0 =	sld [smem:$0x3FA5]  }
0x30: {  	s3 =	sld [smem:$0x3FA8]  }
0x31: {  	[smem:$0x3FB1] =	sst s10  }
0x32: {  	s10 =	sld [smem:$0x3FAF];
	_ =	sdelay $0x3  }
0x33: {  	p0 =	seq.s32 s10, $0x1;
	s10 =	sld [smem:$0x3FB1];
	_ =	sdelay $0x3  }
0x34: {  	[smem:$0x3FB1] =	sst s10  }
0x35: {  	s10 =	sld [smem:$0x3FB0];
	_ =	sdelay $0x3  }
0x36: {  	p1 =	seq.s32 s10, $0x1;
	s10 =	sld [smem:$0x3FB1];
	_ =	sdelay $0x3  }
0x37: {  	[smem:$0x3FB1] =	sst s10  }
0x38: {  	s10 =	sld [smem:$0x3FB2]  }
0x39: {  	_ = 	snop;
	(pc) =	sbr.ind lr, $3  }
0x3a: {  	_ = 	snop  }
0x3b: {  	_ = 	snop  }
0x3c: {  	p2 =	seq.s32 s10, $0x1;
	s10 =	sld [smem:$0x3FB1]  }
0x3d: {  	_ =	shalt  }
0x3e: {  	_ =	shalt  }
0x3f: {  	_ =	shalt  }
0x40: {  	_ =	shalt  }
0x41: {  	_ =	shalt  }
0x42: {  	_ =	shalt  }
0x43: {  	_ =	shalt  }
0x44: {  	_ =	shalt  }
0x45: {  	_ =	shalt  }
0x46: {  	_ =	shalt  }
0x47: {  	_ =	shalt  }
0x48: {  	_ =	shalt  }
0x49: {  	_ =	shalt  }
0x4a: {  	_ =	shalt  }
0x4b: {  	_ =	shalt  }
0x4c: {  	_ =	shalt  }
0x4d: {  	_ =	shalt  }
0x4e: {  	_ =	shalt  }
0x4f: {  	_ =	shalt  }
0x50: {  	_ =	shalt  }
0x51: {  	_ =	shalt  }
0x52: {  	_ =	shalt  }
0x53: {  	_ =	shalt  }
0x54: {  	_ =	shalt  }
0x55: {  	_ =	shalt  }
0x56: {  	_ =	shalt  }
0x57: {  	_ =	shalt  }
0x58: {  	_ =	shalt  }
0x59: {  	_ =	shalt  }
0x5a: {  	_ =	shalt  }
0x5b: {  	_ =	shalt  }
0x5c: {  	_ =	shalt  }
0x5d: {  	_ =	shalt  }
0x5e: {  	_ =	shalt  }
0x5f: {  	_ =	shalt  }
0x60: {  	_ =	shalt  }
0x61: {  	_ =	shalt  }
0x62: {  	_ =	shalt  }
0x63: {  	_ =	shalt  }
0x64: {  	_ =	shalt  }
0x65: {  	_ =	shalt  }
0x66: {  	_ =	shalt  }
0x67: {  	_ =	shalt  }
0x68: {  	_ =	shalt  }
0x69: {  	_ =	shalt  }
0x6a: {  	_ =	shalt  }
0x6b: {  	_ =	shalt  }
0x6c: {  	_ =	shalt  }
0x6d: {  	_ =	shalt  }
0x6e: {  	_ =	shalt  }
0x6f: {  	_ =	shalt  }
0x70: {  	_ =	shalt  }
0x71: {  	_ =	shalt  }
0x72: {  	_ =	shalt  }
0x73: {  	_ =	shalt  }
0x74: {  	_ =	shalt  }
0x75: {  	_ =	shalt  }
0x76: {  	_ =	shalt  }
0x77: {  	_ =	shalt  }
0x78: {  	_ =	shalt  }
0x79: {  	_ =	shalt  }
0x7a: {  	_ =	shalt  }
0x7b: {  	_ =	shalt  }
0x7c: {  	_ =	shalt  }
0x7d: {  	_ =	shalt  }
0x7e: {  	_ =	shalt  }
0x7f: {  	_ =	shalt  }
0x80: {  	_ =	shalt  }
0x81: {  	_ =	shalt  }
0x82: {  	_ =	shalt  }
0x83: {  	_ =	shalt  }
0x84: {  	_ =	shalt  }
0x85: {  	_ =	shalt  }
0x86: {  	_ =	shalt  }
0x87: {  	_ =	shalt  }
.Lfunc_end0:
.L_simem_size_0:
called_computation.1_lowered:
.L_overlay_start_0:
0x88: {  	s2 =	sld [smem:$0x3FD9]  }
0x89: {  	s3 =	sld [smem:$0x3FFE];
	_ =	sdelay $0x1  }
0x8a: {  	s1 =	srdreg.scid  }
0x8b: {  	s0 =	sand.u32 $0x1, s1  }
0x8c: {  	s16 =	sshll.u32 s0, $0xA;
	s2 =	sadd.s32 s3, s2  }
0x8d: {  	s2 =	sadd.s32 s2, s16  }
0x8e: {  	[smem:$0x3FBD] =	sst s2  }
0x8f: {  	_ = 	snop  }
0x90: {  	(tm) =	ssettm $0x1  }
0x91: {  	s17 =	sld [smem:$0x3FFB];
	_ =	sdelay $0x3  }
0x92: {  	_ =	strace s17  }
0x93: {  	s2 =	sld [smem:$0x3FFC];
	_ =	sdelay $0x3  }
0x94: {  	_ =	strace s2  }
0x95: {  	s2 =	sld [smem:$0x3FFD];
	_ =	sdelay $0x3  }
0x96: {  	_ =	strace s2  }
0x97: {  	_ =	strace $0x8FFFFFFF  }
0x98: {  	s18 =	sld [smem:$0x3FDB];
	_ =	sdelay $0x1  }
0x99: {  	s19 =	simm.s32 $_scs_section_size  }
0x9a: {  	s4 =	simm.s32 $_size__tile_overlayer_lowered;
	s5 =	simm.s32 $_tile_overlayer_lowered  }
0x9b: {  	s22 =	simm.s32 $0x1BFF;
	s21 =	sshll.u32 s5, $0x1;
	s2 =	sadd.s32 s19, s18  }
0x9c: {  	s6 =	simm.s32 $0x0;
	s20 =	sshll.u32 s4, $0x1;
	s4 =	sadd.s32 s21, s2  }
0x9d: {  	[timem:s6], [sflag:s22] =	dma.local [hbm:s4], s20  }
0x9e: {  	_ =	swait.ge [sflag:s22], s20  }
0x9f: {  	s3 =	ssub.s32 $0x0, s20;
	[sflag:s22] =	ssyncset.done $0x0  }
0xa0: {  	[sflag:s22] =	ssyncadd.s32 s3;
	_ =	sdelay $0x1  }
0xa1: {  	s23 =	simm.s32 $0x1B8B  }
0xa2: {  	_ =	swait.ge [sflag:s23], $0x1  }
0xa3: {  	[sflag:s23] =	ssyncset.done $0x0  }
0xa4: {  	s25 =	simm.s32 $0x1B8E;
	s24 =	sld [smem:$0x3FFE];
	[sflag:s23] =	ssyncadd.s32 $0xFFFFFFFF  }
0xa5: {  	s26 =	simm.s32 $execute0_lowered;
	[smem:$0x3FD2] =	sst s25  }
0xa6: {  	s4 =	sshll.u32 s26, $0x1;
	_ =	strace $0x80000049;
	[dreg:$0x1] =	wrdreg $0xFFFFFFFF  }
0xa7: {  	s28 =	simm.s32 $_size_execute0_lowered;
	s2 =	sadd.s32 s2, s4;
	[dreg:$0x0] =	wrdreg $0x0  }
0xa8: {  	s4 =	sshll.u32 s28, $0x1;
	[dreg:$0x2] =	wrdreg s2  }
0xa9: {  	[dreg:$0x3] =	wrdreg s4  }
0xaa: {  	[dreg:$0x4] =	wrdreg $0xC0  }
0xab: {  	_ =	task [dreg:s6], $0x5FFFF  }
0xac: {  	[dreg:$0x1] =	wrdreg $0xFFFFFFFF  }
0xad: {  	[dreg:$0x0] =	wrdreg $0x60  }
0xae: {  	[dreg:$0x2] =	wrdreg s24  }
0xaf: {  	[dreg:$0x3] =	wrdreg $0xA8000  }
0xb0: {  	[dreg:$0x4] =	wrdreg $0x9  }
0xb1: {  	_ =	task.clear_ibuf [dreg:s6], $0x5FFFF;
	_ =	strace $0x90000049  }
0xb2: {  	s29 =	simm.s32 $0x9;
	_ =	strace $0x8000004B  }
0xb3: {  	_ =	swait.ge [sflag:s29], $0x1  }
0xb4: {  	[sflag:s29] =	ssyncadd.s32 $0xFFFFFFFF  }
0xb5: {  	_ =	strace $0x9000004B  }
0xb6: {  	_ =	sfence  }
0xb7: {  	s30 =	sld [smem:$0x0];
	_ =	sdelay $0x2  }
0xb8: {  	s31 =	sshll.u32 s1, $0xD;
	s1 =	sshrl.u32 s1, $0x2  }
0xb9: {  	s3 =	sand.u32 $0x4000, s31;
	s1 =	sadd.s32 s1, s30  }
0xba: {  	s0 =	sor.u32 s3, s0;
	s1 =	sshll.u32 s1, $0x11  }
0xbb: {  	s0 =	sor.u32 s1, s0  }
0xbc: {  	s0 =	sadd.s32 $0x8F2B, s0  }
0xbd: {  	[sflag:s0] =	ssyncadd.remote.s32 $0x1  }
0xbe: {  	_ =	sfence.sel $0xFFFF  }
0xbf: {  	[dreg:$0x0] =	wrdreg $0xFFFFFFFF;
	(pc) =	sbr.abs _section_cstart, $3  }
0xc0: {  	[dreg:$0x1] =	wrdreg $0xFFFFFFFF  }
0xc1: {  	_ =	task.clear_ibuf [dreg:s6], $0x2FFFF;
	_ =	strace $0x9FFFFFFF  }
0xc2: {  	(tm) =	ssettm $0x7FFFFFFF  }
0xc3: {  	_ =	shalt  }
tec
execute0_lowered:
.L_overlay_start_1:
0x0: {  	(tag) =	ssettag $0x1  }
0x1: {  	s0 =	srdreg.scid  }
0x2: {  	s1 =	rddreg [dreg:$0x0];
	s9 =	stileid.u32  }
0x3: {  	s2 =	rddreg [dreg:$0x1];
	s6 =	smul.u32 $0x4F00, s9  }
0x4: {  	s3 =	simm.s32 $0x0;
	s29 =	simm.s32 $0x2;
	s8 =	smul.u32 $0x280, s9  }
0x5: {  	s31 =	simm.s32 $0x3;
	s0 =	sand.u32 $0x1, s0;
	s19 =	smul.u32 $0x50000, s9  }
0x6: {  	[smem:$0x7FF] =	sst s3;
	s4 =	sadd.s32 $0x61200, s1;
	s5 =	smul.u32 $0x4F000, s0  }
0x7: {  	s21 =	sshll.u32 s9, $0x6;
	s7 =	smul.u32 $0x2800, s0;
	s0 =	ssub.s32 $0x2, s0  }
0x8: {  	_ =	strace $0x8000004A;
	s20 =	sshrl.u32 s0, $0x1;
	s5 =	sadd.s32 s6, s5  }
0x9: {  	s18 =	sadd.s32 s8, s7;
	s0 =	ssub.s32 s0, s20;
	s5 =	sshrl.u32 s5, $0x1  }
0xa: {  	s6 =	sshll.u32 s18, $0x4;
	s0 =	smax.u32 s0, $0x1;
	s5 =	sadd.s32 s5, s1  }
0xb: {  	s1 =	sadd.s32 s6, s1;
	s6 =	sadd.s32 s4, s6;
	[dreg:$0xc] =	wrdreg s0  }
0xc: {  	s7 =	sshrl.u32 s19, $0x2;
	[dreg:$0x3] =	wrdreg s6;
	s22 =	sadd.s32 $0x12200, s5  }
0xd: {  	s19 =	simm.s32 $0x100;
	s23 =	sadd.s32 $0x12220, s5;
	[dreg:$0x4] =	wrdreg s22  }
0xe: {  	s20 =	simm.s32 $0x200;
	s24 =	sadd.s32 $0x12240, s5;
	[dreg:$0x5] =	wrdreg s23  }
0xf: {  	s7 =	sadd.s32 s7, s2;
	s25 =	sadd.s32 $0x12260, s5;
	[dreg:$0x6] =	wrdreg s24  }
0x10: {  	s18 =	simm.s32 $0xE;
	s26 =	sadd.s32 $0x12280, s5;
	[dreg:$0x7] =	wrdreg s25  }
0x11: {  	s17 =	sshrl.u32 s7, $0x3;
	s28 =	sadd.s32 $0x122A0, s5;
	[dreg:$0x8] =	wrdreg s26  }
0x12: {  	s0 =	simm.s32 $0x4;
	s30 =	sadd.s32 $0x122C0, s5;
	[dreg:$0x9] =	wrdreg s28  }
0x13: {  	s6 =	sor.u32 $0x1C0E, s21;
	s1 =	sadd.s32 $0xB1200, s1;
	[dreg:$0xa] =	wrdreg s30  }
0x14: {  	s21 =	simm.s32 $0x300;
	[dreg:$0xb] =	wrdreg s1;
	s22 =	sadd.s32 $0x122E0, s5  }
0x15: {  	s25 =	simm.s32 $0x1;
	s26 =	simm.s32 $0x40;
	s23 =	simm.s32 $0x0  }
.LBB2_1:
0x16: {  	s1 =	rddreg [dreg:$0x3]  }
0x17: {  	[spmem:s17], [sflag:s6] =	dma.local [hbm:s1], $0x2800  }
0x18: {  	_ =	swait.ge [sflag:s18], $0x2800  }
0x19: {  	[sflag:s18] =	ssyncset.done $0x0  }
0x1a: {  	s13 =	rddreg [dreg:$0x4];
	[sflag:s18] =	ssyncadd.s32 $0xFFFFD800  }
0x1b: {  	[tilespmem:s3], [sflag:$0x1] =	stream.linear.gather [hbm4b:s13+s3], $0x100, $0x38;
	[tilespmem:$0x1E800] =	vst v63  }
0x1c: {  	s14 =	rddreg [dreg:$0x5]  }
0x1d: {  	[tilespmem:s19], [sflag:$0x2] =	stream.linear.gather [hbm4b:s14+s3], $0x100, $0x38;
	[tilespmem:$0x1E800] =	vst v63  }
0x1e: {  	s15 =	rddreg [dreg:$0x6]  }
0x1f: {  	[tilespmem:s20], [sflag:$0x3] =	stream.linear.gather [hbm4b:s15+s3], $0x100, $0x38;
	[tilespmem:$0x1E800] =	vst v63  }
0x20: {  	s16 =	rddreg [dreg:$0x7]  }
0x21: {  	[tilespmem:s21], [sflag:$0x4] =	stream.linear.gather [hbm4b:s16+s3], $0x100, $0x38;
	[tilespmem:$0x1E800] =	vst v63  }
0x22: {  	s5 =	simm.s32 $0x400;
	s24 =	rddreg [dreg:$0x8]  }
0x23: {  	[tilespmem:s5], [sflag:$0x5] =	stream.linear.gather [hbm4b:s24+s3], $0x100, $0x38;
	[tilespmem:$0x1E800] =	vst v63  }
0x24: {  	s7 =	simm.s32 $0x500;
	s5 =	rddreg [dreg:$0x9]  }
0x25: {  	[tilespmem:s7], [sflag:$0x6] =	stream.linear.gather [hbm4b:s5+s3], $0x100, $0x38;
	[tilespmem:$0x1E800] =	vst v63  }
0x26: {  	s9 =	simm.s32 $0x600;
	s8 =	rddreg [dreg:$0xa]  }
0x27: {  	[tilespmem:s9], [sflag:$0x7] =	stream.linear.gather [hbm4b:s8+s3], $0x100, $0x38;
	[tilespmem:$0x1E800] =	vst v63  }
0x28: {  	s10 =	simm.s32 $0x800;
	_ =	swait.ge [sflag:s25], $0x100  }
0x29: {  	s11 =	simm.s32 $0x2800;
	s12 =	simm.s32 $0x4800;
	[sflag:s25] =	ssyncset.done $0x0  }
0x2a: {  	s28 =	simm.s32 $0x400;
	s13 =	simm.s32 $0x0;
	[sflag:s25] =	ssyncadd.s32 $0xFFFFFF00  }
0x2b: {  	[tilespmem:s10], [sflag:$0x9] =	stream.indirect.gather [hbm4b:s4+s26], $0x80, s3, s26, $0xb8;
	[tilespmem:$0x1E800] =	vst v63  }
0x2c: {  	p0 =	por $0x0, $0x0;
	s1 =	smul.u32 $0xCCCD, s13;
	_ =	swait.ge [sflag:s29], $0x100  }
0x2d: {  	s30 =	sadd.s32 $0x20, s22;
	p1 =	por @!p0 $0x0, $0x0;
	[sflag:s29] =	ssyncset.done $0x0  }
0x2e: {  	p1 =	por p1, p0;
	s1 =	sshrl.u32 s1, $0x12;
	[sflag:s29] =	ssyncadd.s32 $0xFFFFFF00  }
0x2f: {  	[tilespmem:s11], [sflag:$0xA] =	stream.indirect.gather [hbm4b:s4+s26], $0x80, s19, s26, $0xb8;
	[tilespmem:$0x1E800] =	vst v63  }
0x30: {  	s14 =	simm.s32 $0x6800;
	s15 =	smul.u32 $0x5, s1;
	_ =	swait.ge [sflag:s31], $0x100  }
0x31: {  	s1 =	simm.s32 $0x9;
	s24 =	simm.s32 $0x8;
	[sflag:s31] =	ssyncset.done $0x0  }
0x32: {  	s7 =	simm.s32 $0x7;
	s5 =	ssub.s32 $0x0, s15;
	[sflag:s31] =	ssyncadd.s32 $0xFFFFFF00  }
0x33: {  	[tilespmem:s12], [sflag:$0xB] =	stream.indirect.gather [hbm4b:s4+s26], $0x80, s20, s26, $0xb8;
	[tilespmem:$0x1E800] =	vst v63  }
0x34: {  	s5 =	sand.u32 $0xFFFF, s5;
	s8 =	sand.u32 $0x1C00, s3;
	_ =	swait.ge [sflag:s0], $0x100  }
0x35: {  	s9 =	sadd.s32 $0x9, s5;
	s5 =	sshll.u32 s5, $0xD;
	[sflag:s0] =	ssyncset.done $0x0  }
0x36: {  	s8 =	sshrl.u32 s8, $0x2;
	s10 =	simm.s32 @!p0 $0x4;
	[sflag:s0] =	ssyncadd.s32 $0xFFFFFF00  }
0x37: {  	[tilespmem:s14], [sflag:$0xC] =	stream.indirect.gather [hbm4b:s4+s26], $0x80, s21, s26, $0xb8;
	[tilespmem:$0x1E800] =	vst v63  }
0x38: {  	s16 =	sor.u32 $0x800, s5;
	s11 =	smul.u32 @!p0 $0xCCCD, s10;
	[bflag:$0x0] =	sbarrier.arrive $0xFFFF  }
0x39: {  	s8 =	sor.u32 $0x80, s8;
	s10 =	sand.u32 @!p0 $0x7, s10;
	_ =	swait.ge [sflag:s9], $0x2000  }
0x3a: {  	s5 =	sshll.u32 @!p0 s10, $0x8;
	s11 =	sshrl.u32 @!p0 s11, $0x12;
	[sflag:s9] =	ssyncset.done $0x0  }
0x3b: {  	[sflag:s9] =	ssyncadd.s32 $0xFFFFE000;
	s9 =	smul.u32 @!p0 $0x5, s11;
	s11 =	sand.u32 @!p1 $0x7, s7  }
0x3c: {  	[spmem:s2] =	stream.indirect.scatter.add.f32 [tilespmem:s16], [sflag:$0xE], $0x80, s8, s26, $0xb8;
	[tilespmem:$0x1E800] =	vst v63  }
0x3d: {  	s16 =	sadd.s32 @!p0 $0x1, s10;
	s8 =	sadd.s32 @!p1 $0x1, s11;
	_ =	swait.ge [sflag:s18], $0x2000  }
0x3e: {  	s11 =	sshll.u32 @!p1 s11, $0x8;
	s7 =	ssub.s32 @!p0 $0x4, s9;
	[sflag:s18] =	ssyncset.done $0x0  }
0x3f: {  	s9 =	simm.s32 @!p0 $0x40;
	s13 =	sand.u32 @!p0 $0xFFFF, s7;
	[sflag:s18] =	ssyncadd.s32 $0xFFFFE000  }
0x40: {  	s7 =	simm.s32 $0x1;
	s12 =	sshll.u32 @!p0 s13, $0xD;
	_ =	swait.ge @!p0 [sflag:s16], $0x100  }
0x41: {  	s10 =	smul.u32 $0xCCCD, s7;
	s13 =	sadd.s32 @!p0 $0x9, s13;
	[sflag:s16] =	ssyncset.done @!p0 $0x0  }
0x42: {  	s12 =	sor.u32 @!p0 $0x800, s12;
	[sflag:s16] =	ssyncadd.s32 @!p0 $0xFFFFFF00;
	s16 =	smov.u32 s22  }
.LBB2_2:
0x43: {  	[tilespmem:s12], [sflag:s13] =	stream.indirect.gather @!p0 [hbm4b:s4+s9], $0x80, s5, s9, $0xb8;
	[tilespmem:$0x1E800] =	vst v63  }
0x44: {  	s9 =	smov.u32 s24;
	s24 =	smov.u32 s1;
	s5 =	smov.u32 s28  }
0x45: {  	s1 =	sadd.s32 $0x1, s1;
	s10 =	sshrl.u32 s10, $0x12;
	s12 =	simm.s32 @!p1 $0x0  }
0x46: {  	p2 =	sne.s32 s1, $0x143;
	s10 =	smul.u32 $0x5, s10  }
0x47: {  	[tilespmem:s11], [sflag:s8] =	stream.linear.gather @!p1 [hbm4b:s16+s12], $0x100, $0x38;
	[tilespmem:$0x1E800] =	vst v63  }
0x48: {  	s28 =	sadd.s32 $0x400, s28;
	s8 =	ssub.s32 s7, s10;
	s16 =	smov.u32 s30  }
0x49: {  	p0 =	sgt.u32 s7, $0x137;
	s5 =	sand.u32 $0x1C00, s5;
	s8 =	sand.u32 $0xFFFF, s8  }
0x4a: {  	p1 =	sgt.u32 @!p0 s7, $0x134;
	s10 =	sadd.s32 $0x9, s8;
	s8 =	sshll.u32 s8, $0xD  }
0x4b: {  	s7 =	sshrl.u32 s5, $0x2;
	s11 =	sadd.s32 @!p0 $0xFFFFFFFD, s9;
	_ =	swait.ge [sflag:s10], $0x2000  }
0x4c: {  	s12 =	sand.u32 @!p0 $0x7, s11;
	s13 =	smul.u32 @!p0 $0xCCCD, s11;
	[sflag:s10] =	ssyncset.done $0x0  }
0x4d: {  	s5 =	sshll.u32 @!p0 s12, $0x8;
	s8 =	sor.u32 $0x800, s8;
	[sflag:s10] =	ssyncadd.s32 $0xFFFFE000  }
0x4e: {  	s7 =	sor.u32 $0x80, s7;
	p1 =	por p1, p0;
	s10 =	sshrl.u32 @!p0 s13, $0x12  }
0x4f: {  	[spmem:s2] =	stream.indirect.scatter.add.f32 [tilespmem:s8], [sflag:$0xE], $0x80, s7, s26, $0xb8;
	[tilespmem:$0x1E800] =	vst v63  }
0x50: {  	s14 =	sand.u32 @!p1 $0x7, s9;
	s7 =	smul.u32 @!p0 $0x5, s10;
	_ =	swait.ge [sflag:s18], $0x2000  }
0x51: {  	s15 =	sadd.s32 @!p0 $0x1, s12;
	s8 =	sadd.s32 @!p1 $0x1, s14;
	[sflag:s18] =	ssyncset.done $0x0  }
.Ltmp0:
0x52: {  	s7 =	ssub.s32 @!p0 s11, s7;
	[sflag:s18] =	ssyncadd.s32 $0xFFFFE000;
	(pc) =	sbr.rel @p2 .LBB2_2-.Ltmp0, $4  }
0x53: {  	s9 =	simm.s32 @!p0 $0x40;
	s11 =	sand.u32 @!p0 $0xFFFF, s7;
	_ =	swait.ge @!p0 [sflag:s15], $0x100  }
0x54: {  	s7 =	sadd.s32 $0xFFFFFFF9, s24;
	s12 =	sshll.u32 @!p0 s11, $0xD;
	[sflag:s15] =	ssyncset.done @!p0 $0x0  }
0x55: {  	s10 =	smul.u32 $0xCCCD, s7;
	s13 =	sadd.s32 @!p0 $0x9, s11;
	s12 =	sor.u32 @!p0 $0x800, s12  }
0x56: {  	s30 =	sadd.s32 $0x20, s30;
	s11 =	sshll.u32 @!p1 s14, $0x8;
	[sflag:s15] =	ssyncadd.s32 @!p0 $0xFFFFFF00  }
0x57: {  	[tilespmem:s12], [sflag:s13] =	stream.indirect.gather @!p0 [hbm4b:s4+s9], $0x80, s5, s9, $0xb8;
	[tilespmem:$0x1E800] =	vst v63  }
0x58: {  	s1 =	sshrl.u32 s10, $0x12  }
0x59: {  	s5 =	simm.s32 @!p1 $0x0;
	s1 =	smul.u32 $0x5, s1  }
0x5a: {  	[tilespmem:s11], [sflag:s8] =	stream.linear.gather @!p1 [hbm4b:s16+s5], $0x100, $0x38;
	[tilespmem:$0x1E800] =	vst v63  }
0x5b: {  	p0 =	sgt.u32 s7, $0x137;
	s1 =	ssub.s32 s7, s1  }
0x5c: {  	s14 =	sand.u32 $0x1C00, s28;
	s9 =	sadd.s32 @!p0 $0xFFFFFFFD, s24;
	s1 =	sand.u32 $0xFFFF, s1  }
0x5d: {  	s15 =	sshrl.u32 s14, $0x2;
	s10 =	smul.u32 @!p0 $0xCCCD, s9;
	s13 =	sadd.s32 $0x9, s1  }
0x5e: {  	p1 =	sgt.u32 @!p0 s7, $0x134;
	s16 =	sor.u32 $0x80, s15;
	_ =	swait.ge [sflag:s13], $0x2000  }
0x5f: {  	s7 =	sshrl.u32 @!p0 s10, $0x12;
	s1 =	sshll.u32 s1, $0xD;
	[sflag:s13] =	ssyncset.done $0x0  }
0x60: {  	s5 =	smul.u32 @!p0 $0x5, s7;
	s1 =	sor.u32 $0x800, s1;
	[sflag:s13] =	ssyncadd.s32 $0xFFFFE000  }
0x61: {  	[spmem:s2] =	stream.indirect.scatter.add.f32 [tilespmem:s1], [sflag:$0xE], $0x80, s16, s26, $0xb8;
	[tilespmem:$0x1E800] =	vst v63  }
0x62: {  	p1 =	por p1, p0;
	_ =	swait.ge [sflag:s18], $0x2000  }
0x63: {  	s5 =	ssub.s32 @!p0 s9, s5;
	s1 =	sand.u32 @!p0 $0x7, s9;
	[sflag:s18] =	ssyncset.done $0x0  }
0x64: {  	s7 =	sshll.u32 @!p0 s1, $0x8;
	s1 =	sadd.s32 @!p0 $0x1, s1;
	[sflag:s18] =	ssyncadd.s32 $0xFFFFE000  }
0x65: {  	s8 =	sand.u32 @!p1 $0x7, s24;
	s5 =	sand.u32 @!p0 $0xFFFF, s5;
	_ =	swait.ge @!p0 [sflag:s1], $0x100  }
0x66: {  	s9 =	simm.s32 @!p0 $0x40;
	s10 =	sshll.u32 @!p0 s5, $0xD;
	[sflag:s1] =	ssyncset.done @!p0 $0x0  }
0x67: {  	s5 =	sadd.s32 @!p0 $0x9, s5;
	s10 =	sor.u32 @!p0 $0x800, s10;
	[sflag:s1] =	ssyncadd.s32 @!p0 $0xFFFFFF00  }
0x68: {  	[tilespmem:s10], [sflag:s5] =	stream.indirect.gather @!p0 [hbm4b:s4+s9], $0x80, s7, s9, $0xb8;
	[tilespmem:$0x1E800] =	vst v63  }
0x69: {  	s1 =	sadd.s32 @!p1 $0x1, s8;
	s5 =	sshll.u32 @!p1 s8, $0x8;
	s7 =	simm.s32 @!p1 $0x0  }
0x6a: {  	[tilespmem:s5], [sflag:s1] =	stream.linear.gather @!p1 [hbm4b:s30+s7], $0x100, $0x38;
	[tilespmem:$0x1E800] =	vst v63  }
0x6b: {  	[bflag:$0x0] =	sbarrier.arrive $0xFFFF  }
0x6c: {  	s28 =	rddreg [dreg:$0xb]  }
0x6d: {  	[hbm:s28], [sflag:s6] =	dma.local [spmem:s17], $0x2800  }
0x6e: {  	_ =	swait.ge [sflag:s18], $0x2800  }
0x6f: {  	s23 =	sadd.s32 $0x1, s23;
	s30 =	rddreg [dreg:$0xc]  }
0x70: {  	p0 =	sne.s32 s23, s30  }
.Ltmp1:
0x71: {  	_ = 	snop;
	(pc) =	sbr.rel @p0 .LBB2_1-.Ltmp1, $3  }
0x72: {  	_ =	sdelay $0x1  }
0x73: {  	[sflag:s18] =	ssyncset.done $0x0  }
0x74: {  	[sflag:s18] =	ssyncadd.s32 $0xFFFFD800  }
0x75: {  	_ =	sfence.sel $0x180000  }
0x76: {  	[bflag:$0x0] =	sbarrier.arrive $0xFFFF  }
0x77: {  	_ =	strace $0x9000004A  }
0x78: {  	s0 =	stileid.u32;
	[bflag:$0x2] =	sbarrier.arrive $0xFFFF  }
0x79: {  	p0 =	sne.s32 s0, $0x0;
	s0 =	rddreg [dreg:$0x2]  }
0x7a: {  	s0 =	sadd.s32 @!p0 $0x100000, s0  }
0x7b: {  	[sflag:s0] =	ssyncadd.tile.s32 @!p0 $0x1;
	_ =	shalt  }
.Lfunc_end2:
_tile_overlayer_lowered:
.L_overlay_start_2:
0x7c: {  	(tag) =	ssettag $0x2  }
0x7d: {  	s0 =	rddreg [dreg:$0x0];
	s2 =	stileid.u32  }
0x7e: {  	s1 =	rddreg [dreg:$0x1];
	p0 =	sne.s32 s2, $0x0  }
0x7f: {  	s3 =	rddreg [dreg:$0x2];
	[bflag:$0x3] =	sbarrier.arrive $0xFFFF;
	s2 =	simm.s32 @!p0 $0x1C0E  }
0x80: {  	[timem:s3], [sflag:s2] =	dma.local @!p0 [hbm:s0], s1  }
0x81: {  	s0 =	simm.s32 @!p0 $0xE  }
0x82: {  	_ =	swait.ge @!p0 [sflag:s0], s1  }
0x83: {  	s1 =	ssub.s32 @!p0 $0x0, s1;
	[sflag:s0] =	ssyncset.done @!p0 $0x0  }
0x84: {  	[sflag:s0] =	ssyncadd.s32 @!p0 s1  }
0x85: {  	[bflag:$0x3] =	sbarrier.arrive $0xFFFF  }
0x86: {  	_ =	shalt  }

// kernel: kernel.14.cloned.1.call-start
scs
__scs_entry_jumppad:
0x0: {  	(pc) =	sbr.rel $0x88, $3  }
0x1: {  	(tag) =	ssettag $0x0;
	lr =	simm.s32 $0x1  }
0x2: {  	[smem:$0x3F96] =	sst lr;
	_ =	strace $0xD0000000  }
0x3: {  	_ = 	snop  }
0x4: {  	_ = 	snop  }
0x5: {  	_ = 	snop  }
0x6: {  	_ = 	snop  }
0x7: {  	_ = 	snop  }
__scs_overlays_trampoline_lowered:
0x8: {  	[smem:$0x3FA5] =	sst s0  }
0x9: {  	[smem:$0x3FA6] =	sst s1  }
0xa: {  	[smem:$0x3FA7] =	sst s2  }
0xb: {  	[smem:$0x3FA8] =	sst s3  }
0xc: {  	[smem:$0x3FA9] =	sst s4  }
0xd: {  	[smem:$0x3FAA] =	sst s5  }
0xe: {  	[smem:$0x3FAB] =	sst s6  }
0xf: {  	[smem:$0x3FAC] =	sst s7  }
0x10: {  	[smem:$0x3FAD] =	sst s8  }
0x11: {  	[smem:$0x3FAE] =	sst s9;
	s0 =	simm.s32 @!p0 $0x0  }
0x12: {  	s1 =	sld [smem:$0x3F94];
	s0 =	simm.s32 @p0 $0x1  }
0x13: {  	[smem:$0x3FAF] =	sst s0;
	s0 =	simm.s32 @!p1 $0x0  }
0x14: {  	s2 =	sld [smem:$0x3F93];
	s0 =	simm.s32 @p1 $0x1  }
0x15: {  	[smem:$0x3FB0] =	sst s0;
	s0 =	simm.s32 @!p2 $0x0  }
0x16: {  	s3 =	sld [smem:$0x3FDB];
	s0 =	simm.s32 @p2 $0x1  }
0x17: {  	s4 =	simm.s32 $0x1BF5;
	[smem:$0x3FB2] =	sst s0  }
0x18: {  	s0 =	sld [smem:$0x3F95];
	_ =	swait.ge [sflag:s4], $0x0  }
0x19: {  	s7 =	sld [smem:$0x3F96]  }
0x1a: {  	s8 =	sadd.s32 $0xFFFFE003, lr  }
0x1b: {  	s9 =	sadd.s32 $0xFFFFFEF7, lr;
	s5 =	simm.s32 $0xFFFFFFFF;
	p2 =	slt.u32 s8, $0xFFFFF086  }
0x1c: {  	p1 =	slt.u32 s9, $0xF7A;
	s5 =	simm.s32 @!p2 $0x0  }
0x1d: {  	s5 =	simm.s32 @p1 $0x1;
	p0 =	seq.s32 s7, s2  }
0x1e: {  	s7 =	smul.u32 @!p0 $0xF7A, s2;
	p2 =	seq.s32 @!p0 s5, $0x0  }
0x1f: {  	s9 =	smul.u32 $0xF7A, s1;
	s8 =	simm.s32 @!p0 $0x1BF5;
	p2 =	por !p2, p0  }
0x20: {  	[sflag:s8] =	ssyncset.s32 @!p0 $0xFFFFF086;
	s6 =	sadd.s32 @!p0 s3, s7;
	s7 =	simm.s32 @!p0 $0x108  }
0x21: {  	s3 =	sadd.s32 s3, s9;
	s6 =	sadd.s32 @!p0 $0x88, s6;
	s7 =	simm.s32 @p2 $0x1082  }
0x22: {  	[simem:s7], [sflag:s8] =	dma.local @!p0 [hbm:s6], $0xF7A  }
0x23: {  	s9 =	sor.u32 $0xD0000000, s2;
	s6 =	simm.s32 $0x108;
	_ =	swait.ge @!p0 [sflag:s8], $0x0  }
0x24: {  	s3 =	sadd.s32 $0x88, s3;
	s6 =	simm.s32 @!p1 $0x1082;
	[sflag:s4] =	ssyncset.s32 $0xFFFFF086  }
0x25: {  	[simem:s6], [sflag:s4] =	dma.local [hbm:s3], $0xF7A  }
0x26: {  	[smem:$0x3F96] =	sst s1;
	(tag) =	ssettag s2;
	_ =	strace s9  }
0x27: {  	s1 =	sld [smem:$0x3FA6]  }
0x28: {  	s2 =	sld [smem:$0x3FA7]  }
0x29: {  	s4 =	sld [smem:$0x3FA9]  }
0x2a: {  	p0 =	seq.s32 s5, $0x0;
	s5 =	sld [smem:$0x3FAA]  }
0x2b: {  	s6 =	sld [smem:$0x3FAB]  }
0x2c: {  	s7 =	sld [smem:$0x3FAC]  }
0x2d: {  	s3 =	simm.s32 $0x108;
	s8 =	sld [smem:$0x3FAD]  }
0x2e: {  	s3 =	simm.s32 @!p0 $0x1082;
	s9 =	sld [smem:$0x3FAE]  }
0x2f: {  	lr =	sadd.s32 s0, s3;
	s0 =	sld [smem:$0x3FA5]  }
0x30: {  	s3 =	sld [smem:$0x3FA8]  }
0x31: {  	[smem:$0x3FB1] =	sst s10  }
0x32: {  	s10 =	sld [smem:$0x3FAF];
	_ =	sdelay $0x3  }
0x33: {  	p0 =	seq.s32 s10, $0x1;
	s10 =	sld [smem:$0x3FB1];
	_ =	sdelay $0x3  }
0x34: {  	[smem:$0x3FB1] =	sst s10  }
0x35: {  	s10 =	sld [smem:$0x3FB0];
	_ =	sdelay $0x3  }
0x36: {  	p1 =	seq.s32 s10, $0x1;
	s10 =	sld [smem:$0x3FB1];
	_ =	sdelay $0x3  }
0x37: {  	[smem:$0x3FB1] =	sst s10  }
0x38: {  	s10 =	sld [smem:$0x3FB2]  }
0x39: {  	_ = 	snop;
	(pc) =	sbr.ind lr, $3  }
0x3a: {  	_ = 	snop  }
0x3b: {  	_ = 	snop  }
0x3c: {  	p2 =	seq.s32 s10, $0x1;
	s10 =	sld [smem:$0x3FB1]  }
0x3d: {  	_ =	shalt  }
0x3e: {  	_ =	shalt  }
0x3f: {  	_ =	shalt  }
0x40: {  	_ =	shalt  }
0x41: {  	_ =	shalt  }
0x42: {  	_ =	shalt  }
0x43: {  	_ =	shalt  }
0x44: {  	_ =	shalt  }
0x45: {  	_ =	shalt  }
0x46: {  	_ =	shalt  }
0x47: {  	_ =	shalt  }
0x48: {  	_ =	shalt  }
0x49: {  	_ =	shalt  }
0x4a: {  	_ =	shalt  }
0x4b: {  	_ =	shalt  }
0x4c: {  	_ =	shalt  }
0x4d: {  	_ =	shalt  }
0x4e: {  	_ =	shalt  }
0x4f: {  	_ =	shalt  }
0x50: {  	_ =	shalt  }
0x51: {  	_ =	shalt  }
0x52: {  	_ =	shalt  }
0x53: {  	_ =	shalt  }
0x54: {  	_ =	shalt  }
0x55: {  	_ =	shalt  }
0x56: {  	_ =	shalt  }
0x57: {  	_ =	shalt  }
0x58: {  	_ =	shalt  }
0x59: {  	_ =	shalt  }
0x5a: {  	_ =	shalt  }
0x5b: {  	_ =	shalt  }
0x5c: {  	_ =	shalt  }
0x5d: {  	_ =	shalt  }
0x5e: {  	_ =	shalt  }
0x5f: {  	_ =	shalt  }
0x60: {  	_ =	shalt  }
0x61: {  	_ =	shalt  }
0x62: {  	_ =	shalt  }
0x63: {  	_ =	shalt  }
0x64: {  	_ =	shalt  }
0x65: {  	_ =	shalt  }
0x66: {  	_ =	shalt  }
0x67: {  	_ =	shalt  }
0x68: {  	_ =	shalt  }
0x69: {  	_ =	shalt  }
0x6a: {  	_ =	shalt  }
0x6b: {  	_ =	shalt  }
0x6c: {  	_ =	shalt  }
0x6d: {  	_ =	shalt  }
0x6e: {  	_ =	shalt  }
0x6f: {  	_ =	shalt  }
0x70: {  	_ =	shalt  }
0x71: {  	_ =	shalt  }
0x72: {  	_ =	shalt  }
0x73: {  	_ =	shalt  }
0x74: {  	_ =	shalt  }
0x75: {  	_ =	shalt  }
0x76: {  	_ =	shalt  }
0x77: {  	_ =	shalt  }
0x78: {  	_ =	shalt  }
0x79: {  	_ =	shalt  }
0x7a: {  	_ =	shalt  }
0x7b: {  	_ =	shalt  }
0x7c: {  	_ =	shalt  }
0x7d: {  	_ =	shalt  }
0x7e: {  	_ =	shalt  }
0x7f: {  	_ =	shalt  }
0x80: {  	_ =	shalt  }
0x81: {  	_ =	shalt  }
0x82: {  	_ =	shalt  }
0x83: {  	_ =	shalt  }
0x84: {  	_ =	shalt  }
0x85: {  	_ =	shalt  }
0x86: {  	_ =	shalt  }
0x87: {  	_ =	shalt  }
.Lfunc_end0:
.L_simem_size_0:
called_computation.2_lowered:
.L_overlay_start_0:
0x88: {  	s2 =	sld [smem:$0x3FD9]  }
0x89: {  	s3 =	sld [smem:$0x3FFE];
	_ =	sdelay $0x1  }
0x8a: {  	s1 =	srdreg.scid  }
0x8b: {  	s0 =	sand.u32 $0x1, s1  }
0x8c: {  	s16 =	sshll.u32 s0, $0xA;
	s2 =	sadd.s32 s3, s2  }
0x8d: {  	s2 =	sadd.s32 s2, s16  }
0x8e: {  	[smem:$0x3FBD] =	sst s2  }
0x8f: {  	_ = 	snop  }
0x90: {  	(tm) =	ssettm $0x1  }
0x91: {  	s17 =	sld [smem:$0x3FFB];
	_ =	sdelay $0x3  }
0x92: {  	_ =	strace s17  }
0x93: {  	s2 =	sld [smem:$0x3FFC];
	_ =	sdelay $0x3  }
0x94: {  	_ =	strace s2  }
0x95: {  	s2 =	sld [smem:$0x3FFD];
	_ =	sdelay $0x3  }
0x96: {  	_ =	strace s2  }
0x97: {  	_ =	strace $0x8FFFFFFF  }
0x98: {  	s18 =	sld [smem:$0x3FDB];
	_ =	sdelay $0x1  }
0x99: {  	s19 =	simm.s32 $_scs_section_size  }
0x9a: {  	s4 =	simm.s32 $_size__tile_overlayer_lowered;
	s5 =	simm.s32 $_tile_overlayer_lowered  }
0x9b: {  	s22 =	simm.s32 $0x1BFF;
	s21 =	sshll.u32 s5, $0x1;
	s2 =	sadd.s32 s19, s18  }
0x9c: {  	s6 =	simm.s32 $0x0;
	s20 =	sshll.u32 s4, $0x1;
	s4 =	sadd.s32 s21, s2  }
0x9d: {  	[timem:s6], [sflag:s22] =	dma.local [hbm:s4], s20  }
0x9e: {  	_ =	swait.ge [sflag:s22], s20  }
0x9f: {  	s3 =	ssub.s32 $0x0, s20;
	[sflag:s22] =	ssyncset.done $0x0  }
0xa0: {  	[sflag:s22] =	ssyncadd.s32 s3;
	_ =	sdelay $0x1  }
0xa1: {  	s23 =	simm.s32 $0x1B8B  }
0xa2: {  	_ =	swait.ge [sflag:s23], $0x1  }
0xa3: {  	[sflag:s23] =	ssyncset.done $0x0  }
0xa4: {  	s25 =	simm.s32 $0x1B8E;
	s24 =	sld [smem:$0x3FFE];
	[sflag:s23] =	ssyncadd.s32 $0xFFFFFFFF  }
0xa5: {  	s26 =	simm.s32 $execute0_lowered;
	[smem:$0x3FD2] =	sst s25  }
0xa6: {  	s4 =	sshll.u32 s26, $0x1;
	_ =	strace $0x8000004C;
	[dreg:$0x1] =	wrdreg $0xFFFFFFFF  }
0xa7: {  	s28 =	simm.s32 $_size_execute0_lowered;
	s2 =	sadd.s32 s2, s4;
	[dreg:$0x0] =	wrdreg $0x0  }
0xa8: {  	s4 =	sshll.u32 s28, $0x1;
	[dreg:$0x2] =	wrdreg s2  }
0xa9: {  	[dreg:$0x3] =	wrdreg s4  }
0xaa: {  	[dreg:$0x4] =	wrdreg $0xC0  }
0xab: {  	_ =	task [dreg:s6], $0x5FFFF  }
0xac: {  	[dreg:$0x1] =	wrdreg $0xFFFFFFFF  }
0xad: {  	[dreg:$0x0] =	wrdreg $0x60  }
0xae: {  	[dreg:$0x2] =	wrdreg s24  }
0xaf: {  	[dreg:$0x3] =	wrdreg $0xA8000  }
0xb0: {  	[dreg:$0x4] =	wrdreg $0x9  }
0xb1: {  	_ =	task.clear_ibuf [dreg:s6], $0x5FFFF;
	_ =	strace $0x9000004C  }
0xb2: {  	s29 =	simm.s32 $0x9;
	_ =	strace $0x8000004E  }
0xb3: {  	_ =	swait.ge [sflag:s29], $0x1  }
0xb4: {  	[sflag:s29] =	ssyncadd.s32 $0xFFFFFFFF  }
0xb5: {  	_ =	strace $0x9000004E  }
0xb6: {  	_ =	sfence  }
0xb7: {  	s30 =	sld [smem:$0x0];
	_ =	sdelay $0x2  }
0xb8: {  	s31 =	sshll.u32 s1, $0xD;
	s1 =	sshrl.u32 s1, $0x2  }
0xb9: {  	s3 =	sand.u32 $0x4000, s31;
	s1 =	sadd.s32 s1, s30  }
0xba: {  	s0 =	sor.u32 s3, s0;
	s1 =	sshll.u32 s1, $0x11  }
0xbb: {  	s0 =	sor.u32 s1, s0  }
0xbc: {  	s0 =	sadd.s32 $0x8F2B, s0  }
0xbd: {  	[sflag:s0] =	ssyncadd.remote.s32 $0x1  }
0xbe: {  	_ =	sfence.sel $0xFFFF  }
0xbf: {  	[dreg:$0x0] =	wrdreg $0xFFFFFFFF;
	(pc) =	sbr.abs _section_cstart, $3  }
0xc0: {  	[dreg:$0x1] =	wrdreg $0xFFFFFFFF  }
0xc1: {  	_ =	task.clear_ibuf [dreg:s6], $0x2FFFF;
	_ =	strace $0x9FFFFFFF  }
0xc2: {  	(tm) =	ssettm $0x7FFFFFFF  }
0xc3: {  	_ =	shalt  }
tec
execute0_lowered:
.L_overlay_start_1:
0x0: {  	(tag) =	ssettag $0x1  }
0x1: {  	s9 =	stileid.u32  }
0x2: {  	s0 =	srdreg.scid;
	s4 =	smul.u32 $0x2780, s9  }
0x3: {  	s5 =	rddreg [dreg:$0x0];
	s0 =	sand.u32 $0x1, s0;
	s7 =	smul.u32 $0x280, s9  }
0x4: {  	s2 =	rddreg [dreg:$0x1];
	s1 =	smul.u32 $0x27800, s0  }
0x5: {  	s3 =	simm.s32 $0x0;
	s6 =	smul.u32 $0x2800, s0;
	s0 =	ssub.s32 $0x2, s0  }
0x6: {  	s29 =	simm.s32 $0x2;
	[smem:$0x7FF] =	sst s3;
	s18 =	sshrl.u32 s0, $0x1  }
0x7: {  	s1 =	sadd.s32 s4, s1;
	s6 =	sadd.s32 s7, s6;
	s4 =	sadd.s32 $0x3400, s5  }
0x8: {  	s0 =	ssub.s32 s0, s18;
	s1 =	sshrl.u32 s1, $0x1;
	s6 =	sshll.u32 s6, $0x4  }
0x9: {  	s0 =	smax.u32 s0, $0x1;
	s1 =	sadd.s32 s1, s5;
	s5 =	sadd.s32 s6, s5  }
0xa: {  	_ =	strace $0x8000004D;
	[dreg:$0xc] =	wrdreg s0;
	s20 =	sadd.s32 $0x2B400, s5  }
0xb: {  	s31 =	simm.s32 $0x3;
	s21 =	sadd.s32 $0x101200, s1;
	[dreg:$0x3] =	wrdreg s20  }
0xc: {  	s8 =	smul.u32 $0x50000, s9;
	s22 =	sadd.s32 $0x101220, s1;
	[dreg:$0x4] =	wrdreg s21  }
0xd: {  	s19 =	sshll.u32 s9, $0x6;
	s23 =	sadd.s32 $0x101240, s1;
	[dreg:$0x5] =	wrdreg s22  }
0xe: {  	s24 =	sshrl.u32 s8, $0x2;
	s25 =	sadd.s32 $0x101260, s1;
	[dreg:$0x6] =	wrdreg s23  }
0xf: {  	s7 =	sadd.s32 s24, s2;
	s26 =	sadd.s32 $0x101280, s1;
	[dreg:$0x7] =	wrdreg s25  }
0x10: {  	s18 =	simm.s32 $0xE;
	s28 =	sadd.s32 $0x1012A0, s1;
	[dreg:$0x8] =	wrdreg s26  }
0x11: {  	s17 =	sshrl.u32 s7, $0x3;
	s30 =	sadd.s32 $0x1012C0, s1;
	[dreg:$0x9] =	wrdreg s28  }
0x12: {  	s6 =	sor.u32 $0x1C0E, s19;
	s5 =	sadd.s32 $0x7B400, s5;
	[dreg:$0xa] =	wrdreg s30  }
0x13: {  	s19 =	simm.s32 $0x100;
	s0 =	simm.s32 $0x4;
	[dreg:$0xb] =	wrdreg s5  }
0x14: {  	s5 =	sadd.s32 $0x1012E0, s1;
	s20 =	simm.s32 $0x200;
	s21 =	simm.s32 $0x300  }
0x15: {  	s25 =	simm.s32 $0x1;
	s26 =	simm.s32 $0x40;
	s23 =	simm.s32 $0x0  }
.LBB2_1:
0x16: {  	s1 =	rddreg [dreg:$0x3]  }
0x17: {  	[spmem:s17], [sflag:s6] =	dma.local [hbm:s1], $0x2800  }
0x18: {  	_ =	swait.ge [sflag:s18], $0x2800  }
0x19: {  	[sflag:s18] =	ssyncset.done $0x0  }
0x1a: {  	s14 =	rddreg [dreg:$0x4];
	[sflag:s18] =	ssyncadd.s32 $0xFFFFD800  }
0x1b: {  	[tilespmem:s3], [sflag:$0x1] =	stream.linear.gather [hbm4b:s14+s3], $0x100, $0x38;
	[tilespmem:$0x1E800] =	vst v63  }
0x1c: {  	s15 =	rddreg [dreg:$0x5]  }
0x1d: {  	[tilespmem:s19], [sflag:$0x2] =	stream.linear.gather [hbm4b:s15+s3], $0x100, $0x38;
	[tilespmem:$0x1E800] =	vst v63  }
0x1e: {  	s16 =	rddreg [dreg:$0x6]  }
0x1f: {  	[tilespmem:s20], [sflag:$0x3] =	stream.linear.gather [hbm4b:s16+s3], $0x100, $0x38;
	[tilespmem:$0x1E800] =	vst v63  }
0x20: {  	s22 =	rddreg [dreg:$0x7]  }
0x21: {  	[tilespmem:s21], [sflag:$0x4] =	stream.linear.gather [hbm4b:s22+s3], $0x100, $0x38;
	[tilespmem:$0x1E800] =	vst v63  }
0x22: {  	s7 =	simm.s32 $0x400;
	s24 =	rddreg [dreg:$0x8]  }
0x23: {  	[tilespmem:s7], [sflag:$0x5] =	stream.linear.gather [hbm4b:s24+s3], $0x100, $0x38;
	[tilespmem:$0x1E800] =	vst v63  }
0x24: {  	s8 =	simm.s32 $0x500;
	s7 =	rddreg [dreg:$0x9]  }
0x25: {  	[tilespmem:s8], [sflag:$0x6] =	stream.linear.gather [hbm4b:s7+s3], $0x100, $0x38;
	[tilespmem:$0x1E800] =	vst v63  }
0x26: {  	s10 =	simm.s32 $0x600;
	s9 =	rddreg [dreg:$0xa]  }
0x27: {  	[tilespmem:s10], [sflag:$0x7] =	stream.linear.gather [hbm4b:s9+s3], $0x100, $0x38;
	[tilespmem:$0x1E800] =	vst v63  }
0x28: {  	s11 =	simm.s32 $0x800;
	_ =	swait.ge [sflag:s25], $0x100  }
0x29: {  	s12 =	simm.s32 $0x2800;
	s13 =	simm.s32 $0x4800;
	[sflag:s25] =	ssyncset.done $0x0  }
0x2a: {  	p0 =	por $0x0, $0x0;
	s14 =	simm.s32 $0x0;
	[sflag:s25] =	ssyncadd.s32 $0xFFFFFF00  }
0x2b: {  	[tilespmem:s11], [sflag:$0x9] =	stream.indirect.gather [hbm4b:s4+s26], $0x80, s3, s26, $0xb8;
	[tilespmem:$0x1E800] =	vst v63  }
0x2c: {  	s30 =	simm.s32 $0x400;
	s1 =	smul.u32 $0xCD, s14;
	_ =	swait.ge [sflag:s29], $0x100  }
0x2d: {  	s28 =	sadd.s32 $0x20, s5;
	p1 =	por @!p0 $0x0, $0x0;
	[sflag:s29] =	ssyncset.done $0x0  }
0x2e: {  	p1 =	por p1, p0;
	s1 =	sshrl.u32 s1, $0xA;
	[sflag:s29] =	ssyncadd.s32 $0xFFFFFF00  }
0x2f: {  	[tilespmem:s12], [sflag:$0xA] =	stream.indirect.gather [hbm4b:s4+s26], $0x80, s19, s26, $0xb8;
	[tilespmem:$0x1E800] =	vst v63  }
0x30: {  	s15 =	simm.s32 $0x6800;
	s1 =	sand.u32 $0x3F, s1;
	_ =	swait.ge [sflag:s31], $0x100  }
0x31: {  	s16 =	smul.u32 $0x5, s1;
	s1 =	simm.s32 $0x9;
	[sflag:s31] =	ssyncset.done $0x0  }
0x32: {  	s24 =	simm.s32 $0x8;
	s8 =	sand.u32 $0x1C00, s3;
	[sflag:s31] =	ssyncadd.s32 $0xFFFFFF00  }
0x33: {  	[tilespmem:s13], [sflag:$0xB] =	stream.indirect.gather [hbm4b:s4+s26], $0x80, s20, s26, $0xb8;
	[tilespmem:$0x1E800] =	vst v63  }
0x34: {  	s7 =	ssub.s32 $0x0, s16;
	s8 =	sshrl.u32 s8, $0x2;
	_ =	swait.ge [sflag:s0], $0x100  }
0x35: {  	s7 =	sand.u32 $0xFF, s7;
	s9 =	simm.s32 $0x7;
	[sflag:s0] =	ssyncset.done $0x0  }
0x36: {  	s10 =	simm.s32 @!p0 $0x4;
	s22 =	sor.u32 $0x80, s8;
	[sflag:s0] =	ssyncadd.s32 $0xFFFFFF00  }
0x37: {  	[tilespmem:s15], [sflag:$0xC] =	stream.indirect.gather [hbm4b:s4+s26], $0x80, s21, s26, $0xb8;
	[tilespmem:$0x1E800] =	vst v63  }
0x38: {  	s16 =	sand.u32 @!p0 $0x7, s10;
	s11 =	sadd.s32 $0x9, s7;
	[bflag:$0x0] =	sbarrier.arrive $0xFFFF  }
0x39: {  	s8 =	sshll.u32 @!p0 s16, $0x8;
	s12 =	smul.u32 @!p0 $0xCD, s10;
	_ =	swait.ge [sflag:s11], $0x2000  }
0x3a: {  	s10 =	sand.u32 @!p1 $0x7, s9;
	s13 =	sshll.u32 s7, $0xD;
	[sflag:s11] =	ssyncset.done $0x0  }
0x3b: {  	s13 =	sor.u32 $0x800, s13;
	[sflag:s11] =	ssyncadd.s32 $0xFFFFE000;
	s11 =	sshrl.u32 @!p0 s12, $0xA  }
0x3c: {  	[spmem:s2] =	stream.indirect.scatter.add.f32 [tilespmem:s13], [sflag:$0xE], $0x80, s22, s26, $0xb8;
	[tilespmem:$0x1E800] =	vst v63  }
0x3d: {  	s7 =	simm.s32 @!p0 $0x40;
	s9 =	sand.u32 @!p0 $0x3F, s11;
	s22 =	simm.s32 $0x1  }
0x3e: {  	s11 =	sadd.s32 @!p0 $0x1, s16;
	_ =	swait.ge [sflag:s18], $0x2000;
	s13 =	smul.u32 @!p0 $0x5, s9  }
0x3f: {  	s16 =	smov.u32 s5;
	s9 =	sadd.s32 @!p1 $0x1, s10;
	[sflag:s18] =	ssyncset.done $0x0  }
0x40: {  	s10 =	sshll.u32 @!p1 s10, $0x8;
	[sflag:s18] =	ssyncadd.s32 $0xFFFFE000;
	s13 =	ssub.s32 @!p0 $0x4, s13  }
0x41: {  	s12 =	smul.u32 $0xCD, s22;
	_ =	swait.ge @!p0 [sflag:s11], $0x100;
	s13 =	sand.u32 @!p0 $0xFF, s13  }
.LBB2_2:
0x42: {  	[sflag:s11] =	ssyncset.done @!p0 $0x0;
	s14 =	sshll.u32 @!p0 s13, $0xD  }
0x43: {  	s13 =	sadd.s32 @!p0 $0x9, s13;
	s15 =	smov.u32 s24;
	s24 =	smov.u32 s1  }
0x44: {  	s12 =	sshrl.u32 s12, $0xA;
	[sflag:s11] =	ssyncadd.s32 @!p0 $0xFFFFFF00;
	s11 =	sor.u32 @!p0 $0x800, s14  }
0x45: {  	[tilespmem:s11], [sflag:s13] =	stream.indirect.gather @!p0 [hbm4b:s4+s7], $0x80, s8, s7, $0xb8;
	[tilespmem:$0x1E800] =	vst v63  }
0x46: {  	s1 =	sadd.s32 $0x1, s1;
	s7 =	sand.u32 $0x3F, s12;
	s8 =	simm.s32 @!p1 $0x0  }
0x47: {  	[tilespmem:s10], [sflag:s9] =	stream.linear.gather @!p1 [hbm4b:s16+s8], $0x100, $0x38;
	[tilespmem:$0x1E800] =	vst v63  }
0x48: {  	p2 =	sne.s32 s1, $0xA5;
	s7 =	smul.u32 $0x5, s7;
	s16 =	smov.u32 s28  }
0x49: {  	p0 =	sgt.u32 s22, $0x99;
	s8 =	sand.u32 $0x1C00, s30  }
0x4a: {  	s7 =	ssub.s32 s22, s7;
	s8 =	sshrl.u32 s8, $0x2  }
0x4b: {  	s13 =	sadd.s32 @!p0 $0xFFFFFFFD, s15;
	s30 =	sadd.s32 $0x400, s30;
	s7 =	sand.u32 $0xFF, s7  }
0x4c: {  	s10 =	smul.u32 @!p0 $0xCD, s13;
	p1 =	sgt.u32 @!p0 s22, $0x96;
	s9 =	sadd.s32 $0x9, s7  }
0x4d: {  	s14 =	sand.u32 @!p0 $0x7, s13;
	s11 =	sshll.u32 s7, $0xD;
	_ =	swait.ge [sflag:s9], $0x2000  }
0x4e: {  	p1 =	por p1, p0;
	s12 =	sor.u32 $0x80, s8;
	s7 =	simm.s32 @!p0 $0x40  }
0x4f: {  	s8 =	sshll.u32 @!p0 s14, $0x8;
	s11 =	sor.u32 $0x800, s11;
	[sflag:s9] =	ssyncset.done $0x0  }
0x50: {  	[sflag:s9] =	ssyncadd.s32 $0xFFFFE000;
	s9 =	sshrl.u32 @!p0 s10, $0xA;
	s10 =	sand.u32 @!p1 $0x7, s15  }
0x51: {  	[spmem:s2] =	stream.indirect.scatter.add.f32 [tilespmem:s11], [sflag:$0xE], $0x80, s12, s26, $0xb8;
	[tilespmem:$0x1E800] =	vst v63  }
.Ltmp0:
0x52: {  	s9 =	sand.u32 @!p0 $0x3F, s9;
	_ =	swait.ge [sflag:s18], $0x2000;
	(pc) =	sbr.rel @p2 .LBB2_2-.Ltmp0, $4  }
0x53: {  	s15 =	smul.u32 @!p0 $0x5, s9;
	s9 =	sadd.s32 @!p1 $0x1, s10;
	[sflag:s18] =	ssyncset.done $0x0  }
0x54: {  	s22 =	sadd.s32 $0xFFFFFFF9, s24;
	s10 =	sshll.u32 @!p1 s10, $0x8;
	[sflag:s18] =	ssyncadd.s32 $0xFFFFE000  }
0x55: {  	s12 =	smul.u32 $0xCD, s22;
	s11 =	sadd.s32 @!p0 $0x1, s14;
	s13 =	ssub.s32 @!p0 s13, s15  }
0x56: {  	s28 =	sadd.s32 $0x20, s28;
	s13 =	sand.u32 @!p0 $0xFF, s13;
	_ =	swait.ge @!p0 [sflag:s11], $0x100  }
0x57: {  	[sflag:s11] =	ssyncset.done @!p0 $0x0  }
0x58: {  	s1 =	sshll.u32 @!p0 s13, $0xD;
	s13 =	sadd.s32 @!p0 $0x9, s13;
	s12 =	sshrl.u32 s12, $0xA  }
0x59: {  	[sflag:s11] =	ssyncadd.s32 @!p0 $0xFFFFFF00;
	s1 =	sor.u32 @!p0 $0x800, s1;
	s14 =	sand.u32 $0x3F, s12  }
0x5a: {  	[tilespmem:s1], [sflag:s13] =	stream.indirect.gather @!p0 [hbm4b:s4+s7], $0x80, s8, s7, $0xb8;
	[tilespmem:$0x1E800] =	vst v63  }
0x5b: {  	s7 =	simm.s32 @!p1 $0x0;
	s1 =	smul.u32 $0x5, s14  }
0x5c: {  	[tilespmem:s10], [sflag:s9] =	stream.linear.gather @!p1 [hbm4b:s16+s7], $0x100, $0x38;
	[tilespmem:$0x1E800] =	vst v63  }
0x5d: {  	s1 =	ssub.s32 s22, s1  }
0x5e: {  	p0 =	sgt.u32 s22, $0x99;
	s1 =	sand.u32 $0xFF, s1  }
0x5f: {  	s15 =	sand.u32 $0x1C00, s30;
	s8 =	sadd.s32 @!p0 $0xFFFFFFFD, s24;
	s16 =	sadd.s32 $0x9, s1  }
0x60: {  	s7 =	sshrl.u32 s15, $0x2;
	s10 =	smul.u32 @!p0 $0xCD, s8;
	_ =	swait.ge [sflag:s16], $0x2000  }
0x61: {  	s7 =	sor.u32 $0x80, s7;
	s1 =	sshll.u32 s1, $0xD;
	[sflag:s16] =	ssyncset.done $0x0  }
0x62: {  	s9 =	sshrl.u32 @!p0 s10, $0xA;
	s1 =	sor.u32 $0x800, s1;
	[sflag:s16] =	ssyncadd.s32 $0xFFFFE000  }
0x63: {  	[spmem:s2] =	stream.indirect.scatter.add.f32 [tilespmem:s1], [sflag:$0xE], $0x80, s7, s26, $0xb8;
	[tilespmem:$0x1E800] =	vst v63  }
0x64: {  	p1 =	sgt.u32 @!p0 s22, $0x96;
	s1 =	sand.u32 @!p0 $0x3F, s9  }
0x65: {  	p1 =	por p1, p0;
	_ =	swait.ge [sflag:s18], $0x2000;
	s1 =	smul.u32 @!p0 $0x5, s1  }
0x66: {  	s7 =	sand.u32 @!p0 $0x7, s8;
	s9 =	simm.s32 @!p0 $0x40;
	[sflag:s18] =	ssyncset.done $0x0  }
0x67: {  	s10 =	sadd.s32 @!p0 $0x1, s7;
	[sflag:s18] =	ssyncadd.s32 $0xFFFFE000;
	s1 =	ssub.s32 @!p0 s8, s1  }
0x68: {  	s7 =	sshll.u32 @!p0 s7, $0x8;
	_ =	swait.ge @!p0 [sflag:s10], $0x100;
	s1 =	sand.u32 @!p0 $0xFF, s1  }
0x69: {  	s8 =	sand.u32 @!p1 $0x7, s24;
	[sflag:s10] =	ssyncset.done @!p0 $0x0;
	s11 =	sshll.u32 @!p0 s1, $0xD  }
0x6a: {  	s1 =	sadd.s32 @!p0 $0x9, s1;
	[sflag:s10] =	ssyncadd.s32 @!p0 $0xFFFFFF00;
	s10 =	sor.u32 @!p0 $0x800, s11  }
0x6b: {  	[tilespmem:s10], [sflag:s1] =	stream.indirect.gather @!p0 [hbm4b:s4+s9], $0x80, s7, s9, $0xb8;
	[tilespmem:$0x1E800] =	vst v63  }
0x6c: {  	s1 =	sadd.s32 @!p1 $0x1, s8;
	s7 =	sshll.u32 @!p1 s8, $0x8;
	s8 =	simm.s32 @!p1 $0x0  }
0x6d: {  	[tilespmem:s7], [sflag:s1] =	stream.linear.gather @!p1 [hbm4b:s28+s8], $0x100, $0x38;
	[tilespmem:$0x1E800] =	vst v63  }
0x6e: {  	[bflag:$0x0] =	sbarrier.arrive $0xFFFF  }
0x6f: {  	s28 =	rddreg [dreg:$0xb]  }
0x70: {  	[hbm:s28], [sflag:s6] =	dma.local [spmem:s17], $0x2800  }
0x71: {  	_ =	swait.ge [sflag:s18], $0x2800  }
0x72: {  	s23 =	sadd.s32 $0x1, s23;
	s30 =	rddreg [dreg:$0xc]  }
0x73: {  	p0 =	sne.s32 s23, s30  }
.Ltmp1:
0x74: {  	_ = 	snop;
	(pc) =	sbr.rel @p0 .LBB2_1-.Ltmp1, $3  }
0x75: {  	_ =	sdelay $0x1  }
0x76: {  	[sflag:s18] =	ssyncset.done $0x0  }
0x77: {  	[sflag:s18] =	ssyncadd.s32 $0xFFFFD800  }
0x78: {  	_ =	sfence.sel $0x180000  }
0x79: {  	[bflag:$0x0] =	sbarrier.arrive $0xFFFF  }
0x7a: {  	_ =	strace $0x9000004D  }
0x7b: {  	s0 =	stileid.u32;
	[bflag:$0x2] =	sbarrier.arrive $0xFFFF  }
0x7c: {  	p0 =	sne.s32 s0, $0x0;
	s0 =	rddreg [dreg:$0x2]  }
0x7d: {  	s0 =	sadd.s32 @!p0 $0x100000, s0  }
0x7e: {  	[sflag:s0] =	ssyncadd.tile.s32 @!p0 $0x1;
	_ =	shalt  }
.Lfunc_end2:
_tile_overlayer_lowered:
.L_overlay_start_2:
0x7f: {  	(tag) =	ssettag $0x2  }
0x80: {  	s0 =	rddreg [dreg:$0x0];
	s2 =	stileid.u32  }
0x81: {  	s1 =	rddreg [dreg:$0x1];
	p0 =	sne.s32 s2, $0x0  }
0x82: {  	s3 =	rddreg [dreg:$0x2];
	[bflag:$0x3] =	sbarrier.arrive $0xFFFF;
	s2 =	simm.s32 @!p0 $0x1C0E  }
0x83: {  	[timem:s3], [sflag:s2] =	dma.local @!p0 [hbm:s0], s1  }
0x84: {  	s0 =	simm.s32 @!p0 $0xE  }
0x85: {  	_ =	swait.ge @!p0 [sflag:s0], s1  }
0x86: {  	s1 =	ssub.s32 @!p0 $0x0, s1;
	[sflag:s0] =	ssyncset.done @!p0 $0x0  }
0x87: {  	[sflag:s0] =	ssyncadd.s32 @!p0 s1  }
0x88: {  	[bflag:$0x3] =	sbarrier.arrive $0xFFFF  }
0x89: {  	_ =	shalt  }

// kernel: kernel.8.cloned.1.call-start
scs
__scs_entry_jumppad:
0x0: {  	(pc) =	sbr.rel $0x88, $3  }
0x1: {  	(tag) =	ssettag $0x0;
	lr =	simm.s32 $0x1  }
0x2: {  	[smem:$0x3F96] =	sst lr;
	_ =	strace $0xD0000000  }
0x3: {  	_ = 	snop  }
0x4: {  	_ = 	snop  }
0x5: {  	_ = 	snop  }
0x6: {  	_ = 	snop  }
0x7: {  	_ = 	snop  }
__scs_overlays_trampoline_lowered:
0x8: {  	[smem:$0x3FA5] =	sst s0  }
0x9: {  	[smem:$0x3FA6] =	sst s1  }
0xa: {  	[smem:$0x3FA7] =	sst s2  }
0xb: {  	[smem:$0x3FA8] =	sst s3  }
0xc: {  	[smem:$0x3FA9] =	sst s4  }
0xd: {  	[smem:$0x3FAA] =	sst s5  }
0xe: {  	[smem:$0x3FAB] =	sst s6  }
0xf: {  	[smem:$0x3FAC] =	sst s7  }
0x10: {  	[smem:$0x3FAD] =	sst s8  }
0x11: {  	[smem:$0x3FAE] =	sst s9;
	s0 =	simm.s32 @!p0 $0x0  }
0x12: {  	s1 =	sld [smem:$0x3F94];
	s0 =	simm.s32 @p0 $0x1  }
0x13: {  	[smem:$0x3FAF] =	sst s0;
	s0 =	simm.s32 @!p1 $0x0  }
0x14: {  	s2 =	sld [smem:$0x3F93];
	s0 =	simm.s32 @p1 $0x1  }
0x15: {  	[smem:$0x3FB0] =	sst s0;
	s0 =	simm.s32 @!p2 $0x0  }
0x16: {  	s3 =	sld [smem:$0x3FDB];
	s0 =	simm.s32 @p2 $0x1  }
0x17: {  	s4 =	simm.s32 $0x1BF5;
	[smem:$0x3FB2] =	sst s0  }
0x18: {  	s0 =	sld [smem:$0x3F95];
	_ =	swait.ge [sflag:s4], $0x0  }
0x19: {  	s7 =	sld [smem:$0x3F96]  }
0x1a: {  	s8 =	sadd.s32 $0xFFFFE003, lr  }
0x1b: {  	s9 =	sadd.s32 $0xFFFFFEF7, lr;
	s5 =	simm.s32 $0xFFFFFFFF;
	p2 =	slt.u32 s8, $0xFFFFF086  }
0x1c: {  	p1 =	slt.u32 s9, $0xF7A;
	s5 =	simm.s32 @!p2 $0x0  }
0x1d: {  	s5 =	simm.s32 @p1 $0x1;
	p0 =	seq.s32 s7, s2  }
0x1e: {  	s7 =	smul.u32 @!p0 $0xF7A, s2;
	p2 =	seq.s32 @!p0 s5, $0x0  }
0x1f: {  	s9 =	smul.u32 $0xF7A, s1;
	s8 =	simm.s32 @!p0 $0x1BF5;
	p2 =	por !p2, p0  }
0x20: {  	[sflag:s8] =	ssyncset.s32 @!p0 $0xFFFFF086;
	s6 =	sadd.s32 @!p0 s3, s7;
	s7 =	simm.s32 @!p0 $0x108  }
0x21: {  	s3 =	sadd.s32 s3, s9;
	s6 =	sadd.s32 @!p0 $0x88, s6;
	s7 =	simm.s32 @p2 $0x1082  }
0x22: {  	[simem:s7], [sflag:s8] =	dma.local @!p0 [hbm:s6], $0xF7A  }
0x23: {  	s9 =	sor.u32 $0xD0000000, s2;
	s6 =	simm.s32 $0x108;
	_ =	swait.ge @!p0 [sflag:s8], $0x0  }
0x24: {  	s3 =	sadd.s32 $0x88, s3;
	s6 =	simm.s32 @!p1 $0x1082;
	[sflag:s4] =	ssyncset.s32 $0xFFFFF086  }
0x25: {  	[simem:s6], [sflag:s4] =	dma.local [hbm:s3], $0xF7A  }
0x26: {  	[smem:$0x3F96] =	sst s1;
	(tag) =	ssettag s2;
	_ =	strace s9  }
0x27: {  	s1 =	sld [smem:$0x3FA6]  }
0x28: {  	s2 =	sld [smem:$0x3FA7]  }
0x29: {  	s4 =	sld [smem:$0x3FA9]  }
0x2a: {  	p0 =	seq.s32 s5, $0x0;
	s5 =	sld [smem:$0x3FAA]  }
0x2b: {  	s6 =	sld [smem:$0x3FAB]  }
0x2c: {  	s7 =	sld [smem:$0x3FAC]  }
0x2d: {  	s3 =	simm.s32 $0x108;
	s8 =	sld [smem:$0x3FAD]  }
0x2e: {  	s3 =	simm.s32 @!p0 $0x1082;
	s9 =	sld [smem:$0x3FAE]  }
0x2f: {  	lr =	sadd.s32 s0, s3;
	s0 =	sld [smem:$0x3FA5]  }
0x30: {  	s3 =	sld [smem:$0x3FA8]  }
0x31: {  	[smem:$0x3FB1] =	sst s10  }
0x32: {  	s10 =	sld [smem:$0x3FAF];
	_ =	sdelay $0x3  }
0x33: {  	p0 =	seq.s32 s10, $0x1;
	s10 =	sld [smem:$0x3FB1];
	_ =	sdelay $0x3  }
0x34: {  	[smem:$0x3FB1] =	sst s10  }
0x35: {  	s10 =	sld [smem:$0x3FB0];
	_ =	sdelay $0x3  }
0x36: {  	p1 =	seq.s32 s10, $0x1;
	s10 =	sld [smem:$0x3FB1];
	_ =	sdelay $0x3  }
0x37: {  	[smem:$0x3FB1] =	sst s10  }
0x38: {  	s10 =	sld [smem:$0x3FB2]  }
0x39: {  	_ = 	snop;
	(pc) =	sbr.ind lr, $3  }
0x3a: {  	_ = 	snop  }
0x3b: {  	_ = 	snop  }
0x3c: {  	p2 =	seq.s32 s10, $0x1;
	s10 =	sld [smem:$0x3FB1]  }
0x3d: {  	_ =	shalt  }
0x3e: {  	_ =	shalt  }
0x3f: {  	_ =	shalt  }
0x40: {  	_ =	shalt  }
0x41: {  	_ =	shalt  }
0x42: {  	_ =	shalt  }
0x43: {  	_ =	shalt  }
0x44: {  	_ =	shalt  }
0x45: {  	_ =	shalt  }
0x46: {  	_ =	shalt  }
0x47: {  	_ =	shalt  }
0x48: {  	_ =	shalt  }
0x49: {  	_ =	shalt  }
0x4a: {  	_ =	shalt  }
0x4b: {  	_ =	shalt  }
0x4c: {  	_ =	shalt  }
0x4d: {  	_ =	shalt  }
0x4e: {  	_ =	shalt  }
0x4f: {  	_ =	shalt  }
0x50: {  	_ =	shalt  }
0x51: {  	_ =	shalt  }
0x52: {  	_ =	shalt  }
0x53: {  	_ =	shalt  }
0x54: {  	_ =	shalt  }
0x55: {  	_ =	shalt  }
0x56: {  	_ =	shalt  }
0x57: {  	_ =	shalt  }
0x58: {  	_ =	shalt  }
0x59: {  	_ =	shalt  }
0x5a: {  	_ =	shalt  }
0x5b: {  	_ =	shalt  }
0x5c: {  	_ =	shalt  }
0x5d: {  	_ =	shalt  }
0x5e: {  	_ =	shalt  }
0x5f: {  	_ =	shalt  }
0x60: {  	_ =	shalt  }
0x61: {  	_ =	shalt  }
0x62: {  	_ =	shalt  }
0x63: {  	_ =	shalt  }
0x64: {  	_ =	shalt  }
0x65: {  	_ =	shalt  }
0x66: {  	_ =	shalt  }
0x67: {  	_ =	shalt  }
0x68: {  	_ =	shalt  }
0x69: {  	_ =	shalt  }
0x6a: {  	_ =	shalt  }
0x6b: {  	_ =	shalt  }
0x6c: {  	_ =	shalt  }
0x6d: {  	_ =	shalt  }
0x6e: {  	_ =	shalt  }
0x6f: {  	_ =	shalt  }
0x70: {  	_ =	shalt  }
0x71: {  	_ =	shalt  }
0x72: {  	_ =	shalt  }
0x73: {  	_ =	shalt  }
0x74: {  	_ =	shalt  }
0x75: {  	_ =	shalt  }
0x76: {  	_ =	shalt  }
0x77: {  	_ =	shalt  }
0x78: {  	_ =	shalt  }
0x79: {  	_ =	shalt  }
0x7a: {  	_ =	shalt  }
0x7b: {  	_ =	shalt  }
0x7c: {  	_ =	shalt  }
0x7d: {  	_ =	shalt  }
0x7e: {  	_ =	shalt  }
0x7f: {  	_ =	shalt  }
0x80: {  	_ =	shalt  }
0x81: {  	_ =	shalt  }
0x82: {  	_ =	shalt  }
0x83: {  	_ =	shalt  }
0x84: {  	_ =	shalt  }
0x85: {  	_ =	shalt  }
0x86: {  	_ =	shalt  }
0x87: {  	_ =	shalt  }
.Lfunc_end0:
.L_simem_size_0:
called_computation_lowered:
.L_overlay_start_0:
0x88: {  	s2 =	sld [smem:$0x3FD9]  }
0x89: {  	s3 =	sld [smem:$0x3FFE];
	_ =	sdelay $0x1  }
0x8a: {  	s1 =	srdreg.scid  }
0x8b: {  	s0 =	sand.u32 $0x1, s1  }
0x8c: {  	s16 =	sshll.u32 s0, $0xA;
	s2 =	sadd.s32 s3, s2  }
0x8d: {  	s2 =	sadd.s32 s2, s16  }
0x8e: {  	[smem:$0x3FBD] =	sst s2  }
0x8f: {  	_ = 	snop  }
0x90: {  	(tm) =	ssettm $0x1  }
0x91: {  	s17 =	sld [smem:$0x3FFB];
	_ =	sdelay $0x3  }
0x92: {  	_ =	strace s17  }
0x93: {  	s2 =	sld [smem:$0x3FFC];
	_ =	sdelay $0x3  }
0x94: {  	_ =	strace s2  }
0x95: {  	s2 =	sld [smem:$0x3FFD];
	_ =	sdelay $0x3  }
0x96: {  	_ =	strace s2  }
0x97: {  	_ =	strace $0x8FFFFFFF  }
0x98: {  	s18 =	sld [smem:$0x3FDB];
	_ =	sdelay $0x1  }
0x99: {  	s19 =	simm.s32 $_scs_section_size  }
0x9a: {  	s4 =	simm.s32 $_size__tile_overlayer_lowered;
	s5 =	simm.s32 $_tile_overlayer_lowered  }
0x9b: {  	s22 =	simm.s32 $0x1BFF;
	s21 =	sshll.u32 s5, $0x1;
	s2 =	sadd.s32 s19, s18  }
0x9c: {  	s6 =	simm.s32 $0x0;
	s20 =	sshll.u32 s4, $0x1;
	s4 =	sadd.s32 s21, s2  }
0x9d: {  	[timem:s6], [sflag:s22] =	dma.local [hbm:s4], s20  }
0x9e: {  	_ =	swait.ge [sflag:s22], s20  }
0x9f: {  	s3 =	ssub.s32 $0x0, s20;
	[sflag:s22] =	ssyncset.done $0x0  }
0xa0: {  	[sflag:s22] =	ssyncadd.s32 s3;
	_ =	sdelay $0x1  }
0xa1: {  	s23 =	simm.s32 $0x1B8B  }
0xa2: {  	_ =	swait.ge [sflag:s23], $0x1  }
0xa3: {  	[sflag:s23] =	ssyncset.done $0x0  }
0xa4: {  	s25 =	simm.s32 $0x1B8E;
	s24 =	sld [smem:$0x3FFE];
	[sflag:s23] =	ssyncadd.s32 $0xFFFFFFFF  }
0xa5: {  	s26 =	simm.s32 $execute0_lowered;
	[smem:$0x3FD2] =	sst s25  }
0xa6: {  	s4 =	sshll.u32 s26, $0x1;
	_ =	strace $0x80000046;
	[dreg:$0x1] =	wrdreg $0xFFFFFFFF  }
0xa7: {  	s28 =	simm.s32 $_size_execute0_lowered;
	s2 =	sadd.s32 s2, s4;
	[dreg:$0x0] =	wrdreg $0x0  }
0xa8: {  	s4 =	sshll.u32 s28, $0x1;
	[dreg:$0x2] =	wrdreg s2  }
0xa9: {  	[dreg:$0x3] =	wrdreg s4  }
0xaa: {  	[dreg:$0x4] =	wrdreg $0xC0  }
0xab: {  	_ =	task [dreg:s6], $0x5FFFF  }
0xac: {  	[dreg:$0x1] =	wrdreg $0xFFFFFFFF  }
0xad: {  	[dreg:$0x0] =	wrdreg $0x60  }
0xae: {  	[dreg:$0x2] =	wrdreg s24  }
0xaf: {  	[dreg:$0x3] =	wrdreg $0x9  }
0xb0: {  	_ =	task.clear_ibuf [dreg:s6], $0x4FFFF;
	_ =	strace $0x90000046  }
0xb1: {  	s29 =	simm.s32 $0x9;
	_ =	strace $0x80000048  }
0xb2: {  	_ =	swait.ge [sflag:s29], $0x1  }
0xb3: {  	[sflag:s29] =	ssyncadd.s32 $0xFFFFFFFF  }
0xb4: {  	_ =	strace $0x90000048  }
0xb5: {  	_ =	sfence  }
0xb6: {  	s30 =	sld [smem:$0x0];
	_ =	sdelay $0x2  }
0xb7: {  	s31 =	sshll.u32 s1, $0xD;
	s1 =	sshrl.u32 s1, $0x2  }
0xb8: {  	s3 =	sand.u32 $0x4000, s31;
	s1 =	sadd.s32 s1, s30  }
0xb9: {  	s0 =	sor.u32 s3, s0;
	s1 =	sshll.u32 s1, $0x11  }
0xba: {  	s0 =	sor.u32 s1, s0  }
0xbb: {  	s0 =	sadd.s32 $0x8F2B, s0  }
0xbc: {  	[sflag:s0] =	ssyncadd.remote.s32 $0x1  }
0xbd: {  	_ =	sfence.sel $0xFFFF  }
0xbe: {  	[dreg:$0x0] =	wrdreg $0xFFFFFFFF;
	(pc) =	sbr.abs _section_cstart, $3  }
0xbf: {  	[dreg:$0x1] =	wrdreg $0xFFFFFFFF  }
0xc0: {  	_ =	task.clear_ibuf [dreg:s6], $0x2FFFF;
	_ =	strace $0x9FFFFFFF  }
0xc1: {  	(tm) =	ssettm $0x7FFFFFFF  }
tec
execute0_lowered:
.L_overlay_start_1:
0x0: {  	(tag) =	ssettag $0x1  }
0x1: {  	s0 =	srdreg.scid  }
0x2: {  	s4 =	rddreg [dreg:$0x0];
	s3 =	sand.u32 $0x1, s0;
	s0 =	stileid.u32  }
0x3: {  	s9 =	simm.s32 $0x18F00;
	s1 =	sshll.u32 s3, $0x4;
	s6 =	sshll.u32 s0, $0x7  }
0x4: {  	s7 =	smul.u32 $0x9E0, s0;
	s28 =	ssub.s32 $0x2, s3;
	s2 =	sor.u32 s0, s1  }
0x5: {  	s8 =	smul.u32 $0x1400, s3;
	s1 =	rddreg [dreg:$0x1];
	s5 =	sshrl.u32 s2, $0x3  }
0x6: {  	s6 =	sand.u32 $0x380, s6;
	s30 =	sshrl.u32 s28, $0x1;
	s5 =	smul.u32 $0xA000, s5  }
0x7: {  	s2 =	simm.s32 $0x0;
	s29 =	sadd.s32 s7, s4;
	s31 =	sadd.s32 $0x1400, s8  }
0x8: {  	v0 =	vmov s8;
	s7 =	simm.s32 $0x80;
	s8 =	simm.s32 $0x400;
	s5 =	sor.u32 s6, s5  }
0x9: {  	[smem:$0x7FF] =	sst s2;
	s3 =	sadd.s32 $0x3400, s29;
	s5 =	sshrl.u32 s5, $0x3  }
0xa: {  	v3 =	vlaneseq.u32;
	v2 =	vimm.f32 $0.0e+00;
	_ =	strace $0x80000047;
	s4 =	sadd.s32 s5, s4;
	s5 =	ssub.s32 s28, s30  }
0xb: {  	v4 =	vimm.f32 $1.000000000e+00;
	v3 =	vmul.u32 $0x1400, v3;
	v1 =	vmov s31;
	s6 =	simm.s32 $0x1;
	s4 =	sadd.s32 $0xD200, s4;
	s5 =	smax.u32 s5, $0x1  }
.LBB2_1:
0xc: {  	s10 =	simm.s32 $0x40;
	s11 =	simm.s32 $0x0  }
.LBB2_2:
0xd: {  	p0 =	sne.s32 s10, $0x4FFC0;
	[tilespmem:s11+$0x4F00] =	vst v2;
	s11 =	smov.u32 s10;
	s10 =	sadd.s32 $0x40, s10  }
.Ltmp0:
0xe: {  	(pc) =	sbr.rel @p0 .LBB2_2-.Ltmp0, $2  }
0xf: {  	_ =	sdelay $0x2  }
0x10: {  	s11 =	sshra.s32 s11, $0x2  }
0x11: {  	[tilespmem:s11+$0x4F00] =	vst v2;
	s10 =	simm.s32 $0x0  }
0x12: {  	[tilespmem:s10], [sflag:$0x1] =	stream.linear.gather [hbm4b:s3+s10], $0x4F00, $0x38;
	[tilespmem:$0x1A300] =	vst v63  }
0x13: {  	_ =	swait.ge [sflag:s6], $0x4F00  }
0x14: {  	[sflag:s6] =	ssyncset.done $0x0  }
0x15: {  	s11 =	simm.s32 $0x0;
	[sflag:s6] =	ssyncadd.s32 $0xFFFFB100  }
.LBB2_4:
0x16: {  	s12 =	sshra.s32 s11, $0x2  }
0x17: {  	v5 =	vld [tilespmem:s12+$0x0];
	_ =	sdelay $0x4  }
0x18: {  	vm0 =	vge.s32 v5, v0;
	vm1 =	vlt.s32 v5, v1;
	v5 =	vsub.s32 v5, v0  }
0x19: {  	vm0 =	vmand vm0, vm1;
	v5 =	vadd.s32 v3, v5  }
0x1a: {  	p0 =	sne.s32 s11, $0x13BC0;
	v5 =	vsel vm0, v5, v3  }
.Ltmp1:
0x1b: {  	_ = 	snop;
	(pc) =	sbr.rel @p0 .LBB2_4-.Ltmp1, $3  }
0x1c: {  	_ =	sdelay $0x1  }
0x1d: {  	s12 =	simm.s32 $0x4F00  }
0x1e: {  	s11 =	sadd.s32 $0x40, s11;
	[tilespmem:v5+s12+$0x0] =	vst.idx.add.f32.msk vm0, v4  }
0x1f: {  	s10 =	sand.u32 $0x1FF0, s10;
	v6 =	vld [tilespmem:s12+$0x0]  }
0x20: {  	v5 =	vld [tilespmem:s10+$0x6300];
	_ =	sdelay $0x1  }
0x21: {  	v7 =	vld [tilespmem:s10+$0x7700];
	_ =	sdelay $0x1  }
0x22: {  	v8 =	vld [tilespmem:s10+$0x8B00]  }
0x23: {  	v5 =	vadd.f32 v5, v6  }
0x24: {  	v6 =	vld [tilespmem:s10+$0x9F00]  }
0x25: {  	v5 =	vadd.f32 v7, v5  }
0x26: {  	v7 =	vld [tilespmem:s10+$0xB300]  }
0x27: {  	v5 =	vadd.f32 v8, v5  }
0x28: {  	v60 =	vld [tilespmem:s10+$0xC700]  }
0x29: {  	v5 =	vadd.f32 v6, v5  }
0x2a: {  	v6 =	vld [tilespmem:s10+$0xDB00]  }
0x2b: {  	v5 =	vadd.f32 v7, v5  }
0x2c: {  	v7 =	vld [tilespmem:s10+$0xEF00]  }
0x2d: {  	v5 =	vadd.f32 v60, v5  }
0x2e: {  	v61 =	vld [tilespmem:s10+$0x10300]  }
0x2f: {  	v5 =	vadd.f32 v6, v5  }
0x30: {  	v6 =	vld [tilespmem:s10+$0x11700]  }
0x31: {  	v5 =	vadd.f32 v7, v5  }
0x32: {  	v7 =	vld [tilespmem:s10+$0x12B00]  }
0x33: {  	v5 =	vadd.f32 v61, v5  }
0x34: {  	v62 =	vld [tilespmem:s10+$0x13F00]  }
0x35: {  	v5 =	vadd.f32 v6, v5  }
0x36: {  	v6 =	vld [tilespmem:s10+$0x15300]  }
0x37: {  	v5 =	vadd.f32 v7, v5  }
0x38: {  	v7 =	vld [tilespmem:s10+$0x16700]  }
0x39: {  	v5 =	vadd.f32 v62, v5  }
0x3a: {  	v63 =	vld [tilespmem:s10+$0x17B00]  }
0x3b: {  	v5 =	vadd.f32 v6, v5;
	_ =	sdelay $0x1  }
0x3c: {  	v5 =	vadd.f32 v7, v5;
	_ =	sdelay $0x1  }
0x3d: {  	v5 =	vadd.f32 v63, v5  }
0x3e: {  	s11 =	simm.s32 $0x10;
	s10 =	simm.s32 $0x18F00  }
0x3f: {  	s11 =	sand.u32 $0x1FF0, s11;
	[tilespmem:s10+$0x0] =	vst v5  }
0x40: {  	s13 =	simm.s32 $0x20;
	s12 =	simm.s32 $0x4F10;
	v5 =	vld [tilespmem:s11+$0x6300]  }
.LBB2_6:
0x41: {  	p0 =	sne.s32 s13, $0x13F0;
	v6 =	vld [tilespmem:s12+$0x0];
	_ =	sdelay $0x1  }
0x42: {  	v7 =	vld [tilespmem:s11+$0x7700];
	_ =	sdelay $0x1  }
0x43: {  	v8 =	vld [tilespmem:s11+$0x8B00]  }
0x44: {  	v5 =	vadd.f32 v5, v6  }
0x45: {  	v6 =	vld [tilespmem:s11+$0x9F00]  }
0x46: {  	v5 =	vadd.f32 v7, v5  }
0x47: {  	v7 =	vld [tilespmem:s11+$0xB300]  }
0x48: {  	v5 =	vadd.f32 v8, v5  }
0x49: {  	v8 =	vld [tilespmem:s11+$0xC700]  }
0x4a: {  	v5 =	vadd.f32 v6, v5  }
0x4b: {  	v6 =	vld [tilespmem:s11+$0xDB00]  }
0x4c: {  	v5 =	vadd.f32 v7, v5  }
0x4d: {  	v7 =	vld [tilespmem:s11+$0xEF00]  }
0x4e: {  	v5 =	vadd.f32 v8, v5  }
0x4f: {  	v8 =	vld [tilespmem:s11+$0x10300]  }
0x50: {  	v5 =	vadd.f32 v6, v5  }
0x51: {  	v6 =	vld [tilespmem:s11+$0x11700]  }
0x52: {  	v5 =	vadd.f32 v7, v5  }
0x53: {  	v7 =	vld [tilespmem:s11+$0x12B00]  }
0x54: {  	v5 =	vadd.f32 v8, v5  }
0x55: {  	v8 =	vld [tilespmem:s11+$0x13F00]  }
0x56: {  	v5 =	vadd.f32 v6, v5  }
0x57: {  	v6 =	vld [tilespmem:s11+$0x15300]  }
0x58: {  	v5 =	vadd.f32 v7, v5  }
0x59: {  	v7 =	vld [tilespmem:s11+$0x16700]  }
0x5a: {  	v5 =	vadd.f32 v8, v5  }
0x5b: {  	v8 =	vld [tilespmem:s11+$0x17B00]  }
0x5c: {  	v5 =	vadd.f32 v6, v5;
	_ =	sdelay $0x1  }
0x5d: {  	v5 =	vadd.f32 v7, v5  }
.Ltmp2:
0x5e: {  	(pc) =	sbr.rel @p0 .LBB2_6-.Ltmp2, $4  }
0x5f: {  	v5 =	vadd.f32 v8, v5  }
0x60: {  	s10 =	sadd.s32 $0x10, s10  }
0x61: {  	s11 =	sand.u32 $0x1FF0, s13;
	[tilespmem:s10+$0x0] =	vst v5  }
0x62: {  	s12 =	sadd.s32 $0x10, s12;
	s13 =	sadd.s32 $0x10, s13;
	v5 =	vld [tilespmem:s11+$0x6300]  }
0x63: {  	v6 =	vld [tilespmem:s12+$0x0];
	_ =	sdelay $0x1  }
0x64: {  	v7 =	vld [tilespmem:s11+$0x7700];
	_ =	sdelay $0x1  }
0x65: {  	v8 =	vld [tilespmem:s11+$0x8B00]  }
0x66: {  	v5 =	vadd.f32 v5, v6  }
0x67: {  	v6 =	vld [tilespmem:s11+$0x9F00]  }
0x68: {  	v5 =	vadd.f32 v7, v5  }
0x69: {  	v7 =	vld [tilespmem:s11+$0xB300]  }
0x6a: {  	v5 =	vadd.f32 v8, v5  }
0x6b: {  	v60 =	vld [tilespmem:s11+$0xC700]  }
0x6c: {  	v5 =	vadd.f32 v6, v5  }
0x6d: {  	v6 =	vld [tilespmem:s11+$0xDB00]  }
0x6e: {  	v5 =	vadd.f32 v7, v5  }
0x6f: {  	v7 =	vld [tilespmem:s11+$0xEF00]  }
0x70: {  	v5 =	vadd.f32 v60, v5  }
0x71: {  	v61 =	vld [tilespmem:s11+$0x10300]  }
0x72: {  	v5 =	vadd.f32 v6, v5  }
0x73: {  	v6 =	vld [tilespmem:s11+$0x11700]  }
0x74: {  	v5 =	vadd.f32 v7, v5  }
0x75: {  	v7 =	vld [tilespmem:s11+$0x12B00]  }
0x76: {  	v5 =	vadd.f32 v61, v5  }
0x77: {  	v62 =	vld [tilespmem:s11+$0x13F00]  }
0x78: {  	v5 =	vadd.f32 v6, v5  }
0x79: {  	v6 =	vld [tilespmem:s11+$0x15300]  }
0x7a: {  	v5 =	vadd.f32 v7, v5  }
0x7b: {  	v7 =	vld [tilespmem:s11+$0x16700]  }
0x7c: {  	v5 =	vadd.f32 v62, v5  }
0x7d: {  	v63 =	vld [tilespmem:s11+$0x17B00]  }
0x7e: {  	v5 =	vadd.f32 v6, v5;
	_ =	sdelay $0x1  }
0x7f: {  	v5 =	vadd.f32 v7, v5;
	_ =	sdelay $0x1  }
0x80: {  	s2 =	sadd.s32 $0x1, s2;
	v5 =	vadd.f32 v63, v5  }
0x81: {  	s10 =	sadd.s32 $0x10, s10;
	p0 =	sne.s32 s2, s5  }
.Ltmp3:
0x82: {  	[tilespmem:s10+$0x0] =	vst v5;
	(pc) =	sbr.rel @p0 .LBB2_1-.Ltmp3, $4  }
0x83: {  	[hbm4b:s4+s7] =	stream.strided.scatter [tilespmem:s9], [sflag:$0x1], $0x1400, s8, s7, $0x38;
	[tilespmem:$0x1A300] =	vst v63  }
0x84: {  	_ =	swait.ge [sflag:s6], $0x1400  }
0x85: {  	[sflag:s6] =	ssyncset.done $0x0  }
0x86: {  	[sflag:s6] =	ssyncadd.s32 $0xFFFFEC00  }
0x87: {  	_ =	sfence.sel $0x180000  }
0x88: {  	[bflag:$0x0] =	sbarrier.arrive $0xFFFF  }
0x89: {  	p0 =	sne.s32 s0, $0x0;
	_ =	strace $0x90000047  }
0x8a: {  	s0 =	sadd.s32 @!p0 $0x100000, s1;
	[bflag:$0x2] =	sbarrier.arrive $0xFFFF  }
0x8b: {  	[sflag:s0] =	ssyncadd.tile.s32 @!p0 $0x1;
	_ =	shalt  }
.Lfunc_end2:
_tile_overlayer_lowered:
.L_overlay_start_2:
0x8c: {  	(tag) =	ssettag $0x2  }
0x8d: {  	s0 =	rddreg [dreg:$0x0];
	s2 =	stileid.u32  }
0x8e: {  	s1 =	rddreg [dreg:$0x1];
	p0 =	sne.s32 s2, $0x0  }
0x8f: {  	s3 =	rddreg [dreg:$0x2];
	[bflag:$0x3] =	sbarrier.arrive $0xFFFF;
	s2 =	simm.s32 @!p0 $0x1C01  }
0x90: {  	[timem:s3], [sflag:s2] =	dma.local @!p0 [hbm:s0], s1  }
0x91: {  	s0 =	simm.s32 @!p0 $0x1  }
0x92: {  	_ =	swait.ge @!p0 [sflag:s0], s1  }
0x93: {  	s1 =	ssub.s32 @!p0 $0x0, s1;
	[sflag:s0] =	ssyncset.done @!p0 $0x0  }
0x94: {  	[sflag:s0] =	ssyncadd.s32 @!p0 s1  }
0x95: {  	[bflag:$0x3] =	sbarrier.arrive $0xFFFF  }
0x96: {  	_ =	shalt  }

</sc_bundles>
